<compile_context>
chip_gen: v7x
topology: tpu7x:2x2x1
jax: 0.10.2.dev20260603
libtpu: 0.0.44.dev20260713+nightly
codegen_flags: <defaults>
</compile_context>

<pallas_src>
import functools

import jax
import jax.numpy as jnp
from jax import lax
from jax.experimental import pallas as pl
from jax.experimental.pallas import tpu as pltpu
from jax.experimental.pallas import tpu_sc as plsc

N = 100000
E = 3200000
D_IN = 128
H = 16

NC = 2
NS = 16
NW = NC * NS

R = 2048
GRID = 49
NP = R * GRID
NSL = NP // NS

EP = 3276800
EPR = EP // 128
RPW = EPR // NW
CHR = 8
DTIT = RPW // CHR // 2
SCH = 4
CPW = RPW // SCH
TIT = CPW // 2


def _leaky(v):
    return jnp.where(v >= 0, v, 0.01 * v)


def _dyn_weight(wih3, bih2, bhh2, mem2, wtw3, wtb2):
    m3 = mem2.reshape(1, 1, H)
    gi = jnp.sum(wih3 * m3, axis=-1) + bih2
    r = jax.nn.sigmoid(gi[0:1] + bhh2[0:1])
    z = jax.nn.sigmoid(gi[1:2] + bhh2[1:2])
    n = jnp.tanh(gi[2:3] + r * bhh2[2:3])
    upd = (1.0 - z) * n
    return jnp.sum(wtw3 * upd.reshape(1, 1, H), axis=-1) + wtb2


def _dis_from_deg(degr):
    deg = degr[0, :] + degr[1, :] + 1.0
    return lax.rsqrt(deg)



RP = R // 8
MP = NP // 8


_HI = lax.Precision.HIGHEST


def _bf(v):
    return v.astype(jnp.bfloat16).astype(jnp.float32)


def _disp_from_deg3(deg3r, s8r):
    deg = deg3r[0] + deg3r[1] + 1.0
    return lax.dot_general(lax.rsqrt(deg), s8r, (((1,), (0,)), ((), ())),
                           precision=_HI,
                           preferred_element_type=jnp.float32)


def _bd(nwt, t8r, t8tr, m8r):
    a = lax.dot_general(t8r, nwt, (((1,), (0,)), ((), ())), precision=_HI,
                        preferred_element_type=jnp.float32)
    b = lax.dot_general(a, t8tr, (((1,), (0,)), ((), ())), precision=_HI,
                        preferred_element_type=jnp.float32)
    return b * m8r


def _tc_mlp_body(xr, w1r, b1r, w2r, b2r, outr):
    h = _leaky(lax.dot_general(xr[...], w1r[...], (((1,), (1,)), ((), ())),
                               precision=_HI,
                               preferred_element_type=jnp.float32) + b1r[...])
    outr[...] = _leaky(lax.dot_general(h, w2r[...], (((1,), (1,)), ((), ())),
                                       precision=_HI,
                                       preferred_element_type=jnp.float32)
                       + b2r[...])


def _tc_scale_body(hr, deg3r, s8r, wih3, bih2, bhh2, mem2, wtw3t, wtb2t, outr):
    disp = _disp_from_deg3(deg3r[...], s8r[...])
    nwt = _dyn_weight(wih3[...], bih2[...], bhh2[...], mem2[...], wtw3t[...],
                      wtb2t[...])
    xw = lax.dot_general(hr[...], nwt, (((1,), (0,)), ((), ())),
                         precision=_HI,
                         preferred_element_type=jnp.float32)
    xw3 = jnp.reshape(xw, (RP, 8, H))
    xwp = jnp.concatenate([xw3[:, a, :] for a in range(8)], axis=1)
    outr[...] = disp * xwp


def _tc_mid_body(pr, xwr, deg3r, s8r, t8r, t8tr, m8r, gbr, wih3, bih2, bhh2,
                 mem2, wtw3t, wtb2t, outr):
    disp = _disp_from_deg3(deg3r[...], s8r[...])
    hp = _leaky(disp * (pr[0] + pr[1] + xwr[...]) + gbr[...])
    nwt = _dyn_weight(wih3[...], bih2[...], bhh2[...], mem2[...], wtw3t[...],
                      wtb2t[...])
    bd = _bd(nwt, t8r[...], t8tr[...], m8r[...])
    xw = lax.dot_general(hp, bd, (((1,), (0,)), ((), ())), precision=_HI,
                         preferred_element_type=jnp.float32)
    outr[...] = disp * xw


def _tc_out_body(qr, xwr, deg3r, s8r, gbr, outr):
    disp = _disp_from_deg3(deg3r[...], s8r[...])
    outr[...] = _leaky(disp * (qr[0] + qr[1] + xwr[...]) + gbr[...])


def _full(shape):
    return pl.BlockSpec(shape, lambda i: tuple(0 for _ in shape))


def _tc_mlp(x, W1, b1, W2, b2):
    return pl.pallas_call(
        _tc_mlp_body,
        grid=(GRID,),
        in_specs=[
            pl.BlockSpec((R, D_IN), lambda i: (i, 0)),
            _full((256, D_IN)), _full((1, 256)),
            _full((H, 256)), _full((1, H)),
        ],
        out_specs=pl.BlockSpec((R, H), lambda i: (i, 0)),
        out_shape=jax.ShapeDtypeStruct((NP, H), jnp.float32),
    )(x, W1, b1.reshape(1, 256), W2, b2.reshape(1, H))


def _tc_scale(h0, deg3, s8, g1t):
    return pl.pallas_call(
        _tc_scale_body,
        grid=(GRID,),
        in_specs=[
            pl.BlockSpec((R, H), lambda i: (i, 0)),
            pl.BlockSpec((NC, RP, 8), lambda i: (0, i, 0)),
            _full((8, 128)),
            _full((3, H, H)), _full((3, H)), _full((3, H)), _full((1, H)),
            _full((H, H, H)), _full((H, H)),
        ],
        out_specs=pl.BlockSpec((RP, 128), lambda i: (i, 0)),
        out_shape=jax.ShapeDtypeStruct((MP, 128), jnp.float32),
    )(h0, deg3, s8, *g1t)


def _tc_mid(pp, xwp, deg3, s8, t8, t8t, m8, gb, g2t):
    return pl.pallas_call(
        _tc_mid_body,
        grid=(GRID,),
        in_specs=[
            pl.BlockSpec((NC, RP, 128), lambda i: (0, i, 0)),
            pl.BlockSpec((RP, 128), lambda i: (i, 0)),
            pl.BlockSpec((NC, RP, 8), lambda i: (0, i, 0)),
            _full((8, 128)), _full((128, H)), _full((H, 128)),
            _full((128, 128)), _full((1, 128)),
            _full((3, H, H)), _full((3, H)), _full((3, H)), _full((1, H)),
            _full((H, H, H)), _full((H, H)),
        ],
        out_specs=pl.BlockSpec((RP, 128), lambda i: (i, 0)),
        out_shape=jax.ShapeDtypeStruct((MP, 128), jnp.float32),
    )(pp, xwp, deg3, s8, t8, t8t, m8, gb, *g2t)


def _tc_out(qp, xwp, deg3, s8, gb):
    return pl.pallas_call(
        _tc_out_body,
        grid=(GRID,),
        in_specs=[
            pl.BlockSpec((NC, RP, 128), lambda i: (0, i, 0)),
            pl.BlockSpec((RP, 128), lambda i: (i, 0)),
            pl.BlockSpec((NC, RP, 8), lambda i: (0, i, 0)),
            _full((8, 128)), _full((1, 128)),
        ],
        out_specs=pl.BlockSpec((RP, 128), lambda i: (i, 0)),
        out_shape=jax.ShapeDtypeStruct((MP, 128), jnp.float32),
    )(qp, xwp, deg3, s8, gb)



def _sc_mesh():
    return plsc.VectorSubcoreMesh(core_axis_name="c", subcore_axis_name="s",
                                  num_cores=NC, num_subcores=NS)


@functools.cache
def _build_sc_degree():
    @functools.partial(
        pl.kernel,
        out_type=jax.ShapeDtypeStruct((NC * NP,), jnp.float32),
        mesh=_sc_mesh(),
        scratch_types=[
            pltpu.VMEM_SHARED((NP,), jnp.float32),
            pltpu.VMEM((CHR, 128), jnp.int32),
            pltpu.VMEM((CHR, 128), jnp.int32),
            pltpu.VMEM((128,), jnp.float32),
            pltpu.SemaphoreType.DMA,
            pltpu.SemaphoreType.DMA,
        ],
    )
    def sc_degree(colp2, zrow, ones128, degp, shared_deg, colva, colvb,
                  onesv, sema, semb):
        c = lax.axis_index("c")
        s = lax.axis_index("s")
        wid = s * NC + c
        pltpu.sync_copy(ones128, onesv)
        pltpu.sync_copy(zrow, shared_deg.at[pl.ds(s * NSL, NSL)])
        plsc.subcore_barrier()

        def body(t, carry):
            base = wid * RPW + t * 2 * CHR
            pltpu.sync_copy(colp2.at[pl.ds(base, CHR)], colva)
            da = [
                pltpu.async_copy(onesv, shared_deg.at[colva.at[j]], sema,
                                 add=True)
                for j in range(CHR)
            ]
            pltpu.sync_copy(colp2.at[pl.ds(base + CHR, CHR)], colvb)
            db = [
                pltpu.async_copy(onesv, shared_deg.at[colvb.at[j]], semb,
                                 add=True)
                for j in range(CHR)
            ]
            for d in da:
                d.wait()
            for d in db:
                d.wait()
            return carry

        lax.fori_loop(0, DTIT, body, 0)
        plsc.subcore_barrier()
        pltpu.sync_copy(shared_deg.at[pl.ds(s * NSL, NSL)],
                        degp.at[pl.ds(c * NP + s * NSL, NSL)])

    return sc_degree


@functools.cache
def _build_sc_scatter():
    @functools.partial(
        pl.kernel,
        out_type=jax.ShapeDtypeStruct((NC * NP, H), jnp.float32),
        mesh=_sc_mesh(),
        compiler_params=pltpu.CompilerParams(use_tc_tiling_on_sc=False),
        scratch_types=[
            pltpu.VMEM_SHARED((NP, H), jnp.float32),
            pltpu.VMEM((2 * SCH, 128), jnp.int32),
            pltpu.VMEM((2 * SCH, 128), jnp.int32),
            pltpu.VMEM((SCH, 128, H), jnp.float32),
            pltpu.VMEM((SCH, 128, H), jnp.float32),
            pltpu.SemaphoreType.DMA,
            pltpu.SemaphoreType.DMA,
            pltpu.SemaphoreType.DMA,
            pltpu.SemaphoreType.DMA,
        ],
    )
    def sc_scatter(pkd, table, zblk, pout, shared_agg, rcva, rcvb, gata, gatb,
                   semga, semgb, semsa, semsb):
        c = lax.axis_index("c")
        s = lax.axis_index("s")
        wid = s * NC + c
        pltpu.sync_copy(zblk, shared_agg.at[pl.ds(s * NSL, NSL)])
        plsc.subcore_barrier()

        def body(t, carry):
            base = (wid * CPW + 2 * t) * 2 * SCH
            pltpu.sync_copy(pkd.at[pl.ds(base, 2 * SCH)], rcva)
            ga = [
                pltpu.async_copy(table.at[rcva.at[j]], gata.at[j], semga)
                for j in range(SCH)
            ]
            pltpu.sync_copy(pkd.at[pl.ds(base + 2 * SCH, 2 * SCH)], rcvb)
            gb = [
                pltpu.async_copy(table.at[rcvb.at[j]], gatb.at[j], semgb)
                for j in range(SCH)
            ]
            for d in ga:
                d.wait()
            sa = [
                pltpu.async_copy(gata.at[j], shared_agg.at[rcva.at[SCH + j]],
                                 semsa, add=True)
                for j in range(SCH)
            ]
            for d in gb:
                d.wait()
            sb = [
                pltpu.async_copy(gatb.at[j], shared_agg.at[rcvb.at[SCH + j]],
                                 semsb, add=True)
                for j in range(SCH)
            ]
            for d in sa:
                d.wait()
            for d in sb:
                d.wait()
            return carry

        lax.fori_loop(0, TIT, body, 0)
        plsc.subcore_barrier()
        pltpu.sync_copy(shared_agg.at[pl.ds(s * NSL, NSL)],
                        pout.at[pl.ds(c * NP + s * NSL, NSL)])

    return sc_scatter



def kernel(x, edge_index, W1, b1, W2, b2, gru1_wih, gru1_whh, gru1_bih,
           gru1_bhh, wt1_w, wt1_b, gcn1_b, mem1, gru2_wih, gru2_whh, gru2_bih,
           gru2_bhh, wt2_w, wt2_b, gcn2_b, mem2, Wp, bp):
    row = edge_index[0]
    col = edge_index[1]
    pad = EP - E
    ar = jnp.arange(pad, dtype=jnp.int32)
    rowp2 = jnp.concatenate([row, ar % N]).reshape(EPR, 128)
    colp2 = jnp.concatenate([col, N + ar % (NP - N)]).reshape(EPR, 128)
    pkd = jnp.concatenate(
        [rowp2.reshape(-1, SCH, 128), colp2.reshape(-1, SCH, 128)],
        axis=1).reshape(-1, 128)

    zrow = jnp.zeros((NSL,), jnp.float32)
    zblk = jnp.zeros((NSL, H), jnp.float32)
    ones128 = jnp.ones((128,), jnp.float32)

    g1t = (gru1_wih.reshape(3, H, H), gru1_bih.reshape(3, H),
           gru1_bhh.reshape(3, H), mem1.reshape(1, H),
           wt1_w.reshape(H, H, H).transpose(1, 0, 2),
           wt1_b.reshape(H, H).T)
    g2t = (gru2_wih.reshape(3, H, H), gru2_bih.reshape(3, H),
           gru2_bhh.reshape(3, H), mem2.reshape(1, H),
           wt2_w.reshape(H, H, H).transpose(1, 0, 2),
           wt2_b.reshape(H, H).T)

    l128 = jnp.arange(128, dtype=jnp.int32)
    s8 = (l128[None, :] // 16 == jnp.arange(8, dtype=jnp.int32)[:, None]
          ).astype(jnp.float32)
    t8 = (l128[:, None] % 16 == jnp.arange(H, dtype=jnp.int32)[None, :]
          ).astype(jnp.float32)
    t8t = t8.T
    m8 = (l128[:, None] // 16 == l128[None, :] // 16
          ).astype(jnp.float32)

    degp = _build_sc_degree()(colp2, zrow, ones128)
    deg3 = degp.reshape(NC, MP, 8)
    h0 = _tc_mlp(x, W1, b1, W2, b2)

    xw1p = _tc_scale(h0, deg3, s8, g1t)
    sc_scatter = _build_sc_scatter()
    p = sc_scatter(pkd, xw1p.reshape(NP, H), zblk)
    pp = p.reshape(NC, MP, 128)
    xw2p = _tc_mid(pp, xw1p, deg3, s8, t8, t8t, m8,
                   jnp.tile(gcn1_b, 8).reshape(1, 128), g2t)
    q = sc_scatter(pkd, xw2p.reshape(NP, H), zblk)
    qp = q.reshape(NC, MP, 128)

    h2p = _tc_out(qp, xw2p, deg3, s8, jnp.tile(gcn2_b, 8).reshape(1, 128))
    h2 = h2p.reshape(NP, H)[:N]
    return jnp.sum(h2 @ Wp.T + bp, axis=-1)

# --- scband reference (transcript-rebuilt; emitter-appended) ---
"""Pipeline reference for scband-dy-fraud-net-53266184405473 (READ-ONLY COPY).

The authoritative reference and input builder live on the scoring server;
editing this copy changes nothing except your own understanding.
"""

import jax, jax.numpy as jnp
import numpy as np

N = 100000
E = 3200000
D_IN = 128
H = 16

def _leaky(x):
    return jnp.where(x >= 0, x, 0.01 * x)

def _gru_cell(x, h, wih, whh, bih, bhh):
    gi = x @ wih.T + bih
    gh = h @ whh.T + bhh
    i_r, i_z, i_n = jnp.split(gi, 3, axis=-1)
    h_r, h_z, h_n = jnp.split(gh, 3, axis=-1)
    r = jax.nn.sigmoid(i_r + h_r)
    z = jax.nn.sigmoid(i_z + h_z)
    n = jnp.tanh(i_n + r * h_n)
    return (1.0 - z) * n + z * h

def _evolve_gcn(h, row, col, norm, mem, wih, whh, bih, bhh, wt_w, wt_b, gcn_b):
    m = mem[None, :]
    upd = _gru_cell(m, jnp.zeros_like(m), wih, whh, bih, bhh)[0]
    new_w = (upd @ wt_w.T + wt_b).reshape(H, H)
    new_w = jax.lax.stop_gradient(new_w)
    xw = h @ new_w.T
    msg = xw[row] * norm[:, None]
    agg = jnp.zeros((h.shape[0], H), dtype=h.dtype).at[col].add(msg)
    return agg + gcn_b

def setup_inputs(seed: int = 0):
    key = jax.random.key(seed)
    ks = jax.random.split(key, 24)
    inp = {}
    inp['x'] = jax.random.normal(ks[0], (N, D_IN), dtype=jnp.float32)
    inp['edge_index'] = jax.random.randint(ks[1], (2, E), 0, N, dtype=jnp.int32)
    inp['W1'] = jax.random.normal(ks[2], (256, D_IN), dtype=jnp.float32) * 0.05
    inp['b1'] = jnp.zeros((256,), dtype=jnp.float32)
    inp['W2'] = jax.random.normal(ks[3], (H, 256), dtype=jnp.float32) * 0.05
    inp['b2'] = jnp.zeros((H,), dtype=jnp.float32)
    for i, tag in [(4, '1'), (10, '2')]:
        inp['gru' + tag + '_wih'] = jax.random.normal(ks[i], (3 * H, H), dtype=jnp.float32) * 0.1
        inp['gru' + tag + '_whh'] = jax.random.normal(ks[i + 1], (3 * H, H), dtype=jnp.float32) * 0.1
        inp['gru' + tag + '_bih'] = jax.random.normal(ks[i + 2], (3 * H,), dtype=jnp.float32) * 0.1
        inp['gru' + tag + '_bhh'] = jax.random.normal(ks[i + 3], (3 * H,), dtype=jnp.float32) * 0.1
        inp['wt' + tag + '_w'] = jax.random.normal(ks[i + 4], (H * H, H), dtype=jnp.float32) * 0.1
        inp['wt' + tag + '_b'] = jax.random.normal(ks[i + 5], (H * H,), dtype=jnp.float32) * 0.1
        inp['gcn' + tag + '_b'] = jnp.zeros((H,), dtype=jnp.float32)
        inp['mem' + tag] = jnp.zeros((H,), dtype=jnp.float32)
    inp['Wp'] = jax.random.normal(ks[16], (2, H), dtype=jnp.float32) * 0.1
    inp['bp'] = jnp.zeros((2,), dtype=jnp.float32)
    return inp

def reference(x, edge_index, W1, b1, W2, b2, gru1_wih, gru1_whh, gru1_bih, gru1_bhh, wt1_w, wt1_b, gcn1_b, mem1, gru2_wih, gru2_whh, gru2_bih, gru2_bhh, wt2_w, wt2_b, gcn2_b, mem2, Wp, bp):
    n = x.shape[0]
    loops = jnp.arange(n, dtype=edge_index.dtype)
    row = jnp.concatenate([edge_index[0], loops])
    col = jnp.concatenate([edge_index[1], loops])
    deg = jnp.zeros((n,), dtype=x.dtype).at[col].add(1.0)
    dis = jnp.where(deg > 0, deg ** -0.5, 0.0)
    norm = dis[row] * dis[col]
    h = _leaky(x @ W1.T + b1)
    h = _leaky(h @ W2.T + b2)
    h = _leaky(_evolve_gcn(h, row, col, norm, mem1, gru1_wih, gru1_whh, gru1_bih, gru1_bhh, wt1_w, wt1_b, gcn1_b))
    h = _leaky(_evolve_gcn(h, row, col, norm, mem2, gru2_wih, gru2_whh, gru2_bih, gru2_bhh, wt2_w, wt2_b, gcn2_b))
    h = h @ Wp.T + bp
    return jnp.sum(h, axis=-1)

if __name__ == "__main__":
    import jax
    _d = setup_inputs()
    print(jax.jit(kernel)(*tuple(_d.values())))

</pallas_src>

<mosaic_0001>
#map = affine_map<(d0, d1) -> (0, 0)>
#map1 = affine_map<(d0, d1) -> (0)>
module attributes {stable_mosaic.version = 14 : i64} {
  func.func @sc_degree(%arg0: i32, %arg1: i32, %arg2: memref<25600x128xi32, #tpu.memory_space<hbm>>, %arg3: memref<6272xf32, #tpu.memory_space<hbm>>, %arg4: memref<128xf32, #tpu.memory_space<hbm>>, %arg5: memref<200704xf32, #tpu.memory_space<hbm>>, %arg6: memref<100352xf32, #tpu.memory_space<vmem_shared>>, %arg7: memref<8x128xi32, #tpu.memory_space<vmem>>, %arg8: memref<8x128xi32, #tpu.memory_space<vmem>>, %arg9: memref<128xf32, #tpu.memory_space<vmem>>, %arg10: memref<!tpu.dma_semaphore, #tpu.memory_space<semaphore_mem>>, %arg11: memref<!tpu.dma_semaphore, #tpu.memory_space<semaphore_mem>>) attributes {dimension_semantics = [#tpu.dimension_semantics<core_parallel>, #tpu.dimension_semantics<subcore_parallel>], iteration_bounds = array<i64: 2, 16>, scalar_prefetch = 0 : i64, scratch_operands = 6 : i64, tpu.core_type = #tpu.core_type<sc_vector_subcore>, window_params = [{transform_indices = #map}, {transform_indices = #map1}, {transform_indices = #map1}, {transform_indices = #map1}]} {
    %mul3A = arith.constant 2 : i32
    %mul3A_0 = arith.muli %arg1, %mul3A : i32
    %add3A = arith.addi %mul3A_0, %arg0 : i32
    "tpu.region"() ({
      %run_scoped3A = tpu.sem_alloc : memref<!tpu.dma_semaphore, #tpu.memory_space<semaphore_mem>>
      tpu.enqueue_dma source(%arg4 : memref<128xf32, #tpu.memory_space<hbm>>) target(%arg9 : memref<128xf32, #tpu.memory_space<vmem>>) target_semaphore(%run_scoped3A : memref<!tpu.dma_semaphore, #tpu.memory_space<semaphore_mem>>)
      tpu.wait_dma2 semaphore(%run_scoped3A : memref<!tpu.dma_semaphore, #tpu.memory_space<semaphore_mem>>) src(%arg4 : memref<128xf32, #tpu.memory_space<hbm>>) dst(%arg9 : memref<128xf32, #tpu.memory_space<vmem>>)
      tpu.yield
    }) : () -> ()
    %mul3A_1 = arith.constant 6272 : i32
    %mul3A_2 = arith.muli %arg1, %mul3A_1 : i32
    "tpu.region"() ({
      %run_scoped3A = tpu.sem_alloc : memref<!tpu.dma_semaphore, #tpu.memory_space<semaphore_mem>>
      %dma_start3A = tpu.memref_slice %arg6[%mul3A_2] : memref<100352xf32, #tpu.memory_space<vmem_shared>> -> memref<6272xf32, #tpu.memory_space<vmem_shared>>
      tpu.enqueue_dma source(%arg3 : memref<6272xf32, #tpu.memory_space<hbm>>) target(%dma_start3A : memref<6272xf32, #tpu.memory_space<vmem_shared>>) target_semaphore(%run_scoped3A : memref<!tpu.dma_semaphore, #tpu.memory_space<semaphore_mem>>)
      %dma_wait3A = tpu.memref_slice %arg6[%mul3A_2] : memref<100352xf32, #tpu.memory_space<vmem_shared>> -> memref<6272xf32, #tpu.memory_space<vmem_shared>>
      tpu.wait_dma2 semaphore(%run_scoped3A : memref<!tpu.dma_semaphore, #tpu.memory_space<semaphore_mem>>) src(%arg3 : memref<6272xf32, #tpu.memory_space<hbm>>) dst(%dma_wait3A : memref<6272xf32, #tpu.memory_space<vmem_shared>>)
      tpu.yield
    }) : () -> ()
    %barrier3A = arith.constant 0 : index
    tpu.barrier barrier_id(%barrier3A)
    %scan3A = arith.constant 0 : i32
    %scan3A_3 = arith.constant 0 : i32
    %scan3A_4 = arith.constant 50 : i32
    %scan3A_5 = arith.addi %scan3A_3, %scan3A_4 : i32
    %scan3A_6 = arith.constant 1 : i32
    scf.for %scan3A_16 = %scan3A_3 to %scan3A_5 step %scan3A_6  : i32 {
      %mul3A_17 = arith.constant 800 : i32
      %mul3A_18 = arith.muli %add3A, %mul3A_17 : i32
      %mul3A_19 = arith.constant 2 : i32
      %mul3A_20 = arith.muli %scan3A_16, %mul3A_19 : i32
      %mul3A_21 = arith.constant 8 : i32
      %mul3A_22 = arith.muli %mul3A_20, %mul3A_21 : i32
      %add3A_23 = arith.addi %mul3A_18, %mul3A_22 : i32
      "tpu.region"() ({
        %run_scoped3A = tpu.sem_alloc : memref<!tpu.dma_semaphore, #tpu.memory_space<semaphore_mem>>
        %dma_start3A_216 = arith.constant 0 : i32
        %dma_start3A_217 = tpu.memref_slice %arg2[%add3A_23, %dma_start3A_216] : memref<25600x128xi32, #tpu.memory_space<hbm>> -> memref<8x128xi32, #tpu.memory_space<hbm>>
        %dma_start3A_218 = arith.constant 0 : i32
        %dma_start3A_219 = tpu.memref_slice %arg2[%add3A_23, %dma_start3A_218] : memref<25600x128xi32, #tpu.memory_space<hbm>> -> memref<8x128xi32, #tpu.memory_space<hbm>>
        tpu.enqueue_dma source(%dma_start3A_219 : memref<8x128xi32, #tpu.memory_space<hbm>>) target(%arg7 : memref<8x128xi32, #tpu.memory_space<vmem>>) target_semaphore(%run_scoped3A : memref<!tpu.dma_semaphore, #tpu.memory_space<semaphore_mem>>)
        %dma_wait3A_220 = arith.constant 0 : i32
        %dma_wait3A_221 = tpu.memref_slice %arg2[%add3A_23, %dma_wait3A_220] : memref<25600x128xi32, #tpu.memory_space<hbm>> -> memref<8x128xi32, #tpu.memory_space<hbm>>
        %dma_wait3A_222 = arith.constant 0 : i32
        %dma_wait3A_223 = tpu.memref_slice %arg2[%add3A_23, %dma_wait3A_222] : memref<25600x128xi32, #tpu.memory_space<hbm>> -> memref<8x128xi32, #tpu.memory_space<hbm>>
        tpu.wait_dma2 semaphore(%run_scoped3A : memref<!tpu.dma_semaphore, #tpu.memory_space<semaphore_mem>>) src(%dma_wait3A_223 : memref<8x128xi32, #tpu.memory_space<hbm>>) dst(%arg7 : memref<8x128xi32, #tpu.memory_space<vmem>>)
        tpu.yield
      }) : () -> ()
      %dma_start3A = arith.constant 0 : i32
      %dma_start3A_24 = arith.constant 0 : i32
      %dma_start3A_25 = tpu.memref_slice %arg7[%dma_start3A, %dma_start3A_24] : memref<8x128xi32, #tpu.memory_space<vmem>> -> memref<1x128xi32, #tpu.memory_space<vmem>>
      %dma_start3A_26 = tpu.memref_squeeze %dma_start3A_25 : memref<1x128xi32, #tpu.memory_space<vmem>> -> memref<128xi32, #tpu.memory_space<vmem>>
      %dma_start3A_27 = arith.constant 0 : i32
      %dma_start3A_28 = tpu.memref_slice %arg6[%dma_start3A_27] : memref<100352xf32, #tpu.memory_space<vmem_shared>> -> memref<100352xf32, #tpu.memory_space<vmem_shared>>
      tpu.enqueue_indirect_dma source(%arg9 : memref<128xf32, #tpu.memory_space<vmem>>) target(%dma_start3A_28 : memref<100352xf32, #tpu.memory_space<vmem_shared>>) offsets(%dma_start3A_26 : memref<128xi32, #tpu.memory_space<vmem>>) semaphore(%arg10 : memref<!tpu.dma_semaphore, #tpu.memory_space<semaphore_mem>>) {add = true}
      %dma_start3A_29 = arith.constant 1 : i32
      %dma_start3A_30 = arith.constant 0 : i32
      %dma_start3A_31 = tpu.memref_slice %arg7[%dma_start3A_29, %dma_start3A_30] : memref<8x128xi32, #tpu.memory_space<vmem>> -> memref<1x128xi32, #tpu.memory_space<vmem>>
      %dma_start3A_32 = tpu.memref_squeeze %dma_start3A_31 : memref<1x128xi32, #tpu.memory_space<vmem>> -> memref<128xi32, #tpu.memory_space<vmem>>
      %dma_start3A_33 = arith.constant 0 : i32
      %dma_start3A_34 = tpu.memref_slice %arg6[%dma_start3A_33] : memref<100352xf32, #tpu.memory_space<vmem_shared>> -> memref<100352xf32, #tpu.memory_space<vmem_shared>>
      tpu.enqueue_indirect_dma source(%arg9 : memref<128xf32, #tpu.memory_space<vmem>>) target(%dma_start3A_34 : memref<100352xf32, #tpu.memory_space<vmem_shared>>) offsets(%dma_start3A_32 : memref<128xi32, #tpu.memory_space<vmem>>) semaphore(%arg10 : memref<!tpu.dma_semaphore, #tpu.memory_space<semaphore_mem>>) {add = true}
      %dma_start3A_35 = arith.constant 2 : i32
      %dma_start3A_36 = arith.constant 0 : i32
      %dma_start3A_37 = tpu.memref_slice %arg7[%dma_start3A_35, %dma_start3A_36] : memref<8x128xi32, #tpu.memory_space<vmem>> -> memref<1x128xi32, #tpu.memory_space<vmem>>
      %dma_start3A_38 = tpu.memref_squeeze %dma_start3A_37 : memref<1x128xi32, #tpu.memory_space<vmem>> -> memref<128xi32, #tpu.memory_space<vmem>>
      %dma_start3A_39 = arith.constant 0 : i32
      %dma_start3A_40 = tpu.memref_slice %arg6[%dma_start3A_39] : memref<100352xf32, #tpu.memory_space<vmem_shared>> -> memref<100352xf32, #tpu.memory_space<vmem_shared>>
      tpu.enqueue_indirect_dma source(%arg9 : memref<128xf32, #tpu.memory_space<vmem>>) target(%dma_start3A_40 : memref<100352xf32, #tpu.memory_space<vmem_shared>>) offsets(%dma_start3A_38 : memref<128xi32, #tpu.memory_space<vmem>>) semaphore(%arg10 : memref<!tpu.dma_semaphore, #tpu.memory_space<semaphore_mem>>) {add = true}
      %dma_start3A_41 = arith.constant 3 : i32
      %dma_start3A_42 = arith.constant 0 : i32
      %dma_start3A_43 = tpu.memref_slice %arg7[%dma_start3A_41, %dma_start3A_42] : memref<8x128xi32, #tpu.memory_space<vmem>> -> memref<1x128xi32, #tpu.memory_space<vmem>>
      %dma_start3A_44 = tpu.memref_squeeze %dma_start3A_43 : memref<1x128xi32, #tpu.memory_space<vmem>> -> memref<128xi32, #tpu.memory_space<vmem>>
      %dma_start3A_45 = arith.constant 0 : i32
      %dma_start3A_46 = tpu.memref_slice %arg6[%dma_start3A_45] : memref<100352xf32, #tpu.memory_space<vmem_shared>> -> memref<100352xf32, #tpu.memory_space<vmem_shared>>
      tpu.enqueue_indirect_dma source(%arg9 : memref<128xf32, #tpu.memory_space<vmem>>) target(%dma_start3A_46 : memref<100352xf32, #tpu.memory_space<vmem_shared>>) offsets(%dma_start3A_44 : memref<128xi32, #tpu.memory_space<vmem>>) semaphore(%arg10 : memref<!tpu.dma_semaphore, #tpu.memory_space<semaphore_mem>>) {add = true}
      %dma_start3A_47 = arith.constant 4 : i32
      %dma_start3A_48 = arith.constant 0 : i32
      %dma_start3A_49 = tpu.memref_slice %arg7[%dma_start3A_47, %dma_start3A_48] : memref<8x128xi32, #tpu.memory_space<vmem>> -> memref<1x128xi32, #tpu.memory_space<vmem>>
      %dma_start3A_50 = tpu.memref_squeeze %dma_start3A_49 : memref<1x128xi32, #tpu.memory_space<vmem>> -> memref<128xi32, #tpu.memory_space<vmem>>
      %dma_start3A_51 = arith.constant 0 : i32
      %dma_start3A_52 = tpu.memref_slice %arg6[%dma_start3A_51] : memref<100352xf32, #tpu.memory_space<vmem_shared>> -> memref<100352xf32, #tpu.memory_space<vmem_shared>>
      tpu.enqueue_indirect_dma source(%arg9 : memref<128xf32, #tpu.memory_space<vmem>>) target(%dma_start3A_52 : memref<100352xf32, #tpu.memory_space<vmem_shared>>) offsets(%dma_start3A_50 : memref<128xi32, #tpu.memory_space<vmem>>) semaphore(%arg10 : memref<!tpu.dma_semaphore, #tpu.memory_space<semaphore_mem>>) {add = true}
      %dma_start3A_53 = arith.constant 5 : i32
      %dma_start3A_54 = arith.constant 0 : i32
      %dma_start3A_55 = tpu.memref_slice %arg7[%dma_start3A_53, %dma_start3A_54] : memref<8x128xi32, #tpu.memory_space<vmem>> -> memref<1x128xi32, #tpu.memory_space<vmem>>
      %dma_start3A_56 = tpu.memref_squeeze %dma_start3A_55 : memref<1x128xi32, #tpu.memory_space<vmem>> -> memref<128xi32, #tpu.memory_space<vmem>>
      %dma_start3A_57 = arith.constant 0 : i32
      %dma_start3A_58 = tpu.memref_slice %arg6[%dma_start3A_57] : memref<100352xf32, #tpu.memory_space<vmem_shared>> -> memref<100352xf32, #tpu.memory_space<vmem_shared>>
      tpu.enqueue_indirect_dma source(%arg9 : memref<128xf32, #tpu.memory_space<vmem>>) target(%dma_start3A_58 : memref<100352xf32, #tpu.memory_space<vmem_shared>>) offsets(%dma_start3A_56 : memref<128xi32, #tpu.memory_space<vmem>>) semaphore(%arg10 : memref<!tpu.dma_semaphore, #tpu.memory_space<semaphore_mem>>) {add = true}
      %dma_start3A_59 = arith.constant 6 : i32
      %dma_start3A_60 = arith.constant 0 : i32
      %dma_start3A_61 = tpu.memref_slice %arg7[%dma_start3A_59, %dma_start3A_60] : memref<8x128xi32, #tpu.memory_space<vmem>> -> memref<1x128xi32, #tpu.memory_space<vmem>>
      %dma_start3A_62 = tpu.memref_squeeze %dma_start3A_61 : memref<1x128xi32, #tpu.memory_space<vmem>> -> memref<128xi32, #tpu.memory_space<vmem>>
      %dma_start3A_63 = arith.constant 0 : i32
      %dma_start3A_64 = tpu.memref_slice %arg6[%dma_start3A_63] : memref<100352xf32, #tpu.memory_space<vmem_shared>> -> memref<100352xf32, #tpu.memory_space<vmem_shared>>
      tpu.enqueue_indirect_dma source(%arg9 : memref<128xf32, #tpu.memory_space<vmem>>) target(%dma_start3A_64 : memref<100352xf32, #tpu.memory_space<vmem_shared>>) offsets(%dma_start3A_62 : memref<128xi32, #tpu.memory_space<vmem>>) semaphore(%arg10 : memref<!tpu.dma_semaphore, #tpu.memory_space<semaphore_mem>>) {add = true}
      %dma_start3A_65 = arith.constant 7 : i32
      %dma_start3A_66 = arith.constant 0 : i32
      %dma_start3A_67 = tpu.memref_slice %arg7[%dma_start3A_65, %dma_start3A_66] : memref<8x128xi32, #tpu.memory_space<vmem>> -> memref<1x128xi32, #tpu.memory_space<vmem>>
      %dma_start3A_68 = tpu.memref_squeeze %dma_start3A_67 : memref<1x128xi32, #tpu.memory_space<vmem>> -> memref<128xi32, #tpu.memory_space<vmem>>
      %dma_start3A_69 = arith.constant 0 : i32
      %dma_start3A_70 = tpu.memref_slice %arg6[%dma_start3A_69] : memref<100352xf32, #tpu.memory_space<vmem_shared>> -> memref<100352xf32, #tpu.memory_space<vmem_shared>>
      tpu.enqueue_indirect_dma source(%arg9 : memref<128xf32, #tpu.memory_space<vmem>>) target(%dma_start3A_70 : memref<100352xf32, #tpu.memory_space<vmem_shared>>) offsets(%dma_start3A_68 : memref<128xi32, #tpu.memory_space<vmem>>) semaphore(%arg10 : memref<!tpu.dma_semaphore, #tpu.memory_space<semaphore_mem>>) {add = true}
      %add3A_71 = arith.constant 8 : i32
      %add3A_72 = arith.addi %add3A_23, %add3A_71 : i32
      "tpu.region"() ({
        %run_scoped3A = tpu.sem_alloc : memref<!tpu.dma_semaphore, #tpu.memory_space<semaphore_mem>>
        %dma_start3A_216 = arith.constant 0 : i32
        %dma_start3A_217 = tpu.memref_slice %arg2[%add3A_72, %dma_start3A_216] : memref<25600x128xi32, #tpu.memory_space<hbm>> -> memref<8x128xi32, #tpu.memory_space<hbm>>
        %dma_start3A_218 = arith.constant 0 : i32
        %dma_start3A_219 = tpu.memref_slice %arg2[%add3A_72, %dma_start3A_218] : memref<25600x128xi32, #tpu.memory_space<hbm>> -> memref<8x128xi32, #tpu.memory_space<hbm>>
        tpu.enqueue_dma source(%dma_start3A_219 : memref<8x128xi32, #tpu.memory_space<hbm>>) target(%arg8 : memref<8x128xi32, #tpu.memory_space<vmem>>) target_semaphore(%run_scoped3A : memref<!tpu.dma_semaphore, #tpu.memory_space<semaphore_mem>>)
        %dma_wait3A_220 = arith.constant 0 : i32
        %dma_wait3A_221 = tpu.memref_slice %arg2[%add3A_72, %dma_wait3A_220] : memref<25600x128xi32, #tpu.memory_space<hbm>> -> memref<8x128xi32, #tpu.memory_space<hbm>>
        %dma_wait3A_222 = arith.constant 0 : i32
        %dma_wait3A_223 = tpu.memref_slice %arg2[%add3A_72, %dma_wait3A_222] : memref<25600x128xi32, #tpu.memory_space<hbm>> -> memref<8x128xi32, #tpu.memory_space<hbm>>
        tpu.wait_dma2 semaphore(%run_scoped3A : memref<!tpu.dma_semaphore, #tpu.memory_space<semaphore_mem>>) src(%dma_wait3A_223 : memref<8x128xi32, #tpu.memory_space<hbm>>) dst(%arg8 : memref<8x128xi32, #tpu.memory_space<vmem>>)
        tpu.yield
      }) : () -> ()
      %dma_start3A_73 = arith.constant 0 : i32
      %dma_start3A_74 = arith.constant 0 : i32
      %dma_start3A_75 = tpu.memref_slice %arg8[%dma_start3A_73, %dma_start3A_74] : memref<8x128xi32, #tpu.memory_space<vmem>> -> memref<1x128xi32, #tpu.memory_space<vmem>>
      %dma_start3A_76 = tpu.memref_squeeze %dma_start3A_75 : memref<1x128xi32, #tpu.memory_space<vmem>> -> memref<128xi32, #tpu.memory_space<vmem>>
      %dma_start3A_77 = arith.constant 0 : i32
      %dma_start3A_78 = tpu.memref_slice %arg6[%dma_start3A_77] : memref<100352xf32, #tpu.memory_space<vmem_shared>> -> memref<100352xf32, #tpu.memory_space<vmem_shared>>
      tpu.enqueue_indirect_dma source(%arg9 : memref<128xf32, #tpu.memory_space<vmem>>) target(%dma_start3A_78 : memref<100352xf32, #tpu.memory_space<vmem_shared>>) offsets(%dma_start3A_76 : memref<128xi32, #tpu.memory_space<vmem>>) semaphore(%arg11 : memref<!tpu.dma_semaphore, #tpu.memory_space<semaphore_mem>>) {add = true}
      %dma_start3A_79 = arith.constant 1 : i32
      %dma_start3A_80 = arith.constant 0 : i32
      %dma_start3A_81 = tpu.memref_slice %arg8[%dma_start3A_79, %dma_start3A_80] : memref<8x128xi32, #tpu.memory_space<vmem>> -> memref<1x128xi32, #tpu.memory_space<vmem>>
      %dma_start3A_82 = tpu.memref_squeeze %dma_start3A_81 : memref<1x128xi32, #tpu.memory_space<vmem>> -> memref<128xi32, #tpu.memory_space<vmem>>
      %dma_start3A_83 = arith.constant 0 : i32
      %dma_start3A_84 = tpu.memref_slice %arg6[%dma_start3A_83] : memref<100352xf32, #tpu.memory_space<vmem_shared>> -> memref<100352xf32, #tpu.memory_space<vmem_shared>>
      tpu.enqueue_indirect_dma source(%arg9 : memref<128xf32, #tpu.memory_space<vmem>>) target(%dma_start3A_84 : memref<100352xf32, #tpu.memory_space<vmem_shared>>) offsets(%dma_start3A_82 : memref<128xi32, #tpu.memory_space<vmem>>) semaphore(%arg11 : memref<!tpu.dma_semaphore, #tpu.memory_space<semaphore_mem>>) {add = true}
      %dma_start3A_85 = arith.constant 2 : i32
      %dma_start3A_86 = arith.constant 0 : i32
      %dma_start3A_87 = tpu.memref_slice %arg8[%dma_start3A_85, %dma_start3A_86] : memref<8x128xi32, #tpu.memory_space<vmem>> -> memref<1x128xi32, #tpu.memory_space<vmem>>
      %dma_start3A_88 = tpu.memref_squeeze %dma_start3A_87 : memref<1x128xi32, #tpu.memory_space<vmem>> -> memref<128xi32, #tpu.memory_space<vmem>>
      %dma_start3A_89 = arith.constant 0 : i32
      %dma_start3A_90 = tpu.memref_slice %arg6[%dma_start3A_89] : memref<100352xf32, #tpu.memory_space<vmem_shared>> -> memref<100352xf32, #tpu.memory_space<vmem_shared>>
      tpu.enqueue_indirect_dma source(%arg9 : memref<128xf32, #tpu.memory_space<vmem>>) target(%dma_start3A_90 : memref<100352xf32, #tpu.memory_space<vmem_shared>>) offsets(%dma_start3A_88 : memref<128xi32, #tpu.memory_space<vmem>>) semaphore(%arg11 : memref<!tpu.dma_semaphore, #tpu.memory_space<semaphore_mem>>) {add = true}
      %dma_start3A_91 = arith.constant 3 : i32
      %dma_start3A_92 = arith.constant 0 : i32
      %dma_start3A_93 = tpu.memref_slice %arg8[%dma_start3A_91, %dma_start3A_92] : memref<8x128xi32, #tpu.memory_space<vmem>> -> memref<1x128xi32, #tpu.memory_space<vmem>>
      %dma_start3A_94 = tpu.memref_squeeze %dma_start3A_93 : memref<1x128xi32, #tpu.memory_space<vmem>> -> memref<128xi32, #tpu.memory_space<vmem>>
      %dma_start3A_95 = arith.constant 0 : i32
      %dma_start3A_96 = tpu.memref_slice %arg6[%dma_start3A_95] : memref<100352xf32, #tpu.memory_space<vmem_shared>> -> memref<100352xf32, #tpu.memory_space<vmem_shared>>
      tpu.enqueue_indirect_dma source(%arg9 : memref<128xf32, #tpu.memory_space<vmem>>) target(%dma_start3A_96 : memref<100352xf32, #tpu.memory_space<vmem_shared>>) offsets(%dma_start3A_94 : memref<128xi32, #tpu.memory_space<vmem>>) semaphore(%arg11 : memref<!tpu.dma_semaphore, #tpu.memory_space<semaphore_mem>>) {add = true}
      %dma_start3A_97 = arith.constant 4 : i32
      %dma_start3A_98 = arith.constant 0 : i32
      %dma_start3A_99 = tpu.memref_slice %arg8[%dma_start3A_97, %dma_start3A_98] : memref<8x128xi32, #tpu.memory_space<vmem>> -> memref<1x128xi32, #tpu.memory_space<vmem>>
      %dma_start3A_100 = tpu.memref_squeeze %dma_start3A_99 : memref<1x128xi32, #tpu.memory_space<vmem>> -> memref<128xi32, #tpu.memory_space<vmem>>
      %dma_start3A_101 = arith.constant 0 : i32
      %dma_start3A_102 = tpu.memref_slice %arg6[%dma_start3A_101] : memref<100352xf32, #tpu.memory_space<vmem_shared>> -> memref<100352xf32, #tpu.memory_space<vmem_shared>>
      tpu.enqueue_indirect_dma source(%arg9 : memref<128xf32, #tpu.memory_space<vmem>>) target(%dma_start3A_102 : memref<100352xf32, #tpu.memory_space<vmem_shared>>) offsets(%dma_start3A_100 : memref<128xi32, #tpu.memory_space<vmem>>) semaphore(%arg11 : memref<!tpu.dma_semaphore, #tpu.memory_space<semaphore_mem>>) {add = true}
      %dma_start3A_103 = arith.constant 5 : i32
      %dma_start3A_104 = arith.constant 0 : i32
      %dma_start3A_105 = tpu.memref_slice %arg8[%dma_start3A_103, %dma_start3A_104] : memref<8x128xi32, #tpu.memory_space<vmem>> -> memref<1x128xi32, #tpu.memory_space<vmem>>
      %dma_start3A_106 = tpu.memref_squeeze %dma_start3A_105 : memref<1x128xi32, #tpu.memory_space<vmem>> -> memref<128xi32, #tpu.memory_space<vmem>>
      %dma_start3A_107 = arith.constant 0 : i32
      %dma_start3A_108 = tpu.memref_slice %arg6[%dma_start3A_107] : memref<100352xf32, #tpu.memory_space<vmem_shared>> -> memref<100352xf32, #tpu.memory_space<vmem_shared>>
      tpu.enqueue_indirect_dma source(%arg9 : memref<128xf32, #tpu.memory_space<vmem>>) target(%dma_start3A_108 : memref<100352xf32, #tpu.memory_space<vmem_shared>>) offsets(%dma_start3A_106 : memref<128xi32, #tpu.memory_space<vmem>>) semaphore(%arg11 : memref<!tpu.dma_semaphore, #tpu.memory_space<semaphore_mem>>) {add = true}
      %dma_start3A_109 = arith.constant 6 : i32
      %dma_start3A_110 = arith.constant 0 : i32
      %dma_start3A_111 = tpu.memref_slice %arg8[%dma_start3A_109, %dma_start3A_110] : memref<8x128xi32, #tpu.memory_space<vmem>> -> memref<1x128xi32, #tpu.memory_space<vmem>>
      %dma_start3A_112 = tpu.memref_squeeze %dma_start3A_111 : memref<1x128xi32, #tpu.memory_space<vmem>> -> memref<128xi32, #tpu.memory_space<vmem>>
      %dma_start3A_113 = arith.constant 0 : i32
      %dma_start3A_114 = tpu.memref_slice %arg6[%dma_start3A_113] : memref<100352xf32, #tpu.memory_space<vmem_shared>> -> memref<100352xf32, #tpu.memory_space<vmem_shared>>
      tpu.enqueue_indirect_dma source(%arg9 : memref<128xf32, #tpu.memory_space<vmem>>) target(%dma_start3A_114 : memref<100352xf32, #tpu.memory_space<vmem_shared>>) offsets(%dma_start3A_112 : memref<128xi32, #tpu.memory_space<vmem>>) semaphore(%arg11 : memref<!tpu.dma_semaphore, #tpu.memory_space<semaphore_mem>>) {add = true}
      %dma_start3A_115 = arith.constant 7 : i32
      %dma_start3A_116 = arith.constant 0 : i32
      %dma_start3A_117 = tpu.memref_slice %arg8[%dma_start3A_115, %dma_start3A_116] : memref<8x128xi32, #tpu.memory_space<vmem>> -> memref<1x128xi32, #tpu.memory_space<vmem>>
      %dma_start3A_118 = tpu.memref_squeeze %dma_start3A_117 : memref<1x128xi32, #tpu.memory_space<vmem>> -> memref<128xi32, #tpu.memory_space<vmem>>
      %dma_start3A_119 = arith.constant 0 : i32
      %dma_start3A_120 = tpu.memref_slice %arg6[%dma_start3A_119] : memref<100352xf32, #tpu.memory_space<vmem_shared>> -> memref<100352xf32, #tpu.memory_space<vmem_shared>>
      tpu.enqueue_indirect_dma source(%arg9 : memref<128xf32, #tpu.memory_space<vmem>>) target(%dma_start3A_120 : memref<100352xf32, #tpu.memory_space<vmem_shared>>) offsets(%dma_start3A_118 : memref<128xi32, #tpu.memory_space<vmem>>) semaphore(%arg11 : memref<!tpu.dma_semaphore, #tpu.memory_space<semaphore_mem>>) {add = true}
      %dma_wait3A = arith.constant 0 : i32
      %dma_wait3A_121 = arith.constant 0 : i32
      %dma_wait3A_122 = tpu.memref_slice %arg7[%dma_wait3A, %dma_wait3A_121] : memref<8x128xi32, #tpu.memory_space<vmem>> -> memref<1x128xi32, #tpu.memory_space<vmem>>
      %dma_wait3A_123 = tpu.memref_squeeze %dma_wait3A_122 : memref<1x128xi32, #tpu.memory_space<vmem>> -> memref<128xi32, #tpu.memory_space<vmem>>
      %dma_wait3A_124 = arith.constant 0 : i32
      %dma_wait3A_125 = tpu.memref_slice %arg6[%dma_wait3A_124] : memref<100352xf32, #tpu.memory_space<vmem_shared>> -> memref<100352xf32, #tpu.memory_space<vmem_shared>>
      tpu.wait_indirect_dma semaphore(%arg10 : memref<!tpu.dma_semaphore, #tpu.memory_space<semaphore_mem>>) src(%arg9 : memref<128xf32, #tpu.memory_space<vmem>>) dst(%dma_wait3A_125 : memref<100352xf32, #tpu.memory_space<vmem_shared>>)
      %dma_wait3A_126 = arith.constant 1 : i32
      %dma_wait3A_127 = arith.constant 0 : i32
      %dma_wait3A_128 = tpu.memref_slice %arg7[%dma_wait3A_126, %dma_wait3A_127] : memref<8x128xi32, #tpu.memory_space<vmem>> -> memref<1x128xi32, #tpu.memory_space<vmem>>
      %dma_wait3A_129 = tpu.memref_squeeze %dma_wait3A_128 : memref<1x128xi32, #tpu.memory_space<vmem>> -> memref<128xi32, #tpu.memory_space<vmem>>
      %dma_wait3A_130 = arith.constant 0 : i32
      %dma_wait3A_131 = tpu.memref_slice %arg6[%dma_wait3A_130] : memref<100352xf32, #tpu.memory_space<vmem_shared>> -> memref<100352xf32, #tpu.memory_space<vmem_shared>>
      tpu.wait_indirect_dma semaphore(%arg10 : memref<!tpu.dma_semaphore, #tpu.memory_space<semaphore_mem>>) src(%arg9 : memref<128xf32, #tpu.memory_space<vmem>>) dst(%dma_wait3A_131 : memref<100352xf32, #tpu.memory_space<vmem_shared>>)
      %dma_wait3A_132 = arith.constant 2 : i32
      %dma_wait3A_133 = arith.constant 0 : i32
      %dma_wait3A_134 = tpu.memref_slice %arg7[%dma_wait3A_132, %dma_wait3A_133] : memref<8x128xi32, #tpu.memory_space<vmem>> -> memref<1x128xi32, #tpu.memory_space<vmem>>
      %dma_wait3A_135 = tpu.memref_squeeze %dma_wait3A_134 : memref<1x128xi32, #tpu.memory_space<vmem>> -> memref<128xi32, #tpu.memory_space<vmem>>
      %dma_wait3A_136 = arith.constant 0 : i32
      %dma_wait3A_137 = tpu.memref_slice %arg6[%dma_wait3A_136] : memref<100352xf32, #tpu.memory_space<vmem_shared>> -> memref<100352xf32, #tpu.memory_space<vmem_shared>>
      tpu.wait_indirect_dma semaphore(%arg10 : memref<!tpu.dma_semaphore, #tpu.memory_space<semaphore_mem>>) src(%arg9 : memref<128xf32, #tpu.memory_space<vmem>>) dst(%dma_wait3A_137 : memref<100352xf32, #tpu.memory_space<vmem_shared>>)
      %dma_wait3A_138 = arith.constant 3 : i32
      %dma_wait3A_139 = arith.constant 0 : i32
      %dma_wait3A_140 = tpu.memref_slice %arg7[%dma_wait3A_138, %dma_wait3A_139] : memref<8x128xi32, #tpu.memory_space<vmem>> -> memref<1x128xi32, #tpu.memory_space<vmem>>
      %dma_wait3A_141 = tpu.memref_squeeze %dma_wait3A_140 : memref<1x128xi32, #tpu.memory_space<vmem>> -> memref<128xi32, #tpu.memory_space<vmem>>
      %dma_wait3A_142 = arith.constant 0 : i32
      %dma_wait3A_143 = tpu.memref_slice %arg6[%dma_wait3A_142] : memref<100352xf32, #tpu.memory_space<vmem_shared>> -> memref<100352xf32, #tpu.memory_space<vmem_shared>>
      tpu.wait_indirect_dma semaphore(%arg10 : memref<!tpu.dma_semaphore, #tpu.memory_space<semaphore_mem>>) src(%arg9 : memref<128xf32, #tpu.memory_space<vmem>>) dst(%dma_wait3A_143 : memref<100352xf32, #tpu.memory_space<vmem_shared>>)
      %dma_wait3A_144 = arith.constant 4 : i32
      %dma_wait3A_145 = arith.constant 0 : i32
      %dma_wait3A_146 = tpu.memref_slice %arg7[%dma_wait3A_144, %dma_wait3A_145] : memref<8x128xi32, #tpu.memory_space<vmem>> -> memref<1x128xi32, #tpu.memory_space<vmem>>
      %dma_wait3A_147 = tpu.memref_squeeze %dma_wait3A_146 : memref<1x128xi32, #tpu.memory_space<vmem>> -> memref<128xi32, #tpu.memory_space<vmem>>
      %dma_wait3A_148 = arith.constant 0 : i32
      %dma_wait3A_149 = tpu.memref_slice %arg6[%dma_wait3A_148] : memref<100352xf32, #tpu.memory_space<vmem_shared>> -> memref<100352xf32, #tpu.memory_space<vmem_shared>>
      tpu.wait_indirect_dma semaphore(%arg10 : memref<!tpu.dma_semaphore, #tpu.memory_space<semaphore_mem>>) src(%arg9 : memref<128xf32, #tpu.memory_space<vmem>>) dst(%dma_wait3A_149 : memref<100352xf32, #tpu.memory_space<vmem_shared>>)
      %dma_wait3A_150 = arith.constant 5 : i32
      %dma_wait3A_151 = arith.constant 0 : i32
      %dma_wait3A_152 = tpu.memref_slice %arg7[%dma_wait3A_150, %dma_wait3A_151] : memref<8x128xi32, #tpu.memory_space<vmem>> -> memref<1x128xi32, #tpu.memory_space<vmem>>
      %dma_wait3A_153 = tpu.memref_squeeze %dma_wait3A_152 : memref<1x128xi32, #tpu.memory_space<vmem>> -> memref<128xi32, #tpu.memory_space<vmem>>
      %dma_wait3A_154 = arith.constant 0 : i32
      %dma_wait3A_155 = tpu.memref_slice %arg6[%dma_wait3A_154] : memref<100352xf32, #tpu.memory_space<vmem_shared>> -> memref<100352xf32, #tpu.memory_space<vmem_shared>>
      tpu.wait_indirect_dma semaphore(%arg10 : memref<!tpu.dma_semaphore, #tpu.memory_space<semaphore_mem>>) src(%arg9 : memref<128xf32, #tpu.memory_space<vmem>>) dst(%dma_wait3A_155 : memref<100352xf32, #tpu.memory_space<vmem_shared>>)
      %dma_wait3A_156 = arith.constant 6 : i32
      %dma_wait3A_157 = arith.constant 0 : i32
      %dma_wait3A_158 = tpu.memref_slice %arg7[%dma_wait3A_156, %dma_wait3A_157] : memref<8x128xi32, #tpu.memory_space<vmem>> -> memref<1x128xi32, #tpu.memory_space<vmem>>
      %dma_wait3A_159 = tpu.memref_squeeze %dma_wait3A_158 : memref<1x128xi32, #tpu.memory_space<vmem>> -> memref<128xi32, #tpu.memory_space<vmem>>
      %dma_wait3A_160 = arith.constant 0 : i32
      %dma_wait3A_161 = tpu.memref_slice %arg6[%dma_wait3A_160] : memref<100352xf32, #tpu.memory_space<vmem_shared>> -> memref<100352xf32, #tpu.memory_space<vmem_shared>>
      tpu.wait_indirect_dma semaphore(%arg10 : memref<!tpu.dma_semaphore, #tpu.memory_space<semaphore_mem>>) src(%arg9 : memref<128xf32, #tpu.memory_space<vmem>>) dst(%dma_wait3A_161 : memref<100352xf32, #tpu.memory_space<vmem_shared>>)
      %dma_wait3A_162 = arith.constant 7 : i32
      %dma_wait3A_163 = arith.constant 0 : i32
      %dma_wait3A_164 = tpu.memref_slice %arg7[%dma_wait3A_162, %dma_wait3A_163] : memref<8x128xi32, #tpu.memory_space<vmem>> -> memref<1x128xi32, #tpu.memory_space<vmem>>
      %dma_wait3A_165 = tpu.memref_squeeze %dma_wait3A_164 : memref<1x128xi32, #tpu.memory_space<vmem>> -> memref<128xi32, #tpu.memory_space<vmem>>
      %dma_wait3A_166 = arith.constant 0 : i32
      %dma_wait3A_167 = tpu.memref_slice %arg6[%dma_wait3A_166] : memref<100352xf32, #tpu.memory_space<vmem_shared>> -> memref<100352xf32, #tpu.memory_space<vmem_shared>>
      tpu.wait_indirect_dma semaphore(%arg10 : memref<!tpu.dma_semaphore, #tpu.memory_space<semaphore_mem>>) src(%arg9 : memref<128xf32, #tpu.memory_space<vmem>>) dst(%dma_wait3A_167 : memref<100352xf32, #tpu.memory_space<vmem_shared>>)
      %dma_wait3A_168 = arith.constant 0 : i32
      %dma_wait3A_169 = arith.constant 0 : i32
      %dma_wait3A_170 = tpu.memref_slice %arg8[%dma_wait3A_168, %dma_wait3A_169] : memref<8x128xi32, #tpu.memory_space<vmem>> -> memref<1x128xi32, #tpu.memory_space<vmem>>
      %dma_wait3A_171 = tpu.memref_squeeze %dma_wait3A_170 : memref<1x128xi32, #tpu.memory_space<vmem>> -> memref<128xi32, #tpu.memory_space<vmem>>
      %dma_wait3A_172 = arith.constant 0 : i32
      %dma_wait3A_173 = tpu.memref_slice %arg6[%dma_wait3A_172] : memref<100352xf32, #tpu.memory_space<vmem_shared>> -> memref<100352xf32, #tpu.memory_space<vmem_shared>>
      tpu.wait_indirect_dma semaphore(%arg11 : memref<!tpu.dma_semaphore, #tpu.memory_space<semaphore_mem>>) src(%arg9 : memref<128xf32, #tpu.memory_space<vmem>>) dst(%dma_wait3A_173 : memref<100352xf32, #tpu.memory_space<vmem_shared>>)
      %dma_wait3A_174 = arith.constant 1 : i32
      %dma_wait3A_175 = arith.constant 0 : i32
      %dma_wait3A_176 = tpu.memref_slice %arg8[%dma_wait3A_174, %dma_wait3A_175] : memref<8x128xi32, #tpu.memory_space<vmem>> -> memref<1x128xi32, #tpu.memory_space<vmem>>
      %dma_wait3A_177 = tpu.memref_squeeze %dma_wait3A_176 : memref<1x128xi32, #tpu.memory_space<vmem>> -> memref<128xi32, #tpu.memory_space<vmem>>
      %dma_wait3A_178 = arith.constant 0 : i32
      %dma_wait3A_179 = tpu.memref_slice %arg6[%dma_wait3A_178] : memref<100352xf32, #tpu.memory_space<vmem_shared>> -> memref<100352xf32, #tpu.memory_space<vmem_shared>>
      tpu.wait_indirect_dma semaphore(%arg11 : memref<!tpu.dma_semaphore, #tpu.memory_space<semaphore_mem>>) src(%arg9 : memref<128xf32, #tpu.memory_space<vmem>>) dst(%dma_wait3A_179 : memref<100352xf32, #tpu.memory_space<vmem_shared>>)
      %dma_wait3A_180 = arith.constant 2 : i32
      %dma_wait3A_181 = arith.constant 0 : i32
      %dma_wait3A_182 = tpu.memref_slice %arg8[%dma_wait3A_180, %dma_wait3A_181] : memref<8x128xi32, #tpu.memory_space<vmem>> -> memref<1x128xi32, #tpu.memory_space<vmem>>
      %dma_wait3A_183 = tpu.memref_squeeze %dma_wait3A_182 : memref<1x128xi32, #tpu.memory_space<vmem>> -> memref<128xi32, #tpu.memory_space<vmem>>
      %dma_wait3A_184 = arith.constant 0 : i32
      %dma_wait3A_185 = tpu.memref_slice %arg6[%dma_wait3A_184] : memref<100352xf32, #tpu.memory_space<vmem_shared>> -> memref<100352xf32, #tpu.memory_space<vmem_shared>>
      tpu.wait_indirect_dma semaphore(%arg11 : memref<!tpu.dma_semaphore, #tpu.memory_space<semaphore_mem>>) src(%arg9 : memref<128xf32, #tpu.memory_space<vmem>>) dst(%dma_wait3A_185 : memref<100352xf32, #tpu.memory_space<vmem_shared>>)
      %dma_wait3A_186 = arith.constant 3 : i32
      %dma_wait3A_187 = arith.constant 0 : i32
      %dma_wait3A_188 = tpu.memref_slice %arg8[%dma_wait3A_186, %dma_wait3A_187] : memref<8x128xi32, #tpu.memory_space<vmem>> -> memref<1x128xi32, #tpu.memory_space<vmem>>
      %dma_wait3A_189 = tpu.memref_squeeze %dma_wait3A_188 : memref<1x128xi32, #tpu.memory_space<vmem>> -> memref<128xi32, #tpu.memory_space<vmem>>
      %dma_wait3A_190 = arith.constant 0 : i32
      %dma_wait3A_191 = tpu.memref_slice %arg6[%dma_wait3A_190] : memref<100352xf32, #tpu.memory_space<vmem_shared>> -> memref<100352xf32, #tpu.memory_space<vmem_shared>>
      tpu.wait_indirect_dma semaphore(%arg11 : memref<!tpu.dma_semaphore, #tpu.memory_space<semaphore_mem>>) src(%arg9 : memref<128xf32, #tpu.memory_space<vmem>>) dst(%dma_wait3A_191 : memref<100352xf32, #tpu.memory_space<vmem_shared>>)
      %dma_wait3A_192 = arith.constant 4 : i32
      %dma_wait3A_193 = arith.constant 0 : i32
      %dma_wait3A_194 = tpu.memref_slice %arg8[%dma_wait3A_192, %dma_wait3A_193] : memref<8x128xi32, #tpu.memory_space<vmem>> -> memref<1x128xi32, #tpu.memory_space<vmem>>
      %dma_wait3A_195 = tpu.memref_squeeze %dma_wait3A_194 : memref<1x128xi32, #tpu.memory_space<vmem>> -> memref<128xi32, #tpu.memory_space<vmem>>
      %dma_wait3A_196 = arith.constant 0 : i32
      %dma_wait3A_197 = tpu.memref_slice %arg6[%dma_wait3A_196] : memref<100352xf32, #tpu.memory_space<vmem_shared>> -> memref<100352xf32, #tpu.memory_space<vmem_shared>>
      tpu.wait_indirect_dma semaphore(%arg11 : memref<!tpu.dma_semaphore, #tpu.memory_space<semaphore_mem>>) src(%arg9 : memref<128xf32, #tpu.memory_space<vmem>>) dst(%dma_wait3A_197 : memref<100352xf32, #tpu.memory_space<vmem_shared>>)
      %dma_wait3A_198 = arith.constant 5 : i32
      %dma_wait3A_199 = arith.constant 0 : i32
      %dma_wait3A_200 = tpu.memref_slice %arg8[%dma_wait3A_198, %dma_wait3A_199] : memref<8x128xi32, #tpu.memory_space<vmem>> -> memref<1x128xi32, #tpu.memory_space<vmem>>
      %dma_wait3A_201 = tpu.memref_squeeze %dma_wait3A_200 : memref<1x128xi32, #tpu.memory_space<vmem>> -> memref<128xi32, #tpu.memory_space<vmem>>
      %dma_wait3A_202 = arith.constant 0 : i32
      %dma_wait3A_203 = tpu.memref_slice %arg6[%dma_wait3A_202] : memref<100352xf32, #tpu.memory_space<vmem_shared>> -> memref<100352xf32, #tpu.memory_space<vmem_shared>>
      tpu.wait_indirect_dma semaphore(%arg11 : memref<!tpu.dma_semaphore, #tpu.memory_space<semaphore_mem>>) src(%arg9 : memref<128xf32, #tpu.memory_space<vmem>>) dst(%dma_wait3A_203 : memref<100352xf32, #tpu.memory_space<vmem_shared>>)
      %dma_wait3A_204 = arith.constant 6 : i32
      %dma_wait3A_205 = arith.constant 0 : i32
      %dma_wait3A_206 = tpu.memref_slice %arg8[%dma_wait3A_204, %dma_wait3A_205] : memref<8x128xi32, #tpu.memory_space<vmem>> -> memref<1x128xi32, #tpu.memory_space<vmem>>
      %dma_wait3A_207 = tpu.memref_squeeze %dma_wait3A_206 : memref<1x128xi32, #tpu.memory_space<vmem>> -> memref<128xi32, #tpu.memory_space<vmem>>
      %dma_wait3A_208 = arith.constant 0 : i32
      %dma_wait3A_209 = tpu.memref_slice %arg6[%dma_wait3A_208] : memref<100352xf32, #tpu.memory_space<vmem_shared>> -> memref<100352xf32, #tpu.memory_space<vmem_shared>>
      tpu.wait_indirect_dma semaphore(%arg11 : memref<!tpu.dma_semaphore, #tpu.memory_space<semaphore_mem>>) src(%arg9 : memref<128xf32, #tpu.memory_space<vmem>>) dst(%dma_wait3A_209 : memref<100352xf32, #tpu.memory_space<vmem_shared>>)
      %dma_wait3A_210 = arith.constant 7 : i32
      %dma_wait3A_211 = arith.constant 0 : i32
      %dma_wait3A_212 = tpu.memref_slice %arg8[%dma_wait3A_210, %dma_wait3A_211] : memref<8x128xi32, #tpu.memory_space<vmem>> -> memref<1x128xi32, #tpu.memory_space<vmem>>
      %dma_wait3A_213 = tpu.memref_squeeze %dma_wait3A_212 : memref<1x128xi32, #tpu.memory_space<vmem>> -> memref<128xi32, #tpu.memory_space<vmem>>
      %dma_wait3A_214 = arith.constant 0 : i32
      %dma_wait3A_215 = tpu.memref_slice %arg6[%dma_wait3A_214] : memref<100352xf32, #tpu.memory_space<vmem_shared>> -> memref<100352xf32, #tpu.memory_space<vmem_shared>>
      tpu.wait_indirect_dma semaphore(%arg11 : memref<!tpu.dma_semaphore, #tpu.memory_space<semaphore_mem>>) src(%arg9 : memref<128xf32, #tpu.memory_space<vmem>>) dst(%dma_wait3A_215 : memref<100352xf32, #tpu.memory_space<vmem_shared>>)
    }
    %scan3A_7 = arith.constant 50 : i32
    %barrier3A_8 = arith.constant 0 : index
    tpu.barrier barrier_id(%barrier3A_8)
    %mul3A_9 = arith.constant 6272 : i32
    %mul3A_10 = arith.muli %arg1, %mul3A_9 : i32
    %mul3A_11 = arith.constant 100352 : i32
    %mul3A_12 = arith.muli %arg0, %mul3A_11 : i32
    %mul3A_13 = arith.constant 6272 : i32
    %mul3A_14 = arith.muli %arg1, %mul3A_13 : i32
    %add3A_15 = arith.addi %mul3A_12, %mul3A_14 : i32
    "tpu.region"() ({
      %run_scoped3A = tpu.sem_alloc : memref<!tpu.dma_semaphore, #tpu.memory_space<semaphore_mem>>
      %dma_start3A = tpu.memref_slice %arg5[%add3A_15] : memref<200704xf32, #tpu.memory_space<hbm>> -> memref<6272xf32, #tpu.memory_space<hbm>>
      %dma_start3A_16 = tpu.memref_slice %arg6[%mul3A_10] : memref<100352xf32, #tpu.memory_space<vmem_shared>> -> memref<6272xf32, #tpu.memory_space<vmem_shared>>
      tpu.enqueue_dma source(%dma_start3A_16 : memref<6272xf32, #tpu.memory_space<vmem_shared>>) target(%dma_start3A : memref<6272xf32, #tpu.memory_space<hbm>>) target_semaphore(%run_scoped3A : memref<!tpu.dma_semaphore, #tpu.memory_space<semaphore_mem>>)
      %dma_wait3A = tpu.memref_slice %arg5[%add3A_15] : memref<200704xf32, #tpu.memory_space<hbm>> -> memref<6272xf32, #tpu.memory_space<hbm>>
      %dma_wait3A_17 = tpu.memref_slice %arg6[%mul3A_10] : memref<100352xf32, #tpu.memory_space<vmem_shared>> -> memref<6272xf32, #tpu.memory_space<vmem_shared>>
      tpu.wait_dma2 semaphore(%run_scoped3A : memref<!tpu.dma_semaphore, #tpu.memory_space<semaphore_mem>>) src(%dma_wait3A_17 : memref<6272xf32, #tpu.memory_space<vmem_shared>>) dst(%dma_wait3A : memref<6272xf32, #tpu.memory_space<hbm>>)
      tpu.yield
    }) : () -> ()
    return
  }
}

#map = affine_map<(d0, d1) -> (0, 0)>
module attributes {stable_mosaic.version = 14 : i64} {
  func.func @sc_scatter(%arg0: i32, %arg1: i32, %arg2: memref<51200x128xi32, #tpu.memory_space<hbm>>, %arg3: memref<100352x16xf32, #tpu.memory_space<hbm>>, %arg4: memref<6272x16xf32, #tpu.memory_space<hbm>>, %arg5: memref<200704x16xf32, #tpu.memory_space<hbm>>, %arg6: memref<100352x16xf32, #tpu.memory_space<vmem_shared>>, %arg7: memref<8x128xi32, #tpu.memory_space<vmem>>, %arg8: memref<8x128xi32, #tpu.memory_space<vmem>>, %arg9: memref<4x128x16xf32, #tpu.memory_space<vmem>>, %arg10: memref<4x128x16xf32, #tpu.memory_space<vmem>>, %arg11: memref<!tpu.dma_semaphore, #tpu.memory_space<semaphore_mem>>, %arg12: memref<!tpu.dma_semaphore, #tpu.memory_space<semaphore_mem>>, %arg13: memref<!tpu.dma_semaphore, #tpu.memory_space<semaphore_mem>>, %arg14: memref<!tpu.dma_semaphore, #tpu.memory_space<semaphore_mem>>) attributes {dimension_semantics = [#tpu.dimension_semantics<core_parallel>, #tpu.dimension_semantics<subcore_parallel>], iteration_bounds = array<i64: 2, 16>, scalar_prefetch = 0 : i64, scratch_operands = 9 : i64, tpu.core_type = #tpu.core_type<sc_vector_subcore>, window_params = [{transform_indices = #map}, {transform_indices = #map}, {transform_indices = #map}, {transform_indices = #map}]} {
    %mul3A = arith.constant 2 : i32
    %mul3A_0 = arith.muli %arg1, %mul3A : i32
    %add3A = arith.addi %mul3A_0, %arg0 : i32
    %mul3A_1 = arith.constant 6272 : i32
    %mul3A_2 = arith.muli %arg1, %mul3A_1 : i32
    "tpu.region"() ({
      %run_scoped3A = tpu.sem_alloc : memref<!tpu.dma_semaphore, #tpu.memory_space<semaphore_mem>>
      %dma_start3A = arith.constant 0 : i32
      %dma_start3A_16 = tpu.memref_slice %arg6[%mul3A_2, %dma_start3A] : memref<100352x16xf32, #tpu.memory_space<vmem_shared>> -> memref<6272x16xf32, #tpu.memory_space<vmem_shared>>
      tpu.enqueue_dma source(%arg4 : memref<6272x16xf32, #tpu.memory_space<hbm>>) target(%dma_start3A_16 : memref<6272x16xf32, #tpu.memory_space<vmem_shared>>) target_semaphore(%run_scoped3A : memref<!tpu.dma_semaphore, #tpu.memory_space<semaphore_mem>>)
      %dma_wait3A = arith.constant 0 : i32
      %dma_wait3A_17 = tpu.memref_slice %arg6[%mul3A_2, %dma_wait3A] : memref<100352x16xf32, #tpu.memory_space<vmem_shared>> -> memref<6272x16xf32, #tpu.memory_space<vmem_shared>>
      tpu.wait_dma2 semaphore(%run_scoped3A : memref<!tpu.dma_semaphore, #tpu.memory_space<semaphore_mem>>) src(%arg4 : memref<6272x16xf32, #tpu.memory_space<hbm>>) dst(%dma_wait3A_17 : memref<6272x16xf32, #tpu.memory_space<vmem_shared>>)
      tpu.yield
    }) : () -> ()
    %barrier3A = arith.constant 0 : index
    tpu.barrier barrier_id(%barrier3A)
    %scan3A = arith.constant 0 : i32
    %scan3A_3 = arith.constant 0 : i32
    %scan3A_4 = arith.constant 100 : i32
    %scan3A_5 = arith.addi %scan3A_3, %scan3A_4 : i32
    %scan3A_6 = arith.constant 1 : i32
    scf.for %scan3A_16 = %scan3A_3 to %scan3A_5 step %scan3A_6  : i32 {
      %mul3A_17 = arith.constant 200 : i32
      %mul3A_18 = arith.muli %add3A, %mul3A_17 : i32
      %mul3A_19 = arith.constant 2 : i32
      %mul3A_20 = arith.muli %mul3A_19, %scan3A_16 : i32
      %add3A_21 = arith.addi %mul3A_18, %mul3A_20 : i32
      %mul3A_22 = arith.constant 2 : i32
      %mul3A_23 = arith.muli %add3A_21, %mul3A_22 : i32
      %mul3A_24 = arith.constant 4 : i32
      %mul3A_25 = arith.muli %mul3A_23, %mul3A_24 : i32
      "tpu.region"() ({
        %run_scoped3A = tpu.sem_alloc : memref<!tpu.dma_semaphore, #tpu.memory_space<semaphore_mem>>
        %dma_start3A_410 = arith.constant 0 : i32
        %dma_start3A_411 = tpu.memref_slice %arg2[%mul3A_25, %dma_start3A_410] : memref<51200x128xi32, #tpu.memory_space<hbm>> -> memref<8x128xi32, #tpu.memory_space<hbm>>
        %dma_start3A_412 = arith.constant 0 : i32
        %dma_start3A_413 = tpu.memref_slice %arg2[%mul3A_25, %dma_start3A_412] : memref<51200x128xi32, #tpu.memory_space<hbm>> -> memref<8x128xi32, #tpu.memory_space<hbm>>
        tpu.enqueue_dma source(%dma_start3A_413 : memref<8x128xi32, #tpu.memory_space<hbm>>) target(%arg7 : memref<8x128xi32, #tpu.memory_space<vmem>>) target_semaphore(%run_scoped3A : memref<!tpu.dma_semaphore, #tpu.memory_space<semaphore_mem>>)
        %dma_wait3A_414 = arith.constant 0 : i32
        %dma_wait3A_415 = tpu.memref_slice %arg2[%mul3A_25, %dma_wait3A_414] : memref<51200x128xi32, #tpu.memory_space<hbm>> -> memref<8x128xi32, #tpu.memory_space<hbm>>
        %dma_wait3A_416 = arith.constant 0 : i32
        %dma_wait3A_417 = tpu.memref_slice %arg2[%mul3A_25, %dma_wait3A_416] : memref<51200x128xi32, #tpu.memory_space<hbm>> -> memref<8x128xi32, #tpu.memory_space<hbm>>
        tpu.wait_dma2 semaphore(%run_scoped3A : memref<!tpu.dma_semaphore, #tpu.memory_space<semaphore_mem>>) src(%dma_wait3A_417 : memref<8x128xi32, #tpu.memory_space<hbm>>) dst(%arg7 : memref<8x128xi32, #tpu.memory_space<vmem>>)
        tpu.yield
      }) : () -> ()
      %dma_start3A = arith.constant 0 : i32
      %dma_start3A_26 = arith.constant 0 : i32
      %dma_start3A_27 = arith.constant 0 : i32
      %dma_start3A_28 = arith.constant 0 : i32
      %dma_start3A_29 = tpu.memref_slice %arg9[%dma_start3A_26, %dma_start3A_27, %dma_start3A_28] : memref<4x128x16xf32, #tpu.memory_space<vmem>> -> memref<1x128x16xf32, #tpu.memory_space<vmem>>
      %dma_start3A_30 = tpu.memref_squeeze %dma_start3A_29 : memref<1x128x16xf32, #tpu.memory_space<vmem>> -> memref<128x16xf32, #tpu.memory_space<vmem>>
      %dma_start3A_31 = arith.constant 0 : i32
      %dma_start3A_32 = tpu.memref_slice %arg7[%dma_start3A, %dma_start3A_31] : memref<8x128xi32, #tpu.memory_space<vmem>> -> memref<1x128xi32, #tpu.memory_space<vmem>>
      %dma_start3A_33 = tpu.memref_squeeze %dma_start3A_32 : memref<1x128xi32, #tpu.memory_space<vmem>> -> memref<128xi32, #tpu.memory_space<vmem>>
      %dma_start3A_34 = arith.constant 0 : i32
      %dma_start3A_35 = arith.constant 0 : i32
      %dma_start3A_36 = tpu.memref_slice %arg3[%dma_start3A_34, %dma_start3A_35] : memref<100352x16xf32, #tpu.memory_space<hbm>> -> memref<100352x16xf32, #tpu.memory_space<hbm>>
      tpu.enqueue_indirect_dma source(%dma_start3A_36 : memref<100352x16xf32, #tpu.memory_space<hbm>>) target(%dma_start3A_30 : memref<128x16xf32, #tpu.memory_space<vmem>>) offsets(%dma_start3A_33 : memref<128xi32, #tpu.memory_space<vmem>>) semaphore(%arg11 : memref<!tpu.dma_semaphore, #tpu.memory_space<semaphore_mem>>)
      %dma_start3A_37 = arith.constant 1 : i32
      %dma_start3A_38 = arith.constant 1 : i32
      %dma_start3A_39 = arith.constant 0 : i32
      %dma_start3A_40 = arith.constant 0 : i32
      %dma_start3A_41 = tpu.memref_slice %arg9[%dma_start3A_38, %dma_start3A_39, %dma_start3A_40] : memref<4x128x16xf32, #tpu.memory_space<vmem>> -> memref<1x128x16xf32, #tpu.memory_space<vmem>>
      %dma_start3A_42 = tpu.memref_squeeze %dma_start3A_41 : memref<1x128x16xf32, #tpu.memory_space<vmem>> -> memref<128x16xf32, #tpu.memory_space<vmem>>
      %dma_start3A_43 = arith.constant 0 : i32
      %dma_start3A_44 = tpu.memref_slice %arg7[%dma_start3A_37, %dma_start3A_43] : memref<8x128xi32, #tpu.memory_space<vmem>> -> memref<1x128xi32, #tpu.memory_space<vmem>>
      %dma_start3A_45 = tpu.memref_squeeze %dma_start3A_44 : memref<1x128xi32, #tpu.memory_space<vmem>> -> memref<128xi32, #tpu.memory_space<vmem>>
      %dma_start3A_46 = arith.constant 0 : i32
      %dma_start3A_47 = arith.constant 0 : i32
      %dma_start3A_48 = tpu.memref_slice %arg3[%dma_start3A_46, %dma_start3A_47] : memref<100352x16xf32, #tpu.memory_space<hbm>> -> memref<100352x16xf32, #tpu.memory_space<hbm>>
      tpu.enqueue_indirect_dma source(%dma_start3A_48 : memref<100352x16xf32, #tpu.memory_space<hbm>>) target(%dma_start3A_42 : memref<128x16xf32, #tpu.memory_space<vmem>>) offsets(%dma_start3A_45 : memref<128xi32, #tpu.memory_space<vmem>>) semaphore(%arg11 : memref<!tpu.dma_semaphore, #tpu.memory_space<semaphore_mem>>)
      %dma_start3A_49 = arith.constant 2 : i32
      %dma_start3A_50 = arith.constant 2 : i32
      %dma_start3A_51 = arith.constant 0 : i32
      %dma_start3A_52 = arith.constant 0 : i32
      %dma_start3A_53 = tpu.memref_slice %arg9[%dma_start3A_50, %dma_start3A_51, %dma_start3A_52] : memref<4x128x16xf32, #tpu.memory_space<vmem>> -> memref<1x128x16xf32, #tpu.memory_space<vmem>>
      %dma_start3A_54 = tpu.memref_squeeze %dma_start3A_53 : memref<1x128x16xf32, #tpu.memory_space<vmem>> -> memref<128x16xf32, #tpu.memory_space<vmem>>
      %dma_start3A_55 = arith.constant 0 : i32
      %dma_start3A_56 = tpu.memref_slice %arg7[%dma_start3A_49, %dma_start3A_55] : memref<8x128xi32, #tpu.memory_space<vmem>> -> memref<1x128xi32, #tpu.memory_space<vmem>>
      %dma_start3A_57 = tpu.memref_squeeze %dma_start3A_56 : memref<1x128xi32, #tpu.memory_space<vmem>> -> memref<128xi32, #tpu.memory_space<vmem>>
      %dma_start3A_58 = arith.constant 0 : i32
      %dma_start3A_59 = arith.constant 0 : i32
      %dma_start3A_60 = tpu.memref_slice %arg3[%dma_start3A_58, %dma_start3A_59] : memref<100352x16xf32, #tpu.memory_space<hbm>> -> memref<100352x16xf32, #tpu.memory_space<hbm>>
      tpu.enqueue_indirect_dma source(%dma_start3A_60 : memref<100352x16xf32, #tpu.memory_space<hbm>>) target(%dma_start3A_54 : memref<128x16xf32, #tpu.memory_space<vmem>>) offsets(%dma_start3A_57 : memref<128xi32, #tpu.memory_space<vmem>>) semaphore(%arg11 : memref<!tpu.dma_semaphore, #tpu.memory_space<semaphore_mem>>)
      %dma_start3A_61 = arith.constant 3 : i32
      %dma_start3A_62 = arith.constant 3 : i32
      %dma_start3A_63 = arith.constant 0 : i32
      %dma_start3A_64 = arith.constant 0 : i32
      %dma_start3A_65 = tpu.memref_slice %arg9[%dma_start3A_62, %dma_start3A_63, %dma_start3A_64] : memref<4x128x16xf32, #tpu.memory_space<vmem>> -> memref<1x128x16xf32, #tpu.memory_space<vmem>>
      %dma_start3A_66 = tpu.memref_squeeze %dma_start3A_65 : memref<1x128x16xf32, #tpu.memory_space<vmem>> -> memref<128x16xf32, #tpu.memory_space<vmem>>
      %dma_start3A_67 = arith.constant 0 : i32
      %dma_start3A_68 = tpu.memref_slice %arg7[%dma_start3A_61, %dma_start3A_67] : memref<8x128xi32, #tpu.memory_space<vmem>> -> memref<1x128xi32, #tpu.memory_space<vmem>>
      %dma_start3A_69 = tpu.memref_squeeze %dma_start3A_68 : memref<1x128xi32, #tpu.memory_space<vmem>> -> memref<128xi32, #tpu.memory_space<vmem>>
      %dma_start3A_70 = arith.constant 0 : i32
      %dma_start3A_71 = arith.constant 0 : i32
      %dma_start3A_72 = tpu.memref_slice %arg3[%dma_start3A_70, %dma_start3A_71] : memref<100352x16xf32, #tpu.memory_space<hbm>> -> memref<100352x16xf32, #tpu.memory_space<hbm>>
      tpu.enqueue_indirect_dma source(%dma_start3A_72 : memref<100352x16xf32, #tpu.memory_space<hbm>>) target(%dma_start3A_66 : memref<128x16xf32, #tpu.memory_space<vmem>>) offsets(%dma_start3A_69 : memref<128xi32, #tpu.memory_space<vmem>>) semaphore(%arg11 : memref<!tpu.dma_semaphore, #tpu.memory_space<semaphore_mem>>)
      %add3A_73 = arith.constant 8 : i32
      %add3A_74 = arith.addi %mul3A_25, %add3A_73 : i32
      "tpu.region"() ({
        %run_scoped3A = tpu.sem_alloc : memref<!tpu.dma_semaphore, #tpu.memory_space<semaphore_mem>>
        %dma_start3A_410 = arith.constant 0 : i32
        %dma_start3A_411 = tpu.memref_slice %arg2[%add3A_74, %dma_start3A_410] : memref<51200x128xi32, #tpu.memory_space<hbm>> -> memref<8x128xi32, #tpu.memory_space<hbm>>
        %dma_start3A_412 = arith.constant 0 : i32
        %dma_start3A_413 = tpu.memref_slice %arg2[%add3A_74, %dma_start3A_412] : memref<51200x128xi32, #tpu.memory_space<hbm>> -> memref<8x128xi32, #tpu.memory_space<hbm>>
        tpu.enqueue_dma source(%dma_start3A_413 : memref<8x128xi32, #tpu.memory_space<hbm>>) target(%arg8 : memref<8x128xi32, #tpu.memory_space<vmem>>) target_semaphore(%run_scoped3A : memref<!tpu.dma_semaphore, #tpu.memory_space<semaphore_mem>>)
        %dma_wait3A_414 = arith.constant 0 : i32
        %dma_wait3A_415 = tpu.memref_slice %arg2[%add3A_74, %dma_wait3A_414] : memref<51200x128xi32, #tpu.memory_space<hbm>> -> memref<8x128xi32, #tpu.memory_space<hbm>>
        %dma_wait3A_416 = arith.constant 0 : i32
        %dma_wait3A_417 = tpu.memref_slice %arg2[%add3A_74, %dma_wait3A_416] : memref<51200x128xi32, #tpu.memory_space<hbm>> -> memref<8x128xi32, #tpu.memory_space<hbm>>
        tpu.wait_dma2 semaphore(%run_scoped3A : memref<!tpu.dma_semaphore, #tpu.memory_space<semaphore_mem>>) src(%dma_wait3A_417 : memref<8x128xi32, #tpu.memory_space<hbm>>) dst(%arg8 : memref<8x128xi32, #tpu.memory_space<vmem>>)
        tpu.yield
      }) : () -> ()
      %dma_start3A_75 = arith.constant 0 : i32
      %dma_start3A_76 = arith.constant 0 : i32
      %dma_start3A_77 = arith.constant 0 : i32
      %dma_start3A_78 = arith.constant 0 : i32
      %dma_start3A_79 = tpu.memref_slice %arg10[%dma_start3A_76, %dma_start3A_77, %dma_start3A_78] : memref<4x128x16xf32, #tpu.memory_space<vmem>> -> memref<1x128x16xf32, #tpu.memory_space<vmem>>
      %dma_start3A_80 = tpu.memref_squeeze %dma_start3A_79 : memref<1x128x16xf32, #tpu.memory_space<vmem>> -> memref<128x16xf32, #tpu.memory_space<vmem>>
      %dma_start3A_81 = arith.constant 0 : i32
      %dma_start3A_82 = tpu.memref_slice %arg8[%dma_start3A_75, %dma_start3A_81] : memref<8x128xi32, #tpu.memory_space<vmem>> -> memref<1x128xi32, #tpu.memory_space<vmem>>
      %dma_start3A_83 = tpu.memref_squeeze %dma_start3A_82 : memref<1x128xi32, #tpu.memory_space<vmem>> -> memref<128xi32, #tpu.memory_space<vmem>>
      %dma_start3A_84 = arith.constant 0 : i32
      %dma_start3A_85 = arith.constant 0 : i32
      %dma_start3A_86 = tpu.memref_slice %arg3[%dma_start3A_84, %dma_start3A_85] : memref<100352x16xf32, #tpu.memory_space<hbm>> -> memref<100352x16xf32, #tpu.memory_space<hbm>>
      tpu.enqueue_indirect_dma source(%dma_start3A_86 : memref<100352x16xf32, #tpu.memory_space<hbm>>) target(%dma_start3A_80 : memref<128x16xf32, #tpu.memory_space<vmem>>) offsets(%dma_start3A_83 : memref<128xi32, #tpu.memory_space<vmem>>) semaphore(%arg12 : memref<!tpu.dma_semaphore, #tpu.memory_space<semaphore_mem>>)
      %dma_start3A_87 = arith.constant 1 : i32
      %dma_start3A_88 = arith.constant 1 : i32
      %dma_start3A_89 = arith.constant 0 : i32
      %dma_start3A_90 = arith.constant 0 : i32
      %dma_start3A_91 = tpu.memref_slice %arg10[%dma_start3A_88, %dma_start3A_89, %dma_start3A_90] : memref<4x128x16xf32, #tpu.memory_space<vmem>> -> memref<1x128x16xf32, #tpu.memory_space<vmem>>
      %dma_start3A_92 = tpu.memref_squeeze %dma_start3A_91 : memref<1x128x16xf32, #tpu.memory_space<vmem>> -> memref<128x16xf32, #tpu.memory_space<vmem>>
      %dma_start3A_93 = arith.constant 0 : i32
      %dma_start3A_94 = tpu.memref_slice %arg8[%dma_start3A_87, %dma_start3A_93] : memref<8x128xi32, #tpu.memory_space<vmem>> -> memref<1x128xi32, #tpu.memory_space<vmem>>
      %dma_start3A_95 = tpu.memref_squeeze %dma_start3A_94 : memref<1x128xi32, #tpu.memory_space<vmem>> -> memref<128xi32, #tpu.memory_space<vmem>>
      %dma_start3A_96 = arith.constant 0 : i32
      %dma_start3A_97 = arith.constant 0 : i32
      %dma_start3A_98 = tpu.memref_slice %arg3[%dma_start3A_96, %dma_start3A_97] : memref<100352x16xf32, #tpu.memory_space<hbm>> -> memref<100352x16xf32, #tpu.memory_space<hbm>>
      tpu.enqueue_indirect_dma source(%dma_start3A_98 : memref<100352x16xf32, #tpu.memory_space<hbm>>) target(%dma_start3A_92 : memref<128x16xf32, #tpu.memory_space<vmem>>) offsets(%dma_start3A_95 : memref<128xi32, #tpu.memory_space<vmem>>) semaphore(%arg12 : memref<!tpu.dma_semaphore, #tpu.memory_space<semaphore_mem>>)
      %dma_start3A_99 = arith.constant 2 : i32
      %dma_start3A_100 = arith.constant 2 : i32
      %dma_start3A_101 = arith.constant 0 : i32
      %dma_start3A_102 = arith.constant 0 : i32
      %dma_start3A_103 = tpu.memref_slice %arg10[%dma_start3A_100, %dma_start3A_101, %dma_start3A_102] : memref<4x128x16xf32, #tpu.memory_space<vmem>> -> memref<1x128x16xf32, #tpu.memory_space<vmem>>
      %dma_start3A_104 = tpu.memref_squeeze %dma_start3A_103 : memref<1x128x16xf32, #tpu.memory_space<vmem>> -> memref<128x16xf32, #tpu.memory_space<vmem>>
      %dma_start3A_105 = arith.constant 0 : i32
      %dma_start3A_106 = tpu.memref_slice %arg8[%dma_start3A_99, %dma_start3A_105] : memref<8x128xi32, #tpu.memory_space<vmem>> -> memref<1x128xi32, #tpu.memory_space<vmem>>
      %dma_start3A_107 = tpu.memref_squeeze %dma_start3A_106 : memref<1x128xi32, #tpu.memory_space<vmem>> -> memref<128xi32, #tpu.memory_space<vmem>>
      %dma_start3A_108 = arith.constant 0 : i32
      %dma_start3A_109 = arith.constant 0 : i32
      %dma_start3A_110 = tpu.memref_slice %arg3[%dma_start3A_108, %dma_start3A_109] : memref<100352x16xf32, #tpu.memory_space<hbm>> -> memref<100352x16xf32, #tpu.memory_space<hbm>>
      tpu.enqueue_indirect_dma source(%dma_start3A_110 : memref<100352x16xf32, #tpu.memory_space<hbm>>) target(%dma_start3A_104 : memref<128x16xf32, #tpu.memory_space<vmem>>) offsets(%dma_start3A_107 : memref<128xi32, #tpu.memory_space<vmem>>) semaphore(%arg12 : memref<!tpu.dma_semaphore, #tpu.memory_space<semaphore_mem>>)
      %dma_start3A_111 = arith.constant 3 : i32
      %dma_start3A_112 = arith.constant 3 : i32
      %dma_start3A_113 = arith.constant 0 : i32
      %dma_start3A_114 = arith.constant 0 : i32
      %dma_start3A_115 = tpu.memref_slice %arg10[%dma_start3A_112, %dma_start3A_113, %dma_start3A_114] : memref<4x128x16xf32, #tpu.memory_space<vmem>> -> memref<1x128x16xf32, #tpu.memory_space<vmem>>
      %dma_start3A_116 = tpu.memref_squeeze %dma_start3A_115 : memref<1x128x16xf32, #tpu.memory_space<vmem>> -> memref<128x16xf32, #tpu.memory_space<vmem>>
      %dma_start3A_117 = arith.constant 0 : i32
      %dma_start3A_118 = tpu.memref_slice %arg8[%dma_start3A_111, %dma_start3A_117] : memref<8x128xi32, #tpu.memory_space<vmem>> -> memref<1x128xi32, #tpu.memory_space<vmem>>
      %dma_start3A_119 = tpu.memref_squeeze %dma_start3A_118 : memref<1x128xi32, #tpu.memory_space<vmem>> -> memref<128xi32, #tpu.memory_space<vmem>>
      %dma_start3A_120 = arith.constant 0 : i32
      %dma_start3A_121 = arith.constant 0 : i32
      %dma_start3A_122 = tpu.memref_slice %arg3[%dma_start3A_120, %dma_start3A_121] : memref<100352x16xf32, #tpu.memory_space<hbm>> -> memref<100352x16xf32, #tpu.memory_space<hbm>>
      tpu.enqueue_indirect_dma source(%dma_start3A_122 : memref<100352x16xf32, #tpu.memory_space<hbm>>) target(%dma_start3A_116 : memref<128x16xf32, #tpu.memory_space<vmem>>) offsets(%dma_start3A_119 : memref<128xi32, #tpu.memory_space<vmem>>) semaphore(%arg12 : memref<!tpu.dma_semaphore, #tpu.memory_space<semaphore_mem>>)
      %dma_wait3A = arith.constant 0 : i32
      %dma_wait3A_123 = arith.constant 0 : i32
      %dma_wait3A_124 = arith.constant 0 : i32
      %dma_wait3A_125 = arith.constant 0 : i32
      %dma_wait3A_126 = tpu.memref_slice %arg9[%dma_wait3A_123, %dma_wait3A_124, %dma_wait3A_125] : memref<4x128x16xf32, #tpu.memory_space<vmem>> -> memref<1x128x16xf32, #tpu.memory_space<vmem>>
      %dma_wait3A_127 = tpu.memref_squeeze %dma_wait3A_126 : memref<1x128x16xf32, #tpu.memory_space<vmem>> -> memref<128x16xf32, #tpu.memory_space<vmem>>
      %dma_wait3A_128 = arith.constant 0 : i32
      %dma_wait3A_129 = tpu.memref_slice %arg7[%dma_wait3A, %dma_wait3A_128] : memref<8x128xi32, #tpu.memory_space<vmem>> -> memref<1x128xi32, #tpu.memory_space<vmem>>
      %dma_wait3A_130 = tpu.memref_squeeze %dma_wait3A_129 : memref<1x128xi32, #tpu.memory_space<vmem>> -> memref<128xi32, #tpu.memory_space<vmem>>
      %dma_wait3A_131 = arith.constant 0 : i32
      %dma_wait3A_132 = arith.constant 0 : i32
      %dma_wait3A_133 = tpu.memref_slice %arg3[%dma_wait3A_131, %dma_wait3A_132] : memref<100352x16xf32, #tpu.memory_space<hbm>> -> memref<100352x16xf32, #tpu.memory_space<hbm>>
      tpu.wait_indirect_dma semaphore(%arg11 : memref<!tpu.dma_semaphore, #tpu.memory_space<semaphore_mem>>) src(%dma_wait3A_133 : memref<100352x16xf32, #tpu.memory_space<hbm>>) dst(%dma_wait3A_127 : memref<128x16xf32, #tpu.memory_space<vmem>>)
      %dma_wait3A_134 = arith.constant 1 : i32
      %dma_wait3A_135 = arith.constant 1 : i32
      %dma_wait3A_136 = arith.constant 0 : i32
      %dma_wait3A_137 = arith.constant 0 : i32
      %dma_wait3A_138 = tpu.memref_slice %arg9[%dma_wait3A_135, %dma_wait3A_136, %dma_wait3A_137] : memref<4x128x16xf32, #tpu.memory_space<vmem>> -> memref<1x128x16xf32, #tpu.memory_space<vmem>>
      %dma_wait3A_139 = tpu.memref_squeeze %dma_wait3A_138 : memref<1x128x16xf32, #tpu.memory_space<vmem>> -> memref<128x16xf32, #tpu.memory_space<vmem>>
      %dma_wait3A_140 = arith.constant 0 : i32
      %dma_wait3A_141 = tpu.memref_slice %arg7[%dma_wait3A_134, %dma_wait3A_140] : memref<8x128xi32, #tpu.memory_space<vmem>> -> memref<1x128xi32, #tpu.memory_space<vmem>>
      %dma_wait3A_142 = tpu.memref_squeeze %dma_wait3A_141 : memref<1x128xi32, #tpu.memory_space<vmem>> -> memref<128xi32, #tpu.memory_space<vmem>>
      %dma_wait3A_143 = arith.constant 0 : i32
      %dma_wait3A_144 = arith.constant 0 : i32
      %dma_wait3A_145 = tpu.memref_slice %arg3[%dma_wait3A_143, %dma_wait3A_144] : memref<100352x16xf32, #tpu.memory_space<hbm>> -> memref<100352x16xf32, #tpu.memory_space<hbm>>
      tpu.wait_indirect_dma semaphore(%arg11 : memref<!tpu.dma_semaphore, #tpu.memory_space<semaphore_mem>>) src(%dma_wait3A_145 : memref<100352x16xf32, #tpu.memory_space<hbm>>) dst(%dma_wait3A_139 : memref<128x16xf32, #tpu.memory_space<vmem>>)
      %dma_wait3A_146 = arith.constant 2 : i32
      %dma_wait3A_147 = arith.constant 2 : i32
      %dma_wait3A_148 = arith.constant 0 : i32
      %dma_wait3A_149 = arith.constant 0 : i32
      %dma_wait3A_150 = tpu.memref_slice %arg9[%dma_wait3A_147, %dma_wait3A_148, %dma_wait3A_149] : memref<4x128x16xf32, #tpu.memory_space<vmem>> -> memref<1x128x16xf32, #tpu.memory_space<vmem>>
      %dma_wait3A_151 = tpu.memref_squeeze %dma_wait3A_150 : memref<1x128x16xf32, #tpu.memory_space<vmem>> -> memref<128x16xf32, #tpu.memory_space<vmem>>
      %dma_wait3A_152 = arith.constant 0 : i32
      %dma_wait3A_153 = tpu.memref_slice %arg7[%dma_wait3A_146, %dma_wait3A_152] : memref<8x128xi32, #tpu.memory_space<vmem>> -> memref<1x128xi32, #tpu.memory_space<vmem>>
      %dma_wait3A_154 = tpu.memref_squeeze %dma_wait3A_153 : memref<1x128xi32, #tpu.memory_space<vmem>> -> memref<128xi32, #tpu.memory_space<vmem>>
      %dma_wait3A_155 = arith.constant 0 : i32
      %dma_wait3A_156 = arith.constant 0 : i32
      %dma_wait3A_157 = tpu.memref_slice %arg3[%dma_wait3A_155, %dma_wait3A_156] : memref<100352x16xf32, #tpu.memory_space<hbm>> -> memref<100352x16xf32, #tpu.memory_space<hbm>>
      tpu.wait_indirect_dma semaphore(%arg11 : memref<!tpu.dma_semaphore, #tpu.memory_space<semaphore_mem>>) src(%dma_wait3A_157 : memref<100352x16xf32, #tpu.memory_space<hbm>>) dst(%dma_wait3A_151 : memref<128x16xf32, #tpu.memory_space<vmem>>)
      %dma_wait3A_158 = arith.constant 3 : i32
      %dma_wait3A_159 = arith.constant 3 : i32
      %dma_wait3A_160 = arith.constant 0 : i32
      %dma_wait3A_161 = arith.constant 0 : i32
      %dma_wait3A_162 = tpu.memref_slice %arg9[%dma_wait3A_159, %dma_wait3A_160, %dma_wait3A_161] : memref<4x128x16xf32, #tpu.memory_space<vmem>> -> memref<1x128x16xf32, #tpu.memory_space<vmem>>
      %dma_wait3A_163 = tpu.memref_squeeze %dma_wait3A_162 : memref<1x128x16xf32, #tpu.memory_space<vmem>> -> memref<128x16xf32, #tpu.memory_space<vmem>>
      %dma_wait3A_164 = arith.constant 0 : i32
      %dma_wait3A_165 = tpu.memref_slice %arg7[%dma_wait3A_158, %dma_wait3A_164] : memref<8x128xi32, #tpu.memory_space<vmem>> -> memref<1x128xi32, #tpu.memory_space<vmem>>
      %dma_wait3A_166 = tpu.memref_squeeze %dma_wait3A_165 : memref<1x128xi32, #tpu.memory_space<vmem>> -> memref<128xi32, #tpu.memory_space<vmem>>
      %dma_wait3A_167 = arith.constant 0 : i32
      %dma_wait3A_168 = arith.constant 0 : i32
      %dma_wait3A_169 = tpu.memref_slice %arg3[%dma_wait3A_167, %dma_wait3A_168] : memref<100352x16xf32, #tpu.memory_space<hbm>> -> memref<100352x16xf32, #tpu.memory_space<hbm>>
      tpu.wait_indirect_dma semaphore(%arg11 : memref<!tpu.dma_semaphore, #tpu.memory_space<semaphore_mem>>) src(%dma_wait3A_169 : memref<100352x16xf32, #tpu.memory_space<hbm>>) dst(%dma_wait3A_163 : memref<128x16xf32, #tpu.memory_space<vmem>>)
      %dma_start3A_170 = arith.constant 0 : i32
      %dma_start3A_171 = arith.constant 4 : i32
      %dma_start3A_172 = arith.constant 0 : i32
      %dma_start3A_173 = arith.constant 0 : i32
      %dma_start3A_174 = tpu.memref_slice %arg9[%dma_start3A_170, %dma_start3A_172, %dma_start3A_173] : memref<4x128x16xf32, #tpu.memory_space<vmem>> -> memref<1x128x16xf32, #tpu.memory_space<vmem>>
      %dma_start3A_175 = tpu.memref_squeeze %dma_start3A_174 : memref<1x128x16xf32, #tpu.memory_space<vmem>> -> memref<128x16xf32, #tpu.memory_space<vmem>>
      %dma_start3A_176 = arith.constant 0 : i32
      %dma_start3A_177 = tpu.memref_slice %arg7[%dma_start3A_171, %dma_start3A_176] : memref<8x128xi32, #tpu.memory_space<vmem>> -> memref<1x128xi32, #tpu.memory_space<vmem>>
      %dma_start3A_178 = tpu.memref_squeeze %dma_start3A_177 : memref<1x128xi32, #tpu.memory_space<vmem>> -> memref<128xi32, #tpu.memory_space<vmem>>
      %dma_start3A_179 = arith.constant 0 : i32
      %dma_start3A_180 = arith.constant 0 : i32
      %dma_start3A_181 = tpu.memref_slice %arg6[%dma_start3A_179, %dma_start3A_180] : memref<100352x16xf32, #tpu.memory_space<vmem_shared>> -> memref<100352x16xf32, #tpu.memory_space<vmem_shared>>
      tpu.enqueue_indirect_dma source(%dma_start3A_175 : memref<128x16xf32, #tpu.memory_space<vmem>>) target(%dma_start3A_181 : memref<100352x16xf32, #tpu.memory_space<vmem_shared>>) offsets(%dma_start3A_178 : memref<128xi32, #tpu.memory_space<vmem>>) semaphore(%arg13 : memref<!tpu.dma_semaphore, #tpu.memory_space<semaphore_mem>>) {add = true}
      %dma_start3A_182 = arith.constant 1 : i32
      %dma_start3A_183 = arith.constant 5 : i32
      %dma_start3A_184 = arith.constant 0 : i32
      %dma_start3A_185 = arith.constant 0 : i32
      %dma_start3A_186 = tpu.memref_slice %arg9[%dma_start3A_182, %dma_start3A_184, %dma_start3A_185] : memref<4x128x16xf32, #tpu.memory_space<vmem>> -> memref<1x128x16xf32, #tpu.memory_space<vmem>>
      %dma_start3A_187 = tpu.memref_squeeze %dma_start3A_186 : memref<1x128x16xf32, #tpu.memory_space<vmem>> -> memref<128x16xf32, #tpu.memory_space<vmem>>
      %dma_start3A_188 = arith.constant 0 : i32
      %dma_start3A_189 = tpu.memref_slice %arg7[%dma_start3A_183, %dma_start3A_188] : memref<8x128xi32, #tpu.memory_space<vmem>> -> memref<1x128xi32, #tpu.memory_space<vmem>>
      %dma_start3A_190 = tpu.memref_squeeze %dma_start3A_189 : memref<1x128xi32, #tpu.memory_space<vmem>> -> memref<128xi32, #tpu.memory_space<vmem>>
      %dma_start3A_191 = arith.constant 0 : i32
      %dma_start3A_192 = arith.constant 0 : i32
      %dma_start3A_193 = tpu.memref_slice %arg6[%dma_start3A_191, %dma_start3A_192] : memref<100352x16xf32, #tpu.memory_space<vmem_shared>> -> memref<100352x16xf32, #tpu.memory_space<vmem_shared>>
      tpu.enqueue_indirect_dma source(%dma_start3A_187 : memref<128x16xf32, #tpu.memory_space<vmem>>) target(%dma_start3A_193 : memref<100352x16xf32, #tpu.memory_space<vmem_shared>>) offsets(%dma_start3A_190 : memref<128xi32, #tpu.memory_space<vmem>>) semaphore(%arg13 : memref<!tpu.dma_semaphore, #tpu.memory_space<semaphore_mem>>) {add = true}
      %dma_start3A_194 = arith.constant 2 : i32
      %dma_start3A_195 = arith.constant 6 : i32
      %dma_start3A_196 = arith.constant 0 : i32
      %dma_start3A_197 = arith.constant 0 : i32
      %dma_start3A_198 = tpu.memref_slice %arg9[%dma_start3A_194, %dma_start3A_196, %dma_start3A_197] : memref<4x128x16xf32, #tpu.memory_space<vmem>> -> memref<1x128x16xf32, #tpu.memory_space<vmem>>
      %dma_start3A_199 = tpu.memref_squeeze %dma_start3A_198 : memref<1x128x16xf32, #tpu.memory_space<vmem>> -> memref<128x16xf32, #tpu.memory_space<vmem>>
      %dma_start3A_200 = arith.constant 0 : i32
      %dma_start3A_201 = tpu.memref_slice %arg7[%dma_start3A_195, %dma_start3A_200] : memref<8x128xi32, #tpu.memory_space<vmem>> -> memref<1x128xi32, #tpu.memory_space<vmem>>
      %dma_start3A_202 = tpu.memref_squeeze %dma_start3A_201 : memref<1x128xi32, #tpu.memory_space<vmem>> -> memref<128xi32, #tpu.memory_space<vmem>>
      %dma_start3A_203 = arith.constant 0 : i32
      %dma_start3A_204 = arith.constant 0 : i32
      %dma_start3A_205 = tpu.memref_slice %arg6[%dma_start3A_203, %dma_start3A_204] : memref<100352x16xf32, #tpu.memory_space<vmem_shared>> -> memref<100352x16xf32, #tpu.memory_space<vmem_shared>>
      tpu.enqueue_indirect_dma source(%dma_start3A_199 : memref<128x16xf32, #tpu.memory_space<vmem>>) target(%dma_start3A_205 : memref<100352x16xf32, #tpu.memory_space<vmem_shared>>) offsets(%dma_start3A_202 : memref<128xi32, #tpu.memory_space<vmem>>) semaphore(%arg13 : memref<!tpu.dma_semaphore, #tpu.memory_space<semaphore_mem>>) {add = true}
      %dma_start3A_206 = arith.constant 3 : i32
      %dma_start3A_207 = arith.constant 7 : i32
      %dma_start3A_208 = arith.constant 0 : i32
      %dma_start3A_209 = arith.constant 0 : i32
      %dma_start3A_210 = tpu.memref_slice %arg9[%dma_start3A_206, %dma_start3A_208, %dma_start3A_209] : memref<4x128x16xf32, #tpu.memory_space<vmem>> -> memref<1x128x16xf32, #tpu.memory_space<vmem>>
      %dma_start3A_211 = tpu.memref_squeeze %dma_start3A_210 : memref<1x128x16xf32, #tpu.memory_space<vmem>> -> memref<128x16xf32, #tpu.memory_space<vmem>>
      %dma_start3A_212 = arith.constant 0 : i32
      %dma_start3A_213 = tpu.memref_slice %arg7[%dma_start3A_207, %dma_start3A_212] : memref<8x128xi32, #tpu.memory_space<vmem>> -> memref<1x128xi32, #tpu.memory_space<vmem>>
      %dma_start3A_214 = tpu.memref_squeeze %dma_start3A_213 : memref<1x128xi32, #tpu.memory_space<vmem>> -> memref<128xi32, #tpu.memory_space<vmem>>
      %dma_start3A_215 = arith.constant 0 : i32
      %dma_start3A_216 = arith.constant 0 : i32
      %dma_start3A_217 = tpu.memref_slice %arg6[%dma_start3A_215, %dma_start3A_216] : memref<100352x16xf32, #tpu.memory_space<vmem_shared>> -> memref<100352x16xf32, #tpu.memory_space<vmem_shared>>
      tpu.enqueue_indirect_dma source(%dma_start3A_211 : memref<128x16xf32, #tpu.memory_space<vmem>>) target(%dma_start3A_217 : memref<100352x16xf32, #tpu.memory_space<vmem_shared>>) offsets(%dma_start3A_214 : memref<128xi32, #tpu.memory_space<vmem>>) semaphore(%arg13 : memref<!tpu.dma_semaphore, #tpu.memory_space<semaphore_mem>>) {add = true}
      %dma_wait3A_218 = arith.constant 0 : i32
      %dma_wait3A_219 = arith.constant 0 : i32
      %dma_wait3A_220 = arith.constant 0 : i32
      %dma_wait3A_221 = arith.constant 0 : i32
      %dma_wait3A_222 = tpu.memref_slice %arg10[%dma_wait3A_219, %dma_wait3A_220, %dma_wait3A_221] : memref<4x128x16xf32, #tpu.memory_space<vmem>> -> memref<1x128x16xf32, #tpu.memory_space<vmem>>
      %dma_wait3A_223 = tpu.memref_squeeze %dma_wait3A_222 : memref<1x128x16xf32, #tpu.memory_space<vmem>> -> memref<128x16xf32, #tpu.memory_space<vmem>>
      %dma_wait3A_224 = arith.constant 0 : i32
      %dma_wait3A_225 = tpu.memref_slice %arg8[%dma_wait3A_218, %dma_wait3A_224] : memref<8x128xi32, #tpu.memory_space<vmem>> -> memref<1x128xi32, #tpu.memory_space<vmem>>
      %dma_wait3A_226 = tpu.memref_squeeze %dma_wait3A_225 : memref<1x128xi32, #tpu.memory_space<vmem>> -> memref<128xi32, #tpu.memory_space<vmem>>
      %dma_wait3A_227 = arith.constant 0 : i32
      %dma_wait3A_228 = arith.constant 0 : i32
      %dma_wait3A_229 = tpu.memref_slice %arg3[%dma_wait3A_227, %dma_wait3A_228] : memref<100352x16xf32, #tpu.memory_space<hbm>> -> memref<100352x16xf32, #tpu.memory_space<hbm>>
      tpu.wait_indirect_dma semaphore(%arg12 : memref<!tpu.dma_semaphore, #tpu.memory_space<semaphore_mem>>) src(%dma_wait3A_229 : memref<100352x16xf32, #tpu.memory_space<hbm>>) dst(%dma_wait3A_223 : memref<128x16xf32, #tpu.memory_space<vmem>>)
      %dma_wait3A_230 = arith.constant 1 : i32
      %dma_wait3A_231 = arith.constant 1 : i32
      %dma_wait3A_232 = arith.constant 0 : i32
      %dma_wait3A_233 = arith.constant 0 : i32
      %dma_wait3A_234 = tpu.memref_slice %arg10[%dma_wait3A_231, %dma_wait3A_232, %dma_wait3A_233] : memref<4x128x16xf32, #tpu.memory_space<vmem>> -> memref<1x128x16xf32, #tpu.memory_space<vmem>>
      %dma_wait3A_235 = tpu.memref_squeeze %dma_wait3A_234 : memref<1x128x16xf32, #tpu.memory_space<vmem>> -> memref<128x16xf32, #tpu.memory_space<vmem>>
      %dma_wait3A_236 = arith.constant 0 : i32
      %dma_wait3A_237 = tpu.memref_slice %arg8[%dma_wait3A_230, %dma_wait3A_236] : memref<8x128xi32, #tpu.memory_space<vmem>> -> memref<1x128xi32, #tpu.memory_space<vmem>>
      %dma_wait3A_238 = tpu.memref_squeeze %dma_wait3A_237 : memref<1x128xi32, #tpu.memory_space<vmem>> -> memref<128xi32, #tpu.memory_space<vmem>>
      %dma_wait3A_239 = arith.constant 0 : i32
      %dma_wait3A_240 = arith.constant 0 : i32
      %dma_wait3A_241 = tpu.memref_slice %arg3[%dma_wait3A_239, %dma_wait3A_240] : memref<100352x16xf32, #tpu.memory_space<hbm>> -> memref<100352x16xf32, #tpu.memory_space<hbm>>
      tpu.wait_indirect_dma semaphore(%arg12 : memref<!tpu.dma_semaphore, #tpu.memory_space<semaphore_mem>>) src(%dma_wait3A_241 : memref<100352x16xf32, #tpu.memory_space<hbm>>) dst(%dma_wait3A_235 : memref<128x16xf32, #tpu.memory_space<vmem>>)
      %dma_wait3A_242 = arith.constant 2 : i32
      %dma_wait3A_243 = arith.constant 2 : i32
      %dma_wait3A_244 = arith.constant 0 : i32
      %dma_wait3A_245 = arith.constant 0 : i32
      %dma_wait3A_246 = tpu.memref_slice %arg10[%dma_wait3A_243, %dma_wait3A_244, %dma_wait3A_245] : memref<4x128x16xf32, #tpu.memory_space<vmem>> -> memref<1x128x16xf32, #tpu.memory_space<vmem>>
      %dma_wait3A_247 = tpu.memref_squeeze %dma_wait3A_246 : memref<1x128x16xf32, #tpu.memory_space<vmem>> -> memref<128x16xf32, #tpu.memory_space<vmem>>
      %dma_wait3A_248 = arith.constant 0 : i32
      %dma_wait3A_249 = tpu.memref_slice %arg8[%dma_wait3A_242, %dma_wait3A_248] : memref<8x128xi32, #tpu.memory_space<vmem>> -> memref<1x128xi32, #tpu.memory_space<vmem>>
      %dma_wait3A_250 = tpu.memref_squeeze %dma_wait3A_249 : memref<1x128xi32, #tpu.memory_space<vmem>> -> memref<128xi32, #tpu.memory_space<vmem>>
      %dma_wait3A_251 = arith.constant 0 : i32
      %dma_wait3A_252 = arith.constant 0 : i32
      %dma_wait3A_253 = tpu.memref_slice %arg3[%dma_wait3A_251, %dma_wait3A_252] : memref<100352x16xf32, #tpu.memory_space<hbm>> -> memref<100352x16xf32, #tpu.memory_space<hbm>>
      tpu.wait_indirect_dma semaphore(%arg12 : memref<!tpu.dma_semaphore, #tpu.memory_space<semaphore_mem>>) src(%dma_wait3A_253 : memref<100352x16xf32, #tpu.memory_space<hbm>>) dst(%dma_wait3A_247 : memref<128x16xf32, #tpu.memory_space<vmem>>)
      %dma_wait3A_254 = arith.constant 3 : i32
      %dma_wait3A_255 = arith.constant 3 : i32
      %dma_wait3A_256 = arith.constant 0 : i32
      %dma_wait3A_257 = arith.constant 0 : i32
      %dma_wait3A_258 = tpu.memref_slice %arg10[%dma_wait3A_255, %dma_wait3A_256, %dma_wait3A_257] : memref<4x128x16xf32, #tpu.memory_space<vmem>> -> memref<1x128x16xf32, #tpu.memory_space<vmem>>
      %dma_wait3A_259 = tpu.memref_squeeze %dma_wait3A_258 : memref<1x128x16xf32, #tpu.memory_space<vmem>> -> memref<128x16xf32, #tpu.memory_space<vmem>>
      %dma_wait3A_260 = arith.constant 0 : i32
      %dma_wait3A_261 = tpu.memref_slice %arg8[%dma_wait3A_254, %dma_wait3A_260] : memref<8x128xi32, #tpu.memory_space<vmem>> -> memref<1x128xi32, #tpu.memory_space<vmem>>
      %dma_wait3A_262 = tpu.memref_squeeze %dma_wait3A_261 : memref<1x128xi32, #tpu.memory_space<vmem>> -> memref<128xi32, #tpu.memory_space<vmem>>
      %dma_wait3A_263 = arith.constant 0 : i32
      %dma_wait3A_264 = arith.constant 0 : i32
      %dma_wait3A_265 = tpu.memref_slice %arg3[%dma_wait3A_263, %dma_wait3A_264] : memref<100352x16xf32, #tpu.memory_space<hbm>> -> memref<100352x16xf32, #tpu.memory_space<hbm>>
      tpu.wait_indirect_dma semaphore(%arg12 : memref<!tpu.dma_semaphore, #tpu.memory_space<semaphore_mem>>) src(%dma_wait3A_265 : memref<100352x16xf32, #tpu.memory_space<hbm>>) dst(%dma_wait3A_259 : memref<128x16xf32, #tpu.memory_space<vmem>>)
      %dma_start3A_266 = arith.constant 0 : i32
      %dma_start3A_267 = arith.constant 4 : i32
      %dma_start3A_268 = arith.constant 0 : i32
      %dma_start3A_269 = arith.constant 0 : i32
      %dma_start3A_270 = tpu.memref_slice %arg10[%dma_start3A_266, %dma_start3A_268, %dma_start3A_269] : memref<4x128x16xf32, #tpu.memory_space<vmem>> -> memref<1x128x16xf32, #tpu.memory_space<vmem>>
      %dma_start3A_271 = tpu.memref_squeeze %dma_start3A_270 : memref<1x128x16xf32, #tpu.memory_space<vmem>> -> memref<128x16xf32, #tpu.memory_space<vmem>>
      %dma_start3A_272 = arith.constant 0 : i32
      %dma_start3A_273 = tpu.memref_slice %arg8[%dma_start3A_267, %dma_start3A_272] : memref<8x128xi32, #tpu.memory_space<vmem>> -> memref<1x128xi32, #tpu.memory_space<vmem>>
      %dma_start3A_274 = tpu.memref_squeeze %dma_start3A_273 : memref<1x128xi32, #tpu.memory_space<vmem>> -> memref<128xi32, #tpu.memory_space<vmem>>
      %dma_start3A_275 = arith.constant 0 : i32
      %dma_start3A_276 = arith.constant 0 : i32
      %dma_start3A_277 = tpu.memref_slice %arg6[%dma_start3A_275, %dma_start3A_276] : memref<100352x16xf32, #tpu.memory_space<vmem_shared>> -> memref<100352x16xf32, #tpu.memory_space<vmem_shared>>
      tpu.enqueue_indirect_dma source(%dma_start3A_271 : memref<128x16xf32, #tpu.memory_space<vmem>>) target(%dma_start3A_277 : memref<100352x16xf32, #tpu.memory_space<vmem_shared>>) offsets(%dma_start3A_274 : memref<128xi32, #tpu.memory_space<vmem>>) semaphore(%arg14 : memref<!tpu.dma_semaphore, #tpu.memory_space<semaphore_mem>>) {add = true}
      %dma_start3A_278 = arith.constant 1 : i32
      %dma_start3A_279 = arith.constant 5 : i32
      %dma_start3A_280 = arith.constant 0 : i32
      %dma_start3A_281 = arith.constant 0 : i32
      %dma_start3A_282 = tpu.memref_slice %arg10[%dma_start3A_278, %dma_start3A_280, %dma_start3A_281] : memref<4x128x16xf32, #tpu.memory_space<vmem>> -> memref<1x128x16xf32, #tpu.memory_space<vmem>>
      %dma_start3A_283 = tpu.memref_squeeze %dma_start3A_282 : memref<1x128x16xf32, #tpu.memory_space<vmem>> -> memref<128x16xf32, #tpu.memory_space<vmem>>
      %dma_start3A_284 = arith.constant 0 : i32
      %dma_start3A_285 = tpu.memref_slice %arg8[%dma_start3A_279, %dma_start3A_284] : memref<8x128xi32, #tpu.memory_space<vmem>> -> memref<1x128xi32, #tpu.memory_space<vmem>>
      %dma_start3A_286 = tpu.memref_squeeze %dma_start3A_285 : memref<1x128xi32, #tpu.memory_space<vmem>> -> memref<128xi32, #tpu.memory_space<vmem>>
      %dma_start3A_287 = arith.constant 0 : i32
      %dma_start3A_288 = arith.constant 0 : i32
      %dma_start3A_289 = tpu.memref_slice %arg6[%dma_start3A_287, %dma_start3A_288] : memref<100352x16xf32, #tpu.memory_space<vmem_shared>> -> memref<100352x16xf32, #tpu.memory_space<vmem_shared>>
      tpu.enqueue_indirect_dma source(%dma_start3A_283 : memref<128x16xf32, #tpu.memory_space<vmem>>) target(%dma_start3A_289 : memref<100352x16xf32, #tpu.memory_space<vmem_shared>>) offsets(%dma_start3A_286 : memref<128xi32, #tpu.memory_space<vmem>>) semaphore(%arg14 : memref<!tpu.dma_semaphore, #tpu.memory_space<semaphore_mem>>) {add = true}
      %dma_start3A_290 = arith.constant 2 : i32
      %dma_start3A_291 = arith.constant 6 : i32
      %dma_start3A_292 = arith.constant 0 : i32
      %dma_start3A_293 = arith.constant 0 : i32
      %dma_start3A_294 = tpu.memref_slice %arg10[%dma_start3A_290, %dma_start3A_292, %dma_start3A_293] : memref<4x128x16xf32, #tpu.memory_space<vmem>> -> memref<1x128x16xf32, #tpu.memory_space<vmem>>
      %dma_start3A_295 = tpu.memref_squeeze %dma_start3A_294 : memref<1x128x16xf32, #tpu.memory_space<vmem>> -> memref<128x16xf32, #tpu.memory_space<vmem>>
      %dma_start3A_296 = arith.constant 0 : i32
      %dma_start3A_297 = tpu.memref_slice %arg8[%dma_start3A_291, %dma_start3A_296] : memref<8x128xi32, #tpu.memory_space<vmem>> -> memref<1x128xi32, #tpu.memory_space<vmem>>
      %dma_start3A_298 = tpu.memref_squeeze %dma_start3A_297 : memref<1x128xi32, #tpu.memory_space<vmem>> -> memref<128xi32, #tpu.memory_space<vmem>>
      %dma_start3A_299 = arith.constant 0 : i32
      %dma_start3A_300 = arith.constant 0 : i32
      %dma_start3A_301 = tpu.memref_slice %arg6[%dma_start3A_299, %dma_start3A_300] : memref<100352x16xf32, #tpu.memory_space<vmem_shared>> -> memref<100352x16xf32, #tpu.memory_space<vmem_shared>>
      tpu.enqueue_indirect_dma source(%dma_start3A_295 : memref<128x16xf32, #tpu.memory_space<vmem>>) target(%dma_start3A_301 : memref<100352x16xf32, #tpu.memory_space<vmem_shared>>) offsets(%dma_start3A_298 : memref<128xi32, #tpu.memory_space<vmem>>) semaphore(%arg14 : memref<!tpu.dma_semaphore, #tpu.memory_space<semaphore_mem>>) {add = true}
      %dma_start3A_302 = arith.constant 3 : i32
      %dma_start3A_303 = arith.constant 7 : i32
      %dma_start3A_304 = arith.constant 0 : i32
      %dma_start3A_305 = arith.constant 0 : i32
      %dma_start3A_306 = tpu.memref_slice %arg10[%dma_start3A_302, %dma_start3A_304, %dma_start3A_305] : memref<4x128x16xf32, #tpu.memory_space<vmem>> -> memref<1x128x16xf32, #tpu.memory_space<vmem>>
      %dma_start3A_307 = tpu.memref_squeeze %dma_start3A_306 : memref<1x128x16xf32, #tpu.memory_space<vmem>> -> memref<128x16xf32, #tpu.memory_space<vmem>>
      %dma_start3A_308 = arith.constant 0 : i32
      %dma_start3A_309 = tpu.memref_slice %arg8[%dma_start3A_303, %dma_start3A_308] : memref<8x128xi32, #tpu.memory_space<vmem>> -> memref<1x128xi32, #tpu.memory_space<vmem>>
      %dma_start3A_310 = tpu.memref_squeeze %dma_start3A_309 : memref<1x128xi32, #tpu.memory_space<vmem>> -> memref<128xi32, #tpu.memory_space<vmem>>
      %dma_start3A_311 = arith.constant 0 : i32
      %dma_start3A_312 = arith.constant 0 : i32
      %dma_start3A_313 = tpu.memref_slice %arg6[%dma_start3A_311, %dma_start3A_312] : memref<100352x16xf32, #tpu.memory_space<vmem_shared>> -> memref<100352x16xf32, #tpu.memory_space<vmem_shared>>
      tpu.enqueue_indirect_dma source(%dma_start3A_307 : memref<128x16xf32, #tpu.memory_space<vmem>>) target(%dma_start3A_313 : memref<100352x16xf32, #tpu.memory_space<vmem_shared>>) offsets(%dma_start3A_310 : memref<128xi32, #tpu.memory_space<vmem>>) semaphore(%arg14 : memref<!tpu.dma_semaphore, #tpu.memory_space<semaphore_mem>>) {add = true}
      %dma_wait3A_314 = arith.constant 0 : i32
      %dma_wait3A_315 = arith.constant 4 : i32
      %dma_wait3A_316 = arith.constant 0 : i32
      %dma_wait3A_317 = arith.constant 0 : i32
      %dma_wait3A_318 = tpu.memref_slice %arg9[%dma_wait3A_314, %dma_wait3A_316, %dma_wait3A_317] : memref<4x128x16xf32, #tpu.memory_space<vmem>> -> memref<1x128x16xf32, #tpu.memory_space<vmem>>
      %dma_wait3A_319 = tpu.memref_squeeze %dma_wait3A_318 : memref<1x128x16xf32, #tpu.memory_space<vmem>> -> memref<128x16xf32, #tpu.memory_space<vmem>>
      %dma_wait3A_320 = arith.constant 0 : i32
      %dma_wait3A_321 = tpu.memref_slice %arg7[%dma_wait3A_315, %dma_wait3A_320] : memref<8x128xi32, #tpu.memory_space<vmem>> -> memref<1x128xi32, #tpu.memory_space<vmem>>
      %dma_wait3A_322 = tpu.memref_squeeze %dma_wait3A_321 : memref<1x128xi32, #tpu.memory_space<vmem>> -> memref<128xi32, #tpu.memory_space<vmem>>
      %dma_wait3A_323 = arith.constant 0 : i32
      %dma_wait3A_324 = arith.constant 0 : i32
      %dma_wait3A_325 = tpu.memref_slice %arg6[%dma_wait3A_323, %dma_wait3A_324] : memref<100352x16xf32, #tpu.memory_space<vmem_shared>> -> memref<100352x16xf32, #tpu.memory_space<vmem_shared>>
      tpu.wait_indirect_dma semaphore(%arg13 : memref<!tpu.dma_semaphore, #tpu.memory_space<semaphore_mem>>) src(%dma_wait3A_319 : memref<128x16xf32, #tpu.memory_space<vmem>>) dst(%dma_wait3A_325 : memref<100352x16xf32, #tpu.memory_space<vmem_shared>>)
      %dma_wait3A_326 = arith.constant 1 : i32
      %dma_wait3A_327 = arith.constant 5 : i32
      %dma_wait3A_328 = arith.constant 0 : i32
      %dma_wait3A_329 = arith.constant 0 : i32
      %dma_wait3A_330 = tpu.memref_slice %arg9[%dma_wait3A_326, %dma_wait3A_328, %dma_wait3A_329] : memref<4x128x16xf32, #tpu.memory_space<vmem>> -> memref<1x128x16xf32, #tpu.memory_space<vmem>>
      %dma_wait3A_331 = tpu.memref_squeeze %dma_wait3A_330 : memref<1x128x16xf32, #tpu.memory_space<vmem>> -> memref<128x16xf32, #tpu.memory_space<vmem>>
      %dma_wait3A_332 = arith.constant 0 : i32
      %dma_wait3A_333 = tpu.memref_slice %arg7[%dma_wait3A_327, %dma_wait3A_332] : memref<8x128xi32, #tpu.memory_space<vmem>> -> memref<1x128xi32, #tpu.memory_space<vmem>>
      %dma_wait3A_334 = tpu.memref_squeeze %dma_wait3A_333 : memref<1x128xi32, #tpu.memory_space<vmem>> -> memref<128xi32, #tpu.memory_space<vmem>>
      %dma_wait3A_335 = arith.constant 0 : i32
      %dma_wait3A_336 = arith.constant 0 : i32
      %dma_wait3A_337 = tpu.memref_slice %arg6[%dma_wait3A_335, %dma_wait3A_336] : memref<100352x16xf32, #tpu.memory_space<vmem_shared>> -> memref<100352x16xf32, #tpu.memory_space<vmem_shared>>
      tpu.wait_indirect_dma semaphore(%arg13 : memref<!tpu.dma_semaphore, #tpu.memory_space<semaphore_mem>>) src(%dma_wait3A_331 : memref<128x16xf32, #tpu.memory_space<vmem>>) dst(%dma_wait3A_337 : memref<100352x16xf32, #tpu.memory_space<vmem_shared>>)
      %dma_wait3A_338 = arith.constant 2 : i32
      %dma_wait3A_339 = arith.constant 6 : i32
      %dma_wait3A_340 = arith.constant 0 : i32
      %dma_wait3A_341 = arith.constant 0 : i32
      %dma_wait3A_342 = tpu.memref_slice %arg9[%dma_wait3A_338, %dma_wait3A_340, %dma_wait3A_341] : memref<4x128x16xf32, #tpu.memory_space<vmem>> -> memref<1x128x16xf32, #tpu.memory_space<vmem>>
      %dma_wait3A_343 = tpu.memref_squeeze %dma_wait3A_342 : memref<1x128x16xf32, #tpu.memory_space<vmem>> -> memref<128x16xf32, #tpu.memory_space<vmem>>
      %dma_wait3A_344 = arith.constant 0 : i32
      %dma_wait3A_345 = tpu.memref_slice %arg7[%dma_wait3A_339, %dma_wait3A_344] : memref<8x128xi32, #tpu.memory_space<vmem>> -> memref<1x128xi32, #tpu.memory_space<vmem>>
      %dma_wait3A_346 = tpu.memref_squeeze %dma_wait3A_345 : memref<1x128xi32, #tpu.memory_space<vmem>> -> memref<128xi32, #tpu.memory_space<vmem>>
      %dma_wait3A_347 = arith.constant 0 : i32
      %dma_wait3A_348 = arith.constant 0 : i32
      %dma_wait3A_349 = tpu.memref_slice %arg6[%dma_wait3A_347, %dma_wait3A_348] : memref<100352x16xf32, #tpu.memory_space<vmem_shared>> -> memref<100352x16xf32, #tpu.memory_space<vmem_shared>>
      tpu.wait_indirect_dma semaphore(%arg13 : memref<!tpu.dma_semaphore, #tpu.memory_space<semaphore_mem>>) src(%dma_wait3A_343 : memref<128x16xf32, #tpu.memory_space<vmem>>) dst(%dma_wait3A_349 : memref<100352x16xf32, #tpu.memory_space<vmem_shared>>)
      %dma_wait3A_350 = arith.constant 3 : i32
      %dma_wait3A_351 = arith.constant 7 : i32
      %dma_wait3A_352 = arith.constant 0 : i32
      %dma_wait3A_353 = arith.constant 0 : i32
      %dma_wait3A_354 = tpu.memref_slice %arg9[%dma_wait3A_350, %dma_wait3A_352, %dma_wait3A_353] : memref<4x128x16xf32, #tpu.memory_space<vmem>> -> memref<1x128x16xf32, #tpu.memory_space<vmem>>
      %dma_wait3A_355 = tpu.memref_squeeze %dma_wait3A_354 : memref<1x128x16xf32, #tpu.memory_space<vmem>> -> memref<128x16xf32, #tpu.memory_space<vmem>>
      %dma_wait3A_356 = arith.constant 0 : i32
      %dma_wait3A_357 = tpu.memref_slice %arg7[%dma_wait3A_351, %dma_wait3A_356] : memref<8x128xi32, #tpu.memory_space<vmem>> -> memref<1x128xi32, #tpu.memory_space<vmem>>
      %dma_wait3A_358 = tpu.memref_squeeze %dma_wait3A_357 : memref<1x128xi32, #tpu.memory_space<vmem>> -> memref<128xi32, #tpu.memory_space<vmem>>
      %dma_wait3A_359 = arith.constant 0 : i32
      %dma_wait3A_360 = arith.constant 0 : i32
      %dma_wait3A_361 = tpu.memref_slice %arg6[%dma_wait3A_359, %dma_wait3A_360] : memref<100352x16xf32, #tpu.memory_space<vmem_shared>> -> memref<100352x16xf32, #tpu.memory_space<vmem_shared>>
      tpu.wait_indirect_dma semaphore(%arg13 : memref<!tpu.dma_semaphore, #tpu.memory_space<semaphore_mem>>) src(%dma_wait3A_355 : memref<128x16xf32, #tpu.memory_space<vmem>>) dst(%dma_wait3A_361 : memref<100352x16xf32, #tpu.memory_space<vmem_shared>>)
      %dma_wait3A_362 = arith.constant 0 : i32
      %dma_wait3A_363 = arith.constant 4 : i32
      %dma_wait3A_364 = arith.constant 0 : i32
      %dma_wait3A_365 = arith.constant 0 : i32
      %dma_wait3A_366 = tpu.memref_slice %arg10[%dma_wait3A_362, %dma_wait3A_364, %dma_wait3A_365] : memref<4x128x16xf32, #tpu.memory_space<vmem>> -> memref<1x128x16xf32, #tpu.memory_space<vmem>>
      %dma_wait3A_367 = tpu.memref_squeeze %dma_wait3A_366 : memref<1x128x16xf32, #tpu.memory_space<vmem>> -> memref<128x16xf32, #tpu.memory_space<vmem>>
      %dma_wait3A_368 = arith.constant 0 : i32
      %dma_wait3A_369 = tpu.memref_slice %arg8[%dma_wait3A_363, %dma_wait3A_368] : memref<8x128xi32, #tpu.memory_space<vmem>> -> memref<1x128xi32, #tpu.memory_space<vmem>>
      %dma_wait3A_370 = tpu.memref_squeeze %dma_wait3A_369 : memref<1x128xi32, #tpu.memory_space<vmem>> -> memref<128xi32, #tpu.memory_space<vmem>>
      %dma_wait3A_371 = arith.constant 0 : i32
      %dma_wait3A_372 = arith.constant 0 : i32
      %dma_wait3A_373 = tpu.memref_slice %arg6[%dma_wait3A_371, %dma_wait3A_372] : memref<100352x16xf32, #tpu.memory_space<vmem_shared>> -> memref<100352x16xf32, #tpu.memory_space<vmem_shared>>
      tpu.wait_indirect_dma semaphore(%arg14 : memref<!tpu.dma_semaphore, #tpu.memory_space<semaphore_mem>>) src(%dma_wait3A_367 : memref<128x16xf32, #tpu.memory_space<vmem>>) dst(%dma_wait3A_373 : memref<100352x16xf32, #tpu.memory_space<vmem_shared>>)
      %dma_wait3A_374 = arith.constant 1 : i32
      %dma_wait3A_375 = arith.constant 5 : i32
      %dma_wait3A_376 = arith.constant 0 : i32
      %dma_wait3A_377 = arith.constant 0 : i32
      %dma_wait3A_378 = tpu.memref_slice %arg10[%dma_wait3A_374, %dma_wait3A_376, %dma_wait3A_377] : memref<4x128x16xf32, #tpu.memory_space<vmem>> -> memref<1x128x16xf32, #tpu.memory_space<vmem>>
      %dma_wait3A_379 = tpu.memref_squeeze %dma_wait3A_378 : memref<1x128x16xf32, #tpu.memory_space<vmem>> -> memref<128x16xf32, #tpu.memory_space<vmem>>
      %dma_wait3A_380 = arith.constant 0 : i32
      %dma_wait3A_381 = tpu.memref_slice %arg8[%dma_wait3A_375, %dma_wait3A_380] : memref<8x128xi32, #tpu.memory_space<vmem>> -> memref<1x128xi32, #tpu.memory_space<vmem>>
      %dma_wait3A_382 = tpu.memref_squeeze %dma_wait3A_381 : memref<1x128xi32, #tpu.memory_space<vmem>> -> memref<128xi32, #tpu.memory_space<vmem>>
      %dma_wait3A_383 = arith.constant 0 : i32
      %dma_wait3A_384 = arith.constant 0 : i32
      %dma_wait3A_385 = tpu.memref_slice %arg6[%dma_wait3A_383, %dma_wait3A_384] : memref<100352x16xf32, #tpu.memory_space<vmem_shared>> -> memref<100352x16xf32, #tpu.memory_space<vmem_shared>>
      tpu.wait_indirect_dma semaphore(%arg14 : memref<!tpu.dma_semaphore, #tpu.memory_space<semaphore_mem>>) src(%dma_wait3A_379 : memref<128x16xf32, #tpu.memory_space<vmem>>) dst(%dma_wait3A_385 : memref<100352x16xf32, #tpu.memory_space<vmem_shared>>)
      %dma_wait3A_386 = arith.constant 2 : i32
      %dma_wait3A_387 = arith.constant 6 : i32
      %dma_wait3A_388 = arith.constant 0 : i32
      %dma_wait3A_389 = arith.constant 0 : i32
      %dma_wait3A_390 = tpu.memref_slice %arg10[%dma_wait3A_386, %dma_wait3A_388, %dma_wait3A_389] : memref<4x128x16xf32, #tpu.memory_space<vmem>> -> memref<1x128x16xf32, #tpu.memory_space<vmem>>
      %dma_wait3A_391 = tpu.memref_squeeze %dma_wait3A_390 : memref<1x128x16xf32, #tpu.memory_space<vmem>> -> memref<128x16xf32, #tpu.memory_space<vmem>>
      %dma_wait3A_392 = arith.constant 0 : i32
      %dma_wait3A_393 = tpu.memref_slice %arg8[%dma_wait3A_387, %dma_wait3A_392] : memref<8x128xi32, #tpu.memory_space<vmem>> -> memref<1x128xi32, #tpu.memory_space<vmem>>
      %dma_wait3A_394 = tpu.memref_squeeze %dma_wait3A_393 : memref<1x128xi32, #tpu.memory_space<vmem>> -> memref<128xi32, #tpu.memory_space<vmem>>
      %dma_wait3A_395 = arith.constant 0 : i32
      %dma_wait3A_396 = arith.constant 0 : i32
      %dma_wait3A_397 = tpu.memref_slice %arg6[%dma_wait3A_395, %dma_wait3A_396] : memref<100352x16xf32, #tpu.memory_space<vmem_shared>> -> memref<100352x16xf32, #tpu.memory_space<vmem_shared>>
      tpu.wait_indirect_dma semaphore(%arg14 : memref<!tpu.dma_semaphore, #tpu.memory_space<semaphore_mem>>) src(%dma_wait3A_391 : memref<128x16xf32, #tpu.memory_space<vmem>>) dst(%dma_wait3A_397 : memref<100352x16xf32, #tpu.memory_space<vmem_shared>>)
      %dma_wait3A_398 = arith.constant 3 : i32
      %dma_wait3A_399 = arith.constant 7 : i32
      %dma_wait3A_400 = arith.constant 0 : i32
      %dma_wait3A_401 = arith.constant 0 : i32
      %dma_wait3A_402 = tpu.memref_slice %arg10[%dma_wait3A_398, %dma_wait3A_400, %dma_wait3A_401] : memref<4x128x16xf32, #tpu.memory_space<vmem>> -> memref<1x128x16xf32, #tpu.memory_space<vmem>>
      %dma_wait3A_403 = tpu.memref_squeeze %dma_wait3A_402 : memref<1x128x16xf32, #tpu.memory_space<vmem>> -> memref<128x16xf32, #tpu.memory_space<vmem>>
      %dma_wait3A_404 = arith.constant 0 : i32
      %dma_wait3A_405 = tpu.memref_slice %arg8[%dma_wait3A_399, %dma_wait3A_404] : memref<8x128xi32, #tpu.memory_space<vmem>> -> memref<1x128xi32, #tpu.memory_space<vmem>>
      %dma_wait3A_406 = tpu.memref_squeeze %dma_wait3A_405 : memref<1x128xi32, #tpu.memory_space<vmem>> -> memref<128xi32, #tpu.memory_space<vmem>>
      %dma_wait3A_407 = arith.constant 0 : i32
      %dma_wait3A_408 = arith.constant 0 : i32
      %dma_wait3A_409 = tpu.memref_slice %arg6[%dma_wait3A_407, %dma_wait3A_408] : memref<100352x16xf32, #tpu.memory_space<vmem_shared>> -> memref<100352x16xf32, #tpu.memory_space<vmem_shared>>
      tpu.wait_indirect_dma semaphore(%arg14 : memref<!tpu.dma_semaphore, #tpu.memory_space<semaphore_mem>>) src(%dma_wait3A_403 : memref<128x16xf32, #tpu.memory_space<vmem>>) dst(%dma_wait3A_409 : memref<100352x16xf32, #tpu.memory_space<vmem_shared>>)
    }
    %scan3A_7 = arith.constant 100 : i32
    %barrier3A_8 = arith.constant 0 : index
    tpu.barrier barrier_id(%barrier3A_8)
    %mul3A_9 = arith.constant 6272 : i32
    %mul3A_10 = arith.muli %arg1, %mul3A_9 : i32
    %mul3A_11 = arith.constant 100352 : i32
    %mul3A_12 = arith.muli %arg0, %mul3A_11 : i32
    %mul3A_13 = arith.constant 6272 : i32
    %mul3A_14 = arith.muli %arg1, %mul3A_13 : i32
    %add3A_15 = arith.addi %mul3A_12, %mul3A_14 : i32
    "tpu.region"() ({
      %run_scoped3A = tpu.sem_alloc : memref<!tpu.dma_semaphore, #tpu.memory_space<semaphore_mem>>
      %dma_start3A = arith.constant 0 : i32
      %dma_start3A_16 = tpu.memref_slice %arg5[%add3A_15, %dma_start3A] : memref<200704x16xf32, #tpu.memory_space<hbm>> -> memref<6272x16xf32, #tpu.memory_space<hbm>>
      %dma_start3A_17 = arith.constant 0 : i32
      %dma_start3A_18 = tpu.memref_slice %arg6[%mul3A_10, %dma_start3A_17] : memref<100352x16xf32, #tpu.memory_space<vmem_shared>> -> memref<6272x16xf32, #tpu.memory_space<vmem_shared>>
      tpu.enqueue_dma source(%dma_start3A_18 : memref<6272x16xf32, #tpu.memory_space<vmem_shared>>) target(%dma_start3A_16 : memref<6272x16xf32, #tpu.memory_space<hbm>>) target_semaphore(%run_scoped3A : memref<!tpu.dma_semaphore, #tpu.memory_space<semaphore_mem>>)
      %dma_wait3A = arith.constant 0 : i32
      %dma_wait3A_19 = tpu.memref_slice %arg5[%add3A_15, %dma_wait3A] : memref<200704x16xf32, #tpu.memory_space<hbm>> -> memref<6272x16xf32, #tpu.memory_space<hbm>>
      %dma_wait3A_20 = arith.constant 0 : i32
      %dma_wait3A_21 = tpu.memref_slice %arg6[%mul3A_10, %dma_wait3A_20] : memref<100352x16xf32, #tpu.memory_space<vmem_shared>> -> memref<6272x16xf32, #tpu.memory_space<vmem_shared>>
      tpu.wait_dma2 semaphore(%run_scoped3A : memref<!tpu.dma_semaphore, #tpu.memory_space<semaphore_mem>>) src(%dma_wait3A_21 : memref<6272x16xf32, #tpu.memory_space<vmem_shared>>) dst(%dma_wait3A_19 : memref<6272x16xf32, #tpu.memory_space<hbm>>)
      tpu.yield
    }) : () -> ()
    return
  }
}

#map = affine_map<(d0, d1) -> (0, 0)>
module attributes {stable_mosaic.version = 14 : i64} {
  func.func @sc_scatter(%arg0: i32, %arg1: i32, %arg2: memref<51200x128xi32, #tpu.memory_space<hbm>>, %arg3: memref<100352x16xf32, #tpu.memory_space<hbm>>, %arg4: memref<6272x16xf32, #tpu.memory_space<hbm>>, %arg5: memref<200704x16xf32, #tpu.memory_space<hbm>>, %arg6: memref<100352x16xf32, #tpu.memory_space<vmem_shared>>, %arg7: memref<8x128xi32, #tpu.memory_space<vmem>>, %arg8: memref<8x128xi32, #tpu.memory_space<vmem>>, %arg9: memref<4x128x16xf32, #tpu.memory_space<vmem>>, %arg10: memref<4x128x16xf32, #tpu.memory_space<vmem>>, %arg11: memref<!tpu.dma_semaphore, #tpu.memory_space<semaphore_mem>>, %arg12: memref<!tpu.dma_semaphore, #tpu.memory_space<semaphore_mem>>, %arg13: memref<!tpu.dma_semaphore, #tpu.memory_space<semaphore_mem>>, %arg14: memref<!tpu.dma_semaphore, #tpu.memory_space<semaphore_mem>>) attributes {dimension_semantics = [#tpu.dimension_semantics<core_parallel>, #tpu.dimension_semantics<subcore_parallel>], iteration_bounds = array<i64: 2, 16>, scalar_prefetch = 0 : i64, scratch_operands = 9 : i64, tpu.core_type = #tpu.core_type<sc_vector_subcore>, window_params = [{transform_indices = #map}, {transform_indices = #map}, {transform_indices = #map}, {transform_indices = #map}]} {
    %mul3A = arith.constant 2 : i32
    %mul3A_0 = arith.muli %arg1, %mul3A : i32
    %add3A = arith.addi %mul3A_0, %arg0 : i32
    %mul3A_1 = arith.constant 6272 : i32
    %mul3A_2 = arith.muli %arg1, %mul3A_1 : i32
    "tpu.region"() ({
      %run_scoped3A = tpu.sem_alloc : memref<!tpu.dma_semaphore, #tpu.memory_space<semaphore_mem>>
      %dma_start3A = arith.constant 0 : i32
      %dma_start3A_16 = tpu.memref_slice %arg6[%mul3A_2, %dma_start3A] : memref<100352x16xf32, #tpu.memory_space<vmem_shared>> -> memref<6272x16xf32, #tpu.memory_space<vmem_shared>>
      tpu.enqueue_dma source(%arg4 : memref<6272x16xf32, #tpu.memory_space<hbm>>) target(%dma_start3A_16 : memref<6272x16xf32, #tpu.memory_space<vmem_shared>>) target_semaphore(%run_scoped3A : memref<!tpu.dma_semaphore, #tpu.memory_space<semaphore_mem>>)
      %dma_wait3A = arith.constant 0 : i32
      %dma_wait3A_17 = tpu.memref_slice %arg6[%mul3A_2, %dma_wait3A] : memref<100352x16xf32, #tpu.memory_space<vmem_shared>> -> memref<6272x16xf32, #tpu.memory_space<vmem_shared>>
      tpu.wait_dma2 semaphore(%run_scoped3A : memref<!tpu.dma_semaphore, #tpu.memory_space<semaphore_mem>>) src(%arg4 : memref<6272x16xf32, #tpu.memory_space<hbm>>) dst(%dma_wait3A_17 : memref<6272x16xf32, #tpu.memory_space<vmem_shared>>)
      tpu.yield
    }) : () -> ()
    %barrier3A = arith.constant 0 : index
    tpu.barrier barrier_id(%barrier3A)
    %scan3A = arith.constant 0 : i32
    %scan3A_3 = arith.constant 0 : i32
    %scan3A_4 = arith.constant 100 : i32
    %scan3A_5 = arith.addi %scan3A_3, %scan3A_4 : i32
    %scan3A_6 = arith.constant 1 : i32
    scf.for %scan3A_16 = %scan3A_3 to %scan3A_5 step %scan3A_6  : i32 {
      %mul3A_17 = arith.constant 200 : i32
      %mul3A_18 = arith.muli %add3A, %mul3A_17 : i32
      %mul3A_19 = arith.constant 2 : i32
      %mul3A_20 = arith.muli %mul3A_19, %scan3A_16 : i32
      %add3A_21 = arith.addi %mul3A_18, %mul3A_20 : i32
      %mul3A_22 = arith.constant 2 : i32
      %mul3A_23 = arith.muli %add3A_21, %mul3A_22 : i32
      %mul3A_24 = arith.constant 4 : i32
      %mul3A_25 = arith.muli %mul3A_23, %mul3A_24 : i32
      "tpu.region"() ({
        %run_scoped3A = tpu.sem_alloc : memref<!tpu.dma_semaphore, #tpu.memory_space<semaphore_mem>>
        %dma_start3A_410 = arith.constant 0 : i32
        %dma_start3A_411 = tpu.memref_slice %arg2[%mul3A_25, %dma_start3A_410] : memref<51200x128xi32, #tpu.memory_space<hbm>> -> memref<8x128xi32, #tpu.memory_space<hbm>>
        %dma_start3A_412 = arith.constant 0 : i32
        %dma_start3A_413 = tpu.memref_slice %arg2[%mul3A_25, %dma_start3A_412] : memref<51200x128xi32, #tpu.memory_space<hbm>> -> memref<8x128xi32, #tpu.memory_space<hbm>>
        tpu.enqueue_dma source(%dma_start3A_413 : memref<8x128xi32, #tpu.memory_space<hbm>>) target(%arg7 : memref<8x128xi32, #tpu.memory_space<vmem>>) target_semaphore(%run_scoped3A : memref<!tpu.dma_semaphore, #tpu.memory_space<semaphore_mem>>)
        %dma_wait3A_414 = arith.constant 0 : i32
        %dma_wait3A_415 = tpu.memref_slice %arg2[%mul3A_25, %dma_wait3A_414] : memref<51200x128xi32, #tpu.memory_space<hbm>> -> memref<8x128xi32, #tpu.memory_space<hbm>>
        %dma_wait3A_416 = arith.constant 0 : i32
        %dma_wait3A_417 = tpu.memref_slice %arg2[%mul3A_25, %dma_wait3A_416] : memref<51200x128xi32, #tpu.memory_space<hbm>> -> memref<8x128xi32, #tpu.memory_space<hbm>>
        tpu.wait_dma2 semaphore(%run_scoped3A : memref<!tpu.dma_semaphore, #tpu.memory_space<semaphore_mem>>) src(%dma_wait3A_417 : memref<8x128xi32, #tpu.memory_space<hbm>>) dst(%arg7 : memref<8x128xi32, #tpu.memory_space<vmem>>)
        tpu.yield
      }) : () -> ()
      %dma_start3A = arith.constant 0 : i32
      %dma_start3A_26 = arith.constant 0 : i32
      %dma_start3A_27 = arith.constant 0 : i32
      %dma_start3A_28 = arith.constant 0 : i32
      %dma_start3A_29 = tpu.memref_slice %arg9[%dma_start3A_26, %dma_start3A_27, %dma_start3A_28] : memref<4x128x16xf32, #tpu.memory_space<vmem>> -> memref<1x128x16xf32, #tpu.memory_space<vmem>>
      %dma_start3A_30 = tpu.memref_squeeze %dma_start3A_29 : memref<1x128x16xf32, #tpu.memory_space<vmem>> -> memref<128x16xf32, #tpu.memory_space<vmem>>
      %dma_start3A_31 = arith.constant 0 : i32
      %dma_start3A_32 = tpu.memref_slice %arg7[%dma_start3A, %dma_start3A_31] : memref<8x128xi32, #tpu.memory_space<vmem>> -> memref<1x128xi32, #tpu.memory_space<vmem>>
      %dma_start3A_33 = tpu.memref_squeeze %dma_start3A_32 : memref<1x128xi32, #tpu.memory_space<vmem>> -> memref<128xi32, #tpu.memory_space<vmem>>
      %dma_start3A_34 = arith.constant 0 : i32
      %dma_start3A_35 = arith.constant 0 : i32
      %dma_start3A_36 = tpu.memref_slice %arg3[%dma_start3A_34, %dma_start3A_35] : memref<100352x16xf32, #tpu.memory_space<hbm>> -> memref<100352x16xf32, #tpu.memory_space<hbm>>
      tpu.enqueue_indirect_dma source(%dma_start3A_36 : memref<100352x16xf32, #tpu.memory_space<hbm>>) target(%dma_start3A_30 : memref<128x16xf32, #tpu.memory_space<vmem>>) offsets(%dma_start3A_33 : memref<128xi32, #tpu.memory_space<vmem>>) semaphore(%arg11 : memref<!tpu.dma_semaphore, #tpu.memory_space<semaphore_mem>>)
      %dma_start3A_37 = arith.constant 1 : i32
      %dma_start3A_38 = arith.constant 1 : i32
      %dma_start3A_39 = arith.constant 0 : i32
      %dma_start3A_40 = arith.constant 0 : i32
      %dma_start3A_41 = tpu.memref_slice %arg9[%dma_start3A_38, %dma_start3A_39, %dma_start3A_40] : memref<4x128x16xf32, #tpu.memory_space<vmem>> -> memref<1x128x16xf32, #tpu.memory_space<vmem>>
      %dma_start3A_42 = tpu.memref_squeeze %dma_start3A_41 : memref<1x128x16xf32, #tpu.memory_space<vmem>> -> memref<128x16xf32, #tpu.memory_space<vmem>>
      %dma_start3A_43 = arith.constant 0 : i32
      %dma_start3A_44 = tpu.memref_slice %arg7[%dma_start3A_37, %dma_start3A_43] : memref<8x128xi32, #tpu.memory_space<vmem>> -> memref<1x128xi32, #tpu.memory_space<vmem>>
      %dma_start3A_45 = tpu.memref_squeeze %dma_start3A_44 : memref<1x128xi32, #tpu.memory_space<vmem>> -> memref<128xi32, #tpu.memory_space<vmem>>
      %dma_start3A_46 = arith.constant 0 : i32
      %dma_start3A_47 = arith.constant 0 : i32
      %dma_start3A_48 = tpu.memref_slice %arg3[%dma_start3A_46, %dma_start3A_47] : memref<100352x16xf32, #tpu.memory_space<hbm>> -> memref<100352x16xf32, #tpu.memory_space<hbm>>
      tpu.enqueue_indirect_dma source(%dma_start3A_48 : memref<100352x16xf32, #tpu.memory_space<hbm>>) target(%dma_start3A_42 : memref<128x16xf32, #tpu.memory_space<vmem>>) offsets(%dma_start3A_45 : memref<128xi32, #tpu.memory_space<vmem>>) semaphore(%arg11 : memref<!tpu.dma_semaphore, #tpu.memory_space<semaphore_mem>>)
      %dma_start3A_49 = arith.constant 2 : i32
      %dma_start3A_50 = arith.constant 2 : i32
      %dma_start3A_51 = arith.constant 0 : i32
      %dma_start3A_52 = arith.constant 0 : i32
      %dma_start3A_53 = tpu.memref_slice %arg9[%dma_start3A_50, %dma_start3A_51, %dma_start3A_52] : memref<4x128x16xf32, #tpu.memory_space<vmem>> -> memref<1x128x16xf32, #tpu.memory_space<vmem>>
      %dma_start3A_54 = tpu.memref_squeeze %dma_start3A_53 : memref<1x128x16xf32, #tpu.memory_space<vmem>> -> memref<128x16xf32, #tpu.memory_space<vmem>>
      %dma_start3A_55 = arith.constant 0 : i32
      %dma_start3A_56 = tpu.memref_slice %arg7[%dma_start3A_49, %dma_start3A_55] : memref<8x128xi32, #tpu.memory_space<vmem>> -> memref<1x128xi32, #tpu.memory_space<vmem>>
      %dma_start3A_57 = tpu.memref_squeeze %dma_start3A_56 : memref<1x128xi32, #tpu.memory_space<vmem>> -> memref<128xi32, #tpu.memory_space<vmem>>
      %dma_start3A_58 = arith.constant 0 : i32
      %dma_start3A_59 = arith.constant 0 : i32
      %dma_start3A_60 = tpu.memref_slice %arg3[%dma_start3A_58, %dma_start3A_59] : memref<100352x16xf32, #tpu.memory_space<hbm>> -> memref<100352x16xf32, #tpu.memory_space<hbm>>
      tpu.enqueue_indirect_dma source(%dma_start3A_60 : memref<100352x16xf32, #tpu.memory_space<hbm>>) target(%dma_start3A_54 : memref<128x16xf32, #tpu.memory_space<vmem>>) offsets(%dma_start3A_57 : memref<128xi32, #tpu.memory_space<vmem>>) semaphore(%arg11 : memref<!tpu.dma_semaphore, #tpu.memory_space<semaphore_mem>>)
      %dma_start3A_61 = arith.constant 3 : i32
      %dma_start3A_62 = arith.constant 3 : i32
      %dma_start3A_63 = arith.constant 0 : i32
      %dma_start3A_64 = arith.constant 0 : i32
      %dma_start3A_65 = tpu.memref_slice %arg9[%dma_start3A_62, %dma_start3A_63, %dma_start3A_64] : memref<4x128x16xf32, #tpu.memory_space<vmem>> -> memref<1x128x16xf32, #tpu.memory_space<vmem>>
      %dma_start3A_66 = tpu.memref_squeeze %dma_start3A_65 : memref<1x128x16xf32, #tpu.memory_space<vmem>> -> memref<128x16xf32, #tpu.memory_space<vmem>>
      %dma_start3A_67 = arith.constant 0 : i32
      %dma_start3A_68 = tpu.memref_slice %arg7[%dma_start3A_61, %dma_start3A_67] : memref<8x128xi32, #tpu.memory_space<vmem>> -> memref<1x128xi32, #tpu.memory_space<vmem>>
      %dma_start3A_69 = tpu.memref_squeeze %dma_start3A_68 : memref<1x128xi32, #tpu.memory_space<vmem>> -> memref<128xi32, #tpu.memory_space<vmem>>
      %dma_start3A_70 = arith.constant 0 : i32
      %dma_start3A_71 = arith.constant 0 : i32
      %dma_start3A_72 = tpu.memref_slice %arg3[%dma_start3A_70, %dma_start3A_71] : memref<100352x16xf32, #tpu.memory_space<hbm>> -> memref<100352x16xf32, #tpu.memory_space<hbm>>
      tpu.enqueue_indirect_dma source(%dma_start3A_72 : memref<100352x16xf32, #tpu.memory_space<hbm>>) target(%dma_start3A_66 : memref<128x16xf32, #tpu.memory_space<vmem>>) offsets(%dma_start3A_69 : memref<128xi32, #tpu.memory_space<vmem>>) semaphore(%arg11 : memref<!tpu.dma_semaphore, #tpu.memory_space<semaphore_mem>>)
      %add3A_73 = arith.constant 8 : i32
      %add3A_74 = arith.addi %mul3A_25, %add3A_73 : i32
      "tpu.region"() ({
        %run_scoped3A = tpu.sem_alloc : memref<!tpu.dma_semaphore, #tpu.memory_space<semaphore_mem>>
        %dma_start3A_410 = arith.constant 0 : i32
        %dma_start3A_411 = tpu.memref_slice %arg2[%add3A_74, %dma_start3A_410] : memref<51200x128xi32, #tpu.memory_space<hbm>> -> memref<8x128xi32, #tpu.memory_space<hbm>>
        %dma_start3A_412 = arith.constant 0 : i32
        %dma_start3A_413 = tpu.memref_slice %arg2[%add3A_74, %dma_start3A_412] : memref<51200x128xi32, #tpu.memory_space<hbm>> -> memref<8x128xi32, #tpu.memory_space<hbm>>
        tpu.enqueue_dma source(%dma_start3A_413 : memref<8x128xi32, #tpu.memory_space<hbm>>) target(%arg8 : memref<8x128xi32, #tpu.memory_space<vmem>>) target_semaphore(%run_scoped3A : memref<!tpu.dma_semaphore, #tpu.memory_space<semaphore_mem>>)
        %dma_wait3A_414 = arith.constant 0 : i32
        %dma_wait3A_415 = tpu.memref_slice %arg2[%add3A_74, %dma_wait3A_414] : memref<51200x128xi32, #tpu.memory_space<hbm>> -> memref<8x128xi32, #tpu.memory_space<hbm>>
        %dma_wait3A_416 = arith.constant 0 : i32
        %dma_wait3A_417 = tpu.memref_slice %arg2[%add3A_74, %dma_wait3A_416] : memref<51200x128xi32, #tpu.memory_space<hbm>> -> memref<8x128xi32, #tpu.memory_space<hbm>>
        tpu.wait_dma2 semaphore(%run_scoped3A : memref<!tpu.dma_semaphore, #tpu.memory_space<semaphore_mem>>) src(%dma_wait3A_417 : memref<8x128xi32, #tpu.memory_space<hbm>>) dst(%arg8 : memref<8x128xi32, #tpu.memory_space<vmem>>)
        tpu.yield
      }) : () -> ()
      %dma_start3A_75 = arith.constant 0 : i32
      %dma_start3A_76 = arith.constant 0 : i32
      %dma_start3A_77 = arith.constant 0 : i32
      %dma_start3A_78 = arith.constant 0 : i32
      %dma_start3A_79 = tpu.memref_slice %arg10[%dma_start3A_76, %dma_start3A_77, %dma_start3A_78] : memref<4x128x16xf32, #tpu.memory_space<vmem>> -> memref<1x128x16xf32, #tpu.memory_space<vmem>>
      %dma_start3A_80 = tpu.memref_squeeze %dma_start3A_79 : memref<1x128x16xf32, #tpu.memory_space<vmem>> -> memref<128x16xf32, #tpu.memory_space<vmem>>
      %dma_start3A_81 = arith.constant 0 : i32
      %dma_start3A_82 = tpu.memref_slice %arg8[%dma_start3A_75, %dma_start3A_81] : memref<8x128xi32, #tpu.memory_space<vmem>> -> memref<1x128xi32, #tpu.memory_space<vmem>>
      %dma_start3A_83 = tpu.memref_squeeze %dma_start3A_82 : memref<1x128xi32, #tpu.memory_space<vmem>> -> memref<128xi32, #tpu.memory_space<vmem>>
      %dma_start3A_84 = arith.constant 0 : i32
      %dma_start3A_85 = arith.constant 0 : i32
      %dma_start3A_86 = tpu.memref_slice %arg3[%dma_start3A_84, %dma_start3A_85] : memref<100352x16xf32, #tpu.memory_space<hbm>> -> memref<100352x16xf32, #tpu.memory_space<hbm>>
      tpu.enqueue_indirect_dma source(%dma_start3A_86 : memref<100352x16xf32, #tpu.memory_space<hbm>>) target(%dma_start3A_80 : memref<128x16xf32, #tpu.memory_space<vmem>>) offsets(%dma_start3A_83 : memref<128xi32, #tpu.memory_space<vmem>>) semaphore(%arg12 : memref<!tpu.dma_semaphore, #tpu.memory_space<semaphore_mem>>)
      %dma_start3A_87 = arith.constant 1 : i32
      %dma_start3A_88 = arith.constant 1 : i32
      %dma_start3A_89 = arith.constant 0 : i32
      %dma_start3A_90 = arith.constant 0 : i32
      %dma_start3A_91 = tpu.memref_slice %arg10[%dma_start3A_88, %dma_start3A_89, %dma_start3A_90] : memref<4x128x16xf32, #tpu.memory_space<vmem>> -> memref<1x128x16xf32, #tpu.memory_space<vmem>>
      %dma_start3A_92 = tpu.memref_squeeze %dma_start3A_91 : memref<1x128x16xf32, #tpu.memory_space<vmem>> -> memref<128x16xf32, #tpu.memory_space<vmem>>
      %dma_start3A_93 = arith.constant 0 : i32
      %dma_start3A_94 = tpu.memref_slice %arg8[%dma_start3A_87, %dma_start3A_93] : memref<8x128xi32, #tpu.memory_space<vmem>> -> memref<1x128xi32, #tpu.memory_space<vmem>>
      %dma_start3A_95 = tpu.memref_squeeze %dma_start3A_94 : memref<1x128xi32, #tpu.memory_space<vmem>> -> memref<128xi32, #tpu.memory_space<vmem>>
      %dma_start3A_96 = arith.constant 0 : i32
      %dma_start3A_97 = arith.constant 0 : i32
      %dma_start3A_98 = tpu.memref_slice %arg3[%dma_start3A_96, %dma_start3A_97] : memref<100352x16xf32, #tpu.memory_space<hbm>> -> memref<100352x16xf32, #tpu.memory_space<hbm>>
      tpu.enqueue_indirect_dma source(%dma_start3A_98 : memref<100352x16xf32, #tpu.memory_space<hbm>>) target(%dma_start3A_92 : memref<128x16xf32, #tpu.memory_space<vmem>>) offsets(%dma_start3A_95 : memref<128xi32, #tpu.memory_space<vmem>>) semaphore(%arg12 : memref<!tpu.dma_semaphore, #tpu.memory_space<semaphore_mem>>)
      %dma_start3A_99 = arith.constant 2 : i32
      %dma_start3A_100 = arith.constant 2 : i32
      %dma_start3A_101 = arith.constant 0 : i32
      %dma_start3A_102 = arith.constant 0 : i32
      %dma_start3A_103 = tpu.memref_slice %arg10[%dma_start3A_100, %dma_start3A_101, %dma_start3A_102] : memref<4x128x16xf32, #tpu.memory_space<vmem>> -> memref<1x128x16xf32, #tpu.memory_space<vmem>>
      %dma_start3A_104 = tpu.memref_squeeze %dma_start3A_103 : memref<1x128x16xf32, #tpu.memory_space<vmem>> -> memref<128x16xf32, #tpu.memory_space<vmem>>
      %dma_start3A_105 = arith.constant 0 : i32
      %dma_start3A_106 = tpu.memref_slice %arg8[%dma_start3A_99, %dma_start3A_105] : memref<8x128xi32, #tpu.memory_space<vmem>> -> memref<1x128xi32, #tpu.memory_space<vmem>>
      %dma_start3A_107 = tpu.memref_squeeze %dma_start3A_106 : memref<1x128xi32, #tpu.memory_space<vmem>> -> memref<128xi32, #tpu.memory_space<vmem>>
      %dma_start3A_108 = arith.constant 0 : i32
      %dma_start3A_109 = arith.constant 0 : i32
      %dma_start3A_110 = tpu.memref_slice %arg3[%dma_start3A_108, %dma_start3A_109] : memref<100352x16xf32, #tpu.memory_space<hbm>> -> memref<100352x16xf32, #tpu.memory_space<hbm>>
      tpu.enqueue_indirect_dma source(%dma_start3A_110 : memref<100352x16xf32, #tpu.memory_space<hbm>>) target(%dma_start3A_104 : memref<128x16xf32, #tpu.memory_space<vmem>>) offsets(%dma_start3A_107 : memref<128xi32, #tpu.memory_space<vmem>>) semaphore(%arg12 : memref<!tpu.dma_semaphore, #tpu.memory_space<semaphore_mem>>)
      %dma_start3A_111 = arith.constant 3 : i32
      %dma_start3A_112 = arith.constant 3 : i32
      %dma_start3A_113 = arith.constant 0 : i32
      %dma_start3A_114 = arith.constant 0 : i32
      %dma_start3A_115 = tpu.memref_slice %arg10[%dma_start3A_112, %dma_start3A_113, %dma_start3A_114] : memref<4x128x16xf32, #tpu.memory_space<vmem>> -> memref<1x128x16xf32, #tpu.memory_space<vmem>>
      %dma_start3A_116 = tpu.memref_squeeze %dma_start3A_115 : memref<1x128x16xf32, #tpu.memory_space<vmem>> -> memref<128x16xf32, #tpu.memory_space<vmem>>
      %dma_start3A_117 = arith.constant 0 : i32
      %dma_start3A_118 = tpu.memref_slice %arg8[%dma_start3A_111, %dma_start3A_117] : memref<8x128xi32, #tpu.memory_space<vmem>> -> memref<1x128xi32, #tpu.memory_space<vmem>>
      %dma_start3A_119 = tpu.memref_squeeze %dma_start3A_118 : memref<1x128xi32, #tpu.memory_space<vmem>> -> memref<128xi32, #tpu.memory_space<vmem>>
      %dma_start3A_120 = arith.constant 0 : i32
      %dma_start3A_121 = arith.constant 0 : i32
      %dma_start3A_122 = tpu.memref_slice %arg3[%dma_start3A_120, %dma_start3A_121] : memref<100352x16xf32, #tpu.memory_space<hbm>> -> memref<100352x16xf32, #tpu.memory_space<hbm>>
      tpu.enqueue_indirect_dma source(%dma_start3A_122 : memref<100352x16xf32, #tpu.memory_space<hbm>>) target(%dma_start3A_116 : memref<128x16xf32, #tpu.memory_space<vmem>>) offsets(%dma_start3A_119 : memref<128xi32, #tpu.memory_space<vmem>>) semaphore(%arg12 : memref<!tpu.dma_semaphore, #tpu.memory_space<semaphore_mem>>)
      %dma_wait3A = arith.constant 0 : i32
      %dma_wait3A_123 = arith.constant 0 : i32
      %dma_wait3A_124 = arith.constant 0 : i32
      %dma_wait3A_125 = arith.constant 0 : i32
      %dma_wait3A_126 = tpu.memref_slice %arg9[%dma_wait3A_123, %dma_wait3A_124, %dma_wait3A_125] : memref<4x128x16xf32, #tpu.memory_space<vmem>> -> memref<1x128x16xf32, #tpu.memory_space<vmem>>
      %dma_wait3A_127 = tpu.memref_squeeze %dma_wait3A_126 : memref<1x128x16xf32, #tpu.memory_space<vmem>> -> memref<128x16xf32, #tpu.memory_space<vmem>>
      %dma_wait3A_128 = arith.constant 0 : i32
      %dma_wait3A_129 = tpu.memref_slice %arg7[%dma_wait3A, %dma_wait3A_128] : memref<8x128xi32, #tpu.memory_space<vmem>> -> memref<1x128xi32, #tpu.memory_space<vmem>>
      %dma_wait3A_130 = tpu.memref_squeeze %dma_wait3A_129 : memref<1x128xi32, #tpu.memory_space<vmem>> -> memref<128xi32, #tpu.memory_space<vmem>>
      %dma_wait3A_131 = arith.constant 0 : i32
      %dma_wait3A_132 = arith.constant 0 : i32
      %dma_wait3A_133 = tpu.memref_slice %arg3[%dma_wait3A_131, %dma_wait3A_132] : memref<100352x16xf32, #tpu.memory_space<hbm>> -> memref<100352x16xf32, #tpu.memory_space<hbm>>
      tpu.wait_indirect_dma semaphore(%arg11 : memref<!tpu.dma_semaphore, #tpu.memory_space<semaphore_mem>>) src(%dma_wait3A_133 : memref<100352x16xf32, #tpu.memory_space<hbm>>) dst(%dma_wait3A_127 : memref<128x16xf32, #tpu.memory_space<vmem>>)
      %dma_wait3A_134 = arith.constant 1 : i32
      %dma_wait3A_135 = arith.constant 1 : i32
      %dma_wait3A_136 = arith.constant 0 : i32
      %dma_wait3A_137 = arith.constant 0 : i32
      %dma_wait3A_138 = tpu.memref_slice %arg9[%dma_wait3A_135, %dma_wait3A_136, %dma_wait3A_137] : memref<4x128x16xf32, #tpu.memory_space<vmem>> -> memref<1x128x16xf32, #tpu.memory_space<vmem>>
      %dma_wait3A_139 = tpu.memref_squeeze %dma_wait3A_138 : memref<1x128x16xf32, #tpu.memory_space<vmem>> -> memref<128x16xf32, #tpu.memory_space<vmem>>
      %dma_wait3A_140 = arith.constant 0 : i32
      %dma_wait3A_141 = tpu.memref_slice %arg7[%dma_wait3A_134, %dma_wait3A_140] : memref<8x128xi32, #tpu.memory_space<vmem>> -> memref<1x128xi32, #tpu.memory_space<vmem>>
      %dma_wait3A_142 = tpu.memref_squeeze %dma_wait3A_141 : memref<1x128xi32, #tpu.memory_space<vmem>> -> memref<128xi32, #tpu.memory_space<vmem>>
      %dma_wait3A_143 = arith.constant 0 : i32
      %dma_wait3A_144 = arith.constant 0 : i32
      %dma_wait3A_145 = tpu.memref_slice %arg3[%dma_wait3A_143, %dma_wait3A_144] : memref<100352x16xf32, #tpu.memory_space<hbm>> -> memref<100352x16xf32, #tpu.memory_space<hbm>>
      tpu.wait_indirect_dma semaphore(%arg11 : memref<!tpu.dma_semaphore, #tpu.memory_space<semaphore_mem>>) src(%dma_wait3A_145 : memref<100352x16xf32, #tpu.memory_space<hbm>>) dst(%dma_wait3A_139 : memref<128x16xf32, #tpu.memory_space<vmem>>)
      %dma_wait3A_146 = arith.constant 2 : i32
      %dma_wait3A_147 = arith.constant 2 : i32
      %dma_wait3A_148 = arith.constant 0 : i32
      %dma_wait3A_149 = arith.constant 0 : i32
      %dma_wait3A_150 = tpu.memref_slice %arg9[%dma_wait3A_147, %dma_wait3A_148, %dma_wait3A_149] : memref<4x128x16xf32, #tpu.memory_space<vmem>> -> memref<1x128x16xf32, #tpu.memory_space<vmem>>
      %dma_wait3A_151 = tpu.memref_squeeze %dma_wait3A_150 : memref<1x128x16xf32, #tpu.memory_space<vmem>> -> memref<128x16xf32, #tpu.memory_space<vmem>>
      %dma_wait3A_152 = arith.constant 0 : i32
      %dma_wait3A_153 = tpu.memref_slice %arg7[%dma_wait3A_146, %dma_wait3A_152] : memref<8x128xi32, #tpu.memory_space<vmem>> -> memref<1x128xi32, #tpu.memory_space<vmem>>
      %dma_wait3A_154 = tpu.memref_squeeze %dma_wait3A_153 : memref<1x128xi32, #tpu.memory_space<vmem>> -> memref<128xi32, #tpu.memory_space<vmem>>
      %dma_wait3A_155 = arith.constant 0 : i32
      %dma_wait3A_156 = arith.constant 0 : i32
      %dma_wait3A_157 = tpu.memref_slice %arg3[%dma_wait3A_155, %dma_wait3A_156] : memref<100352x16xf32, #tpu.memory_space<hbm>> -> memref<100352x16xf32, #tpu.memory_space<hbm>>
      tpu.wait_indirect_dma semaphore(%arg11 : memref<!tpu.dma_semaphore, #tpu.memory_space<semaphore_mem>>) src(%dma_wait3A_157 : memref<100352x16xf32, #tpu.memory_space<hbm>>) dst(%dma_wait3A_151 : memref<128x16xf32, #tpu.memory_space<vmem>>)
      %dma_wait3A_158 = arith.constant 3 : i32
      %dma_wait3A_159 = arith.constant 3 : i32
      %dma_wait3A_160 = arith.constant 0 : i32
      %dma_wait3A_161 = arith.constant 0 : i32
      %dma_wait3A_162 = tpu.memref_slice %arg9[%dma_wait3A_159, %dma_wait3A_160, %dma_wait3A_161] : memref<4x128x16xf32, #tpu.memory_space<vmem>> -> memref<1x128x16xf32, #tpu.memory_space<vmem>>
      %dma_wait3A_163 = tpu.memref_squeeze %dma_wait3A_162 : memref<1x128x16xf32, #tpu.memory_space<vmem>> -> memref<128x16xf32, #tpu.memory_space<vmem>>
      %dma_wait3A_164 = arith.constant 0 : i32
      %dma_wait3A_165 = tpu.memref_slice %arg7[%dma_wait3A_158, %dma_wait3A_164] : memref<8x128xi32, #tpu.memory_space<vmem>> -> memref<1x128xi32, #tpu.memory_space<vmem>>
      %dma_wait3A_166 = tpu.memref_squeeze %dma_wait3A_165 : memref<1x128xi32, #tpu.memory_space<vmem>> -> memref<128xi32, #tpu.memory_space<vmem>>
      %dma_wait3A_167 = arith.constant 0 : i32
      %dma_wait3A_168 = arith.constant 0 : i32
      %dma_wait3A_169 = tpu.memref_slice %arg3[%dma_wait3A_167, %dma_wait3A_168] : memref<100352x16xf32, #tpu.memory_space<hbm>> -> memref<100352x16xf32, #tpu.memory_space<hbm>>
      tpu.wait_indirect_dma semaphore(%arg11 : memref<!tpu.dma_semaphore, #tpu.memory_space<semaphore_mem>>) src(%dma_wait3A_169 : memref<100352x16xf32, #tpu.memory_space<hbm>>) dst(%dma_wait3A_163 : memref<128x16xf32, #tpu.memory_space<vmem>>)
      %dma_start3A_170 = arith.constant 0 : i32
      %dma_start3A_171 = arith.constant 4 : i32
      %dma_start3A_172 = arith.constant 0 : i32
      %dma_start3A_173 = arith.constant 0 : i32
      %dma_start3A_174 = tpu.memref_slice %arg9[%dma_start3A_170, %dma_start3A_172, %dma_start3A_173] : memref<4x128x16xf32, #tpu.memory_space<vmem>> -> memref<1x128x16xf32, #tpu.memory_space<vmem>>
      %dma_start3A_175 = tpu.memref_squeeze %dma_start3A_174 : memref<1x128x16xf32, #tpu.memory_space<vmem>> -> memref<128x16xf32, #tpu.memory_space<vmem>>
      %dma_start3A_176 = arith.constant 0 : i32
      %dma_start3A_177 = tpu.memref_slice %arg7[%dma_start3A_171, %dma_start3A_176] : memref<8x128xi32, #tpu.memory_space<vmem>> -> memref<1x128xi32, #tpu.memory_space<vmem>>
      %dma_start3A_178 = tpu.memref_squeeze %dma_start3A_177 : memref<1x128xi32, #tpu.memory_space<vmem>> -> memref<128xi32, #tpu.memory_space<vmem>>
      %dma_start3A_179 = arith.constant 0 : i32
      %dma_start3A_180 = arith.constant 0 : i32
      %dma_start3A_181 = tpu.memref_slice %arg6[%dma_start3A_179, %dma_start3A_180] : memref<100352x16xf32, #tpu.memory_space<vmem_shared>> -> memref<100352x16xf32, #tpu.memory_space<vmem_shared>>
      tpu.enqueue_indirect_dma source(%dma_start3A_175 : memref<128x16xf32, #tpu.memory_space<vmem>>) target(%dma_start3A_181 : memref<100352x16xf32, #tpu.memory_space<vmem_shared>>) offsets(%dma_start3A_178 : memref<128xi32, #tpu.memory_space<vmem>>) semaphore(%arg13 : memref<!tpu.dma_semaphore, #tpu.memory_space<semaphore_mem>>) {add = true}
      %dma_start3A_182 = arith.constant 1 : i32
      %dma_start3A_183 = arith.constant 5 : i32
      %dma_start3A_184 = arith.constant 0 : i32
      %dma_start3A_185 = arith.constant 0 : i32
      %dma_start3A_186 = tpu.memref_slice %arg9[%dma_start3A_182, %dma_start3A_184, %dma_start3A_185] : memref<4x128x16xf32, #tpu.memory_space<vmem>> -> memref<1x128x16xf32, #tpu.memory_space<vmem>>
      %dma_start3A_187 = tpu.memref_squeeze %dma_start3A_186 : memref<1x128x16xf32, #tpu.memory_space<vmem>> -> memref<128x16xf32, #tpu.memory_space<vmem>>
      %dma_start3A_188 = arith.constant 0 : i32
      %dma_start3A_189 = tpu.memref_slice %arg7[%dma_start3A_183, %dma_start3A_188] : memref<8x128xi32, #tpu.memory_space<vmem>> -> memref<1x128xi32, #tpu.memory_space<vmem>>
      %dma_start3A_190 = tpu.memref_squeeze %dma_start3A_189 : memref<1x128xi32, #tpu.memory_space<vmem>> -> memref<128xi32, #tpu.memory_space<vmem>>
      %dma_start3A_191 = arith.constant 0 : i32
      %dma_start3A_192 = arith.constant 0 : i32
      %dma_start3A_193 = tpu.memref_slice %arg6[%dma_start3A_191, %dma_start3A_192] : memref<100352x16xf32, #tpu.memory_space<vmem_shared>> -> memref<100352x16xf32, #tpu.memory_space<vmem_shared>>
      tpu.enqueue_indirect_dma source(%dma_start3A_187 : memref<128x16xf32, #tpu.memory_space<vmem>>) target(%dma_start3A_193 : memref<100352x16xf32, #tpu.memory_space<vmem_shared>>) offsets(%dma_start3A_190 : memref<128xi32, #tpu.memory_space<vmem>>) semaphore(%arg13 : memref<!tpu.dma_semaphore, #tpu.memory_space<semaphore_mem>>) {add = true}
      %dma_start3A_194 = arith.constant 2 : i32
      %dma_start3A_195 = arith.constant 6 : i32
      %dma_start3A_196 = arith.constant 0 : i32
      %dma_start3A_197 = arith.constant 0 : i32
      %dma_start3A_198 = tpu.memref_slice %arg9[%dma_start3A_194, %dma_start3A_196, %dma_start3A_197] : memref<4x128x16xf32, #tpu.memory_space<vmem>> -> memref<1x128x16xf32, #tpu.memory_space<vmem>>
      %dma_start3A_199 = tpu.memref_squeeze %dma_start3A_198 : memref<1x128x16xf32, #tpu.memory_space<vmem>> -> memref<128x16xf32, #tpu.memory_space<vmem>>
      %dma_start3A_200 = arith.constant 0 : i32
      %dma_start3A_201 = tpu.memref_slice %arg7[%dma_start3A_195, %dma_start3A_200] : memref<8x128xi32, #tpu.memory_space<vmem>> -> memref<1x128xi32, #tpu.memory_space<vmem>>
      %dma_start3A_202 = tpu.memref_squeeze %dma_start3A_201 : memref<1x128xi32, #tpu.memory_space<vmem>> -> memref<128xi32, #tpu.memory_space<vmem>>
      %dma_start3A_203 = arith.constant 0 : i32
      %dma_start3A_204 = arith.constant 0 : i32
      %dma_start3A_205 = tpu.memref_slice %arg6[%dma_start3A_203, %dma_start3A_204] : memref<100352x16xf32, #tpu.memory_space<vmem_shared>> -> memref<100352x16xf32, #tpu.memory_space<vmem_shared>>
      tpu.enqueue_indirect_dma source(%dma_start3A_199 : memref<128x16xf32, #tpu.memory_space<vmem>>) target(%dma_start3A_205 : memref<100352x16xf32, #tpu.memory_space<vmem_shared>>) offsets(%dma_start3A_202 : memref<128xi32, #tpu.memory_space<vmem>>) semaphore(%arg13 : memref<!tpu.dma_semaphore, #tpu.memory_space<semaphore_mem>>) {add = true}
      %dma_start3A_206 = arith.constant 3 : i32
      %dma_start3A_207 = arith.constant 7 : i32
      %dma_start3A_208 = arith.constant 0 : i32
      %dma_start3A_209 = arith.constant 0 : i32
      %dma_start3A_210 = tpu.memref_slice %arg9[%dma_start3A_206, %dma_start3A_208, %dma_start3A_209] : memref<4x128x16xf32, #tpu.memory_space<vmem>> -> memref<1x128x16xf32, #tpu.memory_space<vmem>>
      %dma_start3A_211 = tpu.memref_squeeze %dma_start3A_210 : memref<1x128x16xf32, #tpu.memory_space<vmem>> -> memref<128x16xf32, #tpu.memory_space<vmem>>
      %dma_start3A_212 = arith.constant 0 : i32
      %dma_start3A_213 = tpu.memref_slice %arg7[%dma_start3A_207, %dma_start3A_212] : memref<8x128xi32, #tpu.memory_space<vmem>> -> memref<1x128xi32, #tpu.memory_space<vmem>>
      %dma_start3A_214 = tpu.memref_squeeze %dma_start3A_213 : memref<1x128xi32, #tpu.memory_space<vmem>> -> memref<128xi32, #tpu.memory_space<vmem>>
      %dma_start3A_215 = arith.constant 0 : i32
      %dma_start3A_216 = arith.constant 0 : i32
      %dma_start3A_217 = tpu.memref_slice %arg6[%dma_start3A_215, %dma_start3A_216] : memref<100352x16xf32, #tpu.memory_space<vmem_shared>> -> memref<100352x16xf32, #tpu.memory_space<vmem_shared>>
      tpu.enqueue_indirect_dma source(%dma_start3A_211 : memref<128x16xf32, #tpu.memory_space<vmem>>) target(%dma_start3A_217 : memref<100352x16xf32, #tpu.memory_space<vmem_shared>>) offsets(%dma_start3A_214 : memref<128xi32, #tpu.memory_space<vmem>>) semaphore(%arg13 : memref<!tpu.dma_semaphore, #tpu.memory_space<semaphore_mem>>) {add = true}
      %dma_wait3A_218 = arith.constant 0 : i32
      %dma_wait3A_219 = arith.constant 0 : i32
      %dma_wait3A_220 = arith.constant 0 : i32
      %dma_wait3A_221 = arith.constant 0 : i32
      %dma_wait3A_222 = tpu.memref_slice %arg10[%dma_wait3A_219, %dma_wait3A_220, %dma_wait3A_221] : memref<4x128x16xf32, #tpu.memory_space<vmem>> -> memref<1x128x16xf32, #tpu.memory_space<vmem>>
      %dma_wait3A_223 = tpu.memref_squeeze %dma_wait3A_222 : memref<1x128x16xf32, #tpu.memory_space<vmem>> -> memref<128x16xf32, #tpu.memory_space<vmem>>
      %dma_wait3A_224 = arith.constant 0 : i32
      %dma_wait3A_225 = tpu.memref_slice %arg8[%dma_wait3A_218, %dma_wait3A_224] : memref<8x128xi32, #tpu.memory_space<vmem>> -> memref<1x128xi32, #tpu.memory_space<vmem>>
      %dma_wait3A_226 = tpu.memref_squeeze %dma_wait3A_225 : memref<1x128xi32, #tpu.memory_space<vmem>> -> memref<128xi32, #tpu.memory_space<vmem>>
      %dma_wait3A_227 = arith.constant 0 : i32
      %dma_wait3A_228 = arith.constant 0 : i32
      %dma_wait3A_229 = tpu.memref_slice %arg3[%dma_wait3A_227, %dma_wait3A_228] : memref<100352x16xf32, #tpu.memory_space<hbm>> -> memref<100352x16xf32, #tpu.memory_space<hbm>>
      tpu.wait_indirect_dma semaphore(%arg12 : memref<!tpu.dma_semaphore, #tpu.memory_space<semaphore_mem>>) src(%dma_wait3A_229 : memref<100352x16xf32, #tpu.memory_space<hbm>>) dst(%dma_wait3A_223 : memref<128x16xf32, #tpu.memory_space<vmem>>)
      %dma_wait3A_230 = arith.constant 1 : i32
      %dma_wait3A_231 = arith.constant 1 : i32
      %dma_wait3A_232 = arith.constant 0 : i32
      %dma_wait3A_233 = arith.constant 0 : i32
      %dma_wait3A_234 = tpu.memref_slice %arg10[%dma_wait3A_231, %dma_wait3A_232, %dma_wait3A_233] : memref<4x128x16xf32, #tpu.memory_space<vmem>> -> memref<1x128x16xf32, #tpu.memory_space<vmem>>
      %dma_wait3A_235 = tpu.memref_squeeze %dma_wait3A_234 : memref<1x128x16xf32, #tpu.memory_space<vmem>> -> memref<128x16xf32, #tpu.memory_space<vmem>>
      %dma_wait3A_236 = arith.constant 0 : i32
      %dma_wait3A_237 = tpu.memref_slice %arg8[%dma_wait3A_230, %dma_wait3A_236] : memref<8x128xi32, #tpu.memory_space<vmem>> -> memref<1x128xi32, #tpu.memory_space<vmem>>
      %dma_wait3A_238 = tpu.memref_squeeze %dma_wait3A_237 : memref<1x128xi32, #tpu.memory_space<vmem>> -> memref<128xi32, #tpu.memory_space<vmem>>
      %dma_wait3A_239 = arith.constant 0 : i32
      %dma_wait3A_240 = arith.constant 0 : i32
      %dma_wait3A_241 = tpu.memref_slice %arg3[%dma_wait3A_239, %dma_wait3A_240] : memref<100352x16xf32, #tpu.memory_space<hbm>> -> memref<100352x16xf32, #tpu.memory_space<hbm>>
      tpu.wait_indirect_dma semaphore(%arg12 : memref<!tpu.dma_semaphore, #tpu.memory_space<semaphore_mem>>) src(%dma_wait3A_241 : memref<100352x16xf32, #tpu.memory_space<hbm>>) dst(%dma_wait3A_235 : memref<128x16xf32, #tpu.memory_space<vmem>>)
      %dma_wait3A_242 = arith.constant 2 : i32
      %dma_wait3A_243 = arith.constant 2 : i32
      %dma_wait3A_244 = arith.constant 0 : i32
      %dma_wait3A_245 = arith.constant 0 : i32
      %dma_wait3A_246 = tpu.memref_slice %arg10[%dma_wait3A_243, %dma_wait3A_244, %dma_wait3A_245] : memref<4x128x16xf32, #tpu.memory_space<vmem>> -> memref<1x128x16xf32, #tpu.memory_space<vmem>>
      %dma_wait3A_247 = tpu.memref_squeeze %dma_wait3A_246 : memref<1x128x16xf32, #tpu.memory_space<vmem>> -> memref<128x16xf32, #tpu.memory_space<vmem>>
      %dma_wait3A_248 = arith.constant 0 : i32
      %dma_wait3A_249 = tpu.memref_slice %arg8[%dma_wait3A_242, %dma_wait3A_248] : memref<8x128xi32, #tpu.memory_space<vmem>> -> memref<1x128xi32, #tpu.memory_space<vmem>>
      %dma_wait3A_250 = tpu.memref_squeeze %dma_wait3A_249 : memref<1x128xi32, #tpu.memory_space<vmem>> -> memref<128xi32, #tpu.memory_space<vmem>>
      %dma_wait3A_251 = arith.constant 0 : i32
      %dma_wait3A_252 = arith.constant 0 : i32
      %dma_wait3A_253 = tpu.memref_slice %arg3[%dma_wait3A_251, %dma_wait3A_252] : memref<100352x16xf32, #tpu.memory_space<hbm>> -> memref<100352x16xf32, #tpu.memory_space<hbm>>
      tpu.wait_indirect_dma semaphore(%arg12 : memref<!tpu.dma_semaphore, #tpu.memory_space<semaphore_mem>>) src(%dma_wait3A_253 : memref<100352x16xf32, #tpu.memory_space<hbm>>) dst(%dma_wait3A_247 : memref<128x16xf32, #tpu.memory_space<vmem>>)
      %dma_wait3A_254 = arith.constant 3 : i32
      %dma_wait3A_255 = arith.constant 3 : i32
      %dma_wait3A_256 = arith.constant 0 : i32
      %dma_wait3A_257 = arith.constant 0 : i32
      %dma_wait3A_258 = tpu.memref_slice %arg10[%dma_wait3A_255, %dma_wait3A_256, %dma_wait3A_257] : memref<4x128x16xf32, #tpu.memory_space<vmem>> -> memref<1x128x16xf32, #tpu.memory_space<vmem>>
      %dma_wait3A_259 = tpu.memref_squeeze %dma_wait3A_258 : memref<1x128x16xf32, #tpu.memory_space<vmem>> -> memref<128x16xf32, #tpu.memory_space<vmem>>
      %dma_wait3A_260 = arith.constant 0 : i32
      %dma_wait3A_261 = tpu.memref_slice %arg8[%dma_wait3A_254, %dma_wait3A_260] : memref<8x128xi32, #tpu.memory_space<vmem>> -> memref<1x128xi32, #tpu.memory_space<vmem>>
      %dma_wait3A_262 = tpu.memref_squeeze %dma_wait3A_261 : memref<1x128xi32, #tpu.memory_space<vmem>> -> memref<128xi32, #tpu.memory_space<vmem>>
      %dma_wait3A_263 = arith.constant 0 : i32
      %dma_wait3A_264 = arith.constant 0 : i32
      %dma_wait3A_265 = tpu.memref_slice %arg3[%dma_wait3A_263, %dma_wait3A_264] : memref<100352x16xf32, #tpu.memory_space<hbm>> -> memref<100352x16xf32, #tpu.memory_space<hbm>>
      tpu.wait_indirect_dma semaphore(%arg12 : memref<!tpu.dma_semaphore, #tpu.memory_space<semaphore_mem>>) src(%dma_wait3A_265 : memref<100352x16xf32, #tpu.memory_space<hbm>>) dst(%dma_wait3A_259 : memref<128x16xf32, #tpu.memory_space<vmem>>)
      %dma_start3A_266 = arith.constant 0 : i32
      %dma_start3A_267 = arith.constant 4 : i32
      %dma_start3A_268 = arith.constant 0 : i32
      %dma_start3A_269 = arith.constant 0 : i32
      %dma_start3A_270 = tpu.memref_slice %arg10[%dma_start3A_266, %dma_start3A_268, %dma_start3A_269] : memref<4x128x16xf32, #tpu.memory_space<vmem>> -> memref<1x128x16xf32, #tpu.memory_space<vmem>>
      %dma_start3A_271 = tpu.memref_squeeze %dma_start3A_270 : memref<1x128x16xf32, #tpu.memory_space<vmem>> -> memref<128x16xf32, #tpu.memory_space<vmem>>
      %dma_start3A_272 = arith.constant 0 : i32
      %dma_start3A_273 = tpu.memref_slice %arg8[%dma_start3A_267, %dma_start3A_272] : memref<8x128xi32, #tpu.memory_space<vmem>> -> memref<1x128xi32, #tpu.memory_space<vmem>>
      %dma_start3A_274 = tpu.memref_squeeze %dma_start3A_273 : memref<1x128xi32, #tpu.memory_space<vmem>> -> memref<128xi32, #tpu.memory_space<vmem>>
      %dma_start3A_275 = arith.constant 0 : i32
      %dma_start3A_276 = arith.constant 0 : i32
      %dma_start3A_277 = tpu.memref_slice %arg6[%dma_start3A_275, %dma_start3A_276] : memref<100352x16xf32, #tpu.memory_space<vmem_shared>> -> memref<100352x16xf32, #tpu.memory_space<vmem_shared>>
      tpu.enqueue_indirect_dma source(%dma_start3A_271 : memref<128x16xf32, #tpu.memory_space<vmem>>) target(%dma_start3A_277 : memref<100352x16xf32, #tpu.memory_space<vmem_shared>>) offsets(%dma_start3A_274 : memref<128xi32, #tpu.memory_space<vmem>>) semaphore(%arg14 : memref<!tpu.dma_semaphore, #tpu.memory_space<semaphore_mem>>) {add = true}
      %dma_start3A_278 = arith.constant 1 : i32
      %dma_start3A_279 = arith.constant 5 : i32
      %dma_start3A_280 = arith.constant 0 : i32
      %dma_start3A_281 = arith.constant 0 : i32
      %dma_start3A_282 = tpu.memref_slice %arg10[%dma_start3A_278, %dma_start3A_280, %dma_start3A_281] : memref<4x128x16xf32, #tpu.memory_space<vmem>> -> memref<1x128x16xf32, #tpu.memory_space<vmem>>
      %dma_start3A_283 = tpu.memref_squeeze %dma_start3A_282 : memref<1x128x16xf32, #tpu.memory_space<vmem>> -> memref<128x16xf32, #tpu.memory_space<vmem>>
      %dma_start3A_284 = arith.constant 0 : i32
      %dma_start3A_285 = tpu.memref_slice %arg8[%dma_start3A_279, %dma_start3A_284] : memref<8x128xi32, #tpu.memory_space<vmem>> -> memref<1x128xi32, #tpu.memory_space<vmem>>
      %dma_start3A_286 = tpu.memref_squeeze %dma_start3A_285 : memref<1x128xi32, #tpu.memory_space<vmem>> -> memref<128xi32, #tpu.memory_space<vmem>>
      %dma_start3A_287 = arith.constant 0 : i32
      %dma_start3A_288 = arith.constant 0 : i32
      %dma_start3A_289 = tpu.memref_slice %arg6[%dma_start3A_287, %dma_start3A_288] : memref<100352x16xf32, #tpu.memory_space<vmem_shared>> -> memref<100352x16xf32, #tpu.memory_space<vmem_shared>>
      tpu.enqueue_indirect_dma source(%dma_start3A_283 : memref<128x16xf32, #tpu.memory_space<vmem>>) target(%dma_start3A_289 : memref<100352x16xf32, #tpu.memory_space<vmem_shared>>) offsets(%dma_start3A_286 : memref<128xi32, #tpu.memory_space<vmem>>) semaphore(%arg14 : memref<!tpu.dma_semaphore, #tpu.memory_space<semaphore_mem>>) {add = true}
      %dma_start3A_290 = arith.constant 2 : i32
      %dma_start3A_291 = arith.constant 6 : i32
      %dma_start3A_292 = arith.constant 0 : i32
      %dma_start3A_293 = arith.constant 0 : i32
      %dma_start3A_294 = tpu.memref_slice %arg10[%dma_start3A_290, %dma_start3A_292, %dma_start3A_293] : memref<4x128x16xf32, #tpu.memory_space<vmem>> -> memref<1x128x16xf32, #tpu.memory_space<vmem>>
      %dma_start3A_295 = tpu.memref_squeeze %dma_start3A_294 : memref<1x128x16xf32, #tpu.memory_space<vmem>> -> memref<128x16xf32, #tpu.memory_space<vmem>>
      %dma_start3A_296 = arith.constant 0 : i32
      %dma_start3A_297 = tpu.memref_slice %arg8[%dma_start3A_291, %dma_start3A_296] : memref<8x128xi32, #tpu.memory_space<vmem>> -> memref<1x128xi32, #tpu.memory_space<vmem>>
      %dma_start3A_298 = tpu.memref_squeeze %dma_start3A_297 : memref<1x128xi32, #tpu.memory_space<vmem>> -> memref<128xi32, #tpu.memory_space<vmem>>
      %dma_start3A_299 = arith.constant 0 : i32
      %dma_start3A_300 = arith.constant 0 : i32
      %dma_start3A_301 = tpu.memref_slice %arg6[%dma_start3A_299, %dma_start3A_300] : memref<100352x16xf32, #tpu.memory_space<vmem_shared>> -> memref<100352x16xf32, #tpu.memory_space<vmem_shared>>
      tpu.enqueue_indirect_dma source(%dma_start3A_295 : memref<128x16xf32, #tpu.memory_space<vmem>>) target(%dma_start3A_301 : memref<100352x16xf32, #tpu.memory_space<vmem_shared>>) offsets(%dma_start3A_298 : memref<128xi32, #tpu.memory_space<vmem>>) semaphore(%arg14 : memref<!tpu.dma_semaphore, #tpu.memory_space<semaphore_mem>>) {add = true}
      %dma_start3A_302 = arith.constant 3 : i32
      %dma_start3A_303 = arith.constant 7 : i32
      %dma_start3A_304 = arith.constant 0 : i32
      %dma_start3A_305 = arith.constant 0 : i32
      %dma_start3A_306 = tpu.memref_slice %arg10[%dma_start3A_302, %dma_start3A_304, %dma_start3A_305] : memref<4x128x16xf32, #tpu.memory_space<vmem>> -> memref<1x128x16xf32, #tpu.memory_space<vmem>>
      %dma_start3A_307 = tpu.memref_squeeze %dma_start3A_306 : memref<1x128x16xf32, #tpu.memory_space<vmem>> -> memref<128x16xf32, #tpu.memory_space<vmem>>
      %dma_start3A_308 = arith.constant 0 : i32
      %dma_start3A_309 = tpu.memref_slice %arg8[%dma_start3A_303, %dma_start3A_308] : memref<8x128xi32, #tpu.memory_space<vmem>> -> memref<1x128xi32, #tpu.memory_space<vmem>>
      %dma_start3A_310 = tpu.memref_squeeze %dma_start3A_309 : memref<1x128xi32, #tpu.memory_space<vmem>> -> memref<128xi32, #tpu.memory_space<vmem>>
      %dma_start3A_311 = arith.constant 0 : i32
      %dma_start3A_312 = arith.constant 0 : i32
      %dma_start3A_313 = tpu.memref_slice %arg6[%dma_start3A_311, %dma_start3A_312] : memref<100352x16xf32, #tpu.memory_space<vmem_shared>> -> memref<100352x16xf32, #tpu.memory_space<vmem_shared>>
      tpu.enqueue_indirect_dma source(%dma_start3A_307 : memref<128x16xf32, #tpu.memory_space<vmem>>) target(%dma_start3A_313 : memref<100352x16xf32, #tpu.memory_space<vmem_shared>>) offsets(%dma_start3A_310 : memref<128xi32, #tpu.memory_space<vmem>>) semaphore(%arg14 : memref<!tpu.dma_semaphore, #tpu.memory_space<semaphore_mem>>) {add = true}
      %dma_wait3A_314 = arith.constant 0 : i32
      %dma_wait3A_315 = arith.constant 4 : i32
      %dma_wait3A_316 = arith.constant 0 : i32
      %dma_wait3A_317 = arith.constant 0 : i32
      %dma_wait3A_318 = tpu.memref_slice %arg9[%dma_wait3A_314, %dma_wait3A_316, %dma_wait3A_317] : memref<4x128x16xf32, #tpu.memory_space<vmem>> -> memref<1x128x16xf32, #tpu.memory_space<vmem>>
      %dma_wait3A_319 = tpu.memref_squeeze %dma_wait3A_318 : memref<1x128x16xf32, #tpu.memory_space<vmem>> -> memref<128x16xf32, #tpu.memory_space<vmem>>
      %dma_wait3A_320 = arith.constant 0 : i32
      %dma_wait3A_321 = tpu.memref_slice %arg7[%dma_wait3A_315, %dma_wait3A_320] : memref<8x128xi32, #tpu.memory_space<vmem>> -> memref<1x128xi32, #tpu.memory_space<vmem>>
      %dma_wait3A_322 = tpu.memref_squeeze %dma_wait3A_321 : memref<1x128xi32, #tpu.memory_space<vmem>> -> memref<128xi32, #tpu.memory_space<vmem>>
      %dma_wait3A_323 = arith.constant 0 : i32
      %dma_wait3A_324 = arith.constant 0 : i32
      %dma_wait3A_325 = tpu.memref_slice %arg6[%dma_wait3A_323, %dma_wait3A_324] : memref<100352x16xf32, #tpu.memory_space<vmem_shared>> -> memref<100352x16xf32, #tpu.memory_space<vmem_shared>>
      tpu.wait_indirect_dma semaphore(%arg13 : memref<!tpu.dma_semaphore, #tpu.memory_space<semaphore_mem>>) src(%dma_wait3A_319 : memref<128x16xf32, #tpu.memory_space<vmem>>) dst(%dma_wait3A_325 : memref<100352x16xf32, #tpu.memory_space<vmem_shared>>)
      %dma_wait3A_326 = arith.constant 1 : i32
      %dma_wait3A_327 = arith.constant 5 : i32
      %dma_wait3A_328 = arith.constant 0 : i32
      %dma_wait3A_329 = arith.constant 0 : i32
      %dma_wait3A_330 = tpu.memref_slice %arg9[%dma_wait3A_326, %dma_wait3A_328, %dma_wait3A_329] : memref<4x128x16xf32, #tpu.memory_space<vmem>> -> memref<1x128x16xf32, #tpu.memory_space<vmem>>
      %dma_wait3A_331 = tpu.memref_squeeze %dma_wait3A_330 : memref<1x128x16xf32, #tpu.memory_space<vmem>> -> memref<128x16xf32, #tpu.memory_space<vmem>>
      %dma_wait3A_332 = arith.constant 0 : i32
      %dma_wait3A_333 = tpu.memref_slice %arg7[%dma_wait3A_327, %dma_wait3A_332] : memref<8x128xi32, #tpu.memory_space<vmem>> -> memref<1x128xi32, #tpu.memory_space<vmem>>
      %dma_wait3A_334 = tpu.memref_squeeze %dma_wait3A_333 : memref<1x128xi32, #tpu.memory_space<vmem>> -> memref<128xi32, #tpu.memory_space<vmem>>
      %dma_wait3A_335 = arith.constant 0 : i32
      %dma_wait3A_336 = arith.constant 0 : i32
      %dma_wait3A_337 = tpu.memref_slice %arg6[%dma_wait3A_335, %dma_wait3A_336] : memref<100352x16xf32, #tpu.memory_space<vmem_shared>> -> memref<100352x16xf32, #tpu.memory_space<vmem_shared>>
      tpu.wait_indirect_dma semaphore(%arg13 : memref<!tpu.dma_semaphore, #tpu.memory_space<semaphore_mem>>) src(%dma_wait3A_331 : memref<128x16xf32, #tpu.memory_space<vmem>>) dst(%dma_wait3A_337 : memref<100352x16xf32, #tpu.memory_space<vmem_shared>>)
      %dma_wait3A_338 = arith.constant 2 : i32
      %dma_wait3A_339 = arith.constant 6 : i32
      %dma_wait3A_340 = arith.constant 0 : i32
      %dma_wait3A_341 = arith.constant 0 : i32
      %dma_wait3A_342 = tpu.memref_slice %arg9[%dma_wait3A_338, %dma_wait3A_340, %dma_wait3A_341] : memref<4x128x16xf32, #tpu.memory_space<vmem>> -> memref<1x128x16xf32, #tpu.memory_space<vmem>>
      %dma_wait3A_343 = tpu.memref_squeeze %dma_wait3A_342 : memref<1x128x16xf32, #tpu.memory_space<vmem>> -> memref<128x16xf32, #tpu.memory_space<vmem>>
      %dma_wait3A_344 = arith.constant 0 : i32
      %dma_wait3A_345 = tpu.memref_slice %arg7[%dma_wait3A_339, %dma_wait3A_344] : memref<8x128xi32, #tpu.memory_space<vmem>> -> memref<1x128xi32, #tpu.memory_space<vmem>>
      %dma_wait3A_346 = tpu.memref_squeeze %dma_wait3A_345 : memref<1x128xi32, #tpu.memory_space<vmem>> -> memref<128xi32, #tpu.memory_space<vmem>>
      %dma_wait3A_347 = arith.constant 0 : i32
      %dma_wait3A_348 = arith.constant 0 : i32
      %dma_wait3A_349 = tpu.memref_slice %arg6[%dma_wait3A_347, %dma_wait3A_348] : memref<100352x16xf32, #tpu.memory_space<vmem_shared>> -> memref<100352x16xf32, #tpu.memory_space<vmem_shared>>
      tpu.wait_indirect_dma semaphore(%arg13 : memref<!tpu.dma_semaphore, #tpu.memory_space<semaphore_mem>>) src(%dma_wait3A_343 : memref<128x16xf32, #tpu.memory_space<vmem>>) dst(%dma_wait3A_349 : memref<100352x16xf32, #tpu.memory_space<vmem_shared>>)
      %dma_wait3A_350 = arith.constant 3 : i32
      %dma_wait3A_351 = arith.constant 7 : i32
      %dma_wait3A_352 = arith.constant 0 : i32
      %dma_wait3A_353 = arith.constant 0 : i32
      %dma_wait3A_354 = tpu.memref_slice %arg9[%dma_wait3A_350, %dma_wait3A_352, %dma_wait3A_353] : memref<4x128x16xf32, #tpu.memory_space<vmem>> -> memref<1x128x16xf32, #tpu.memory_space<vmem>>
      %dma_wait3A_355 = tpu.memref_squeeze %dma_wait3A_354 : memref<1x128x16xf32, #tpu.memory_space<vmem>> -> memref<128x16xf32, #tpu.memory_space<vmem>>
      %dma_wait3A_356 = arith.constant 0 : i32
      %dma_wait3A_357 = tpu.memref_slice %arg7[%dma_wait3A_351, %dma_wait3A_356] : memref<8x128xi32, #tpu.memory_space<vmem>> -> memref<1x128xi32, #tpu.memory_space<vmem>>
      %dma_wait3A_358 = tpu.memref_squeeze %dma_wait3A_357 : memref<1x128xi32, #tpu.memory_space<vmem>> -> memref<128xi32, #tpu.memory_space<vmem>>
      %dma_wait3A_359 = arith.constant 0 : i32
      %dma_wait3A_360 = arith.constant 0 : i32
      %dma_wait3A_361 = tpu.memref_slice %arg6[%dma_wait3A_359, %dma_wait3A_360] : memref<100352x16xf32, #tpu.memory_space<vmem_shared>> -> memref<100352x16xf32, #tpu.memory_space<vmem_shared>>
      tpu.wait_indirect_dma semaphore(%arg13 : memref<!tpu.dma_semaphore, #tpu.memory_space<semaphore_mem>>) src(%dma_wait3A_355 : memref<128x16xf32, #tpu.memory_space<vmem>>) dst(%dma_wait3A_361 : memref<100352x16xf32, #tpu.memory_space<vmem_shared>>)
      %dma_wait3A_362 = arith.constant 0 : i32
      %dma_wait3A_363 = arith.constant 4 : i32
      %dma_wait3A_364 = arith.constant 0 : i32
      %dma_wait3A_365 = arith.constant 0 : i32
      %dma_wait3A_366 = tpu.memref_slice %arg10[%dma_wait3A_362, %dma_wait3A_364, %dma_wait3A_365] : memref<4x128x16xf32, #tpu.memory_space<vmem>> -> memref<1x128x16xf32, #tpu.memory_space<vmem>>
      %dma_wait3A_367 = tpu.memref_squeeze %dma_wait3A_366 : memref<1x128x16xf32, #tpu.memory_space<vmem>> -> memref<128x16xf32, #tpu.memory_space<vmem>>
      %dma_wait3A_368 = arith.constant 0 : i32
      %dma_wait3A_369 = tpu.memref_slice %arg8[%dma_wait3A_363, %dma_wait3A_368] : memref<8x128xi32, #tpu.memory_space<vmem>> -> memref<1x128xi32, #tpu.memory_space<vmem>>
      %dma_wait3A_370 = tpu.memref_squeeze %dma_wait3A_369 : memref<1x128xi32, #tpu.memory_space<vmem>> -> memref<128xi32, #tpu.memory_space<vmem>>
      %dma_wait3A_371 = arith.constant 0 : i32
      %dma_wait3A_372 = arith.constant 0 : i32
      %dma_wait3A_373 = tpu.memref_slice %arg6[%dma_wait3A_371, %dma_wait3A_372] : memref<100352x16xf32, #tpu.memory_space<vmem_shared>> -> memref<100352x16xf32, #tpu.memory_space<vmem_shared>>
      tpu.wait_indirect_dma semaphore(%arg14 : memref<!tpu.dma_semaphore, #tpu.memory_space<semaphore_mem>>) src(%dma_wait3A_367 : memref<128x16xf32, #tpu.memory_space<vmem>>) dst(%dma_wait3A_373 : memref<100352x16xf32, #tpu.memory_space<vmem_shared>>)
      %dma_wait3A_374 = arith.constant 1 : i32
      %dma_wait3A_375 = arith.constant 5 : i32
      %dma_wait3A_376 = arith.constant 0 : i32
      %dma_wait3A_377 = arith.constant 0 : i32
      %dma_wait3A_378 = tpu.memref_slice %arg10[%dma_wait3A_374, %dma_wait3A_376, %dma_wait3A_377] : memref<4x128x16xf32, #tpu.memory_space<vmem>> -> memref<1x128x16xf32, #tpu.memory_space<vmem>>
      %dma_wait3A_379 = tpu.memref_squeeze %dma_wait3A_378 : memref<1x128x16xf32, #tpu.memory_space<vmem>> -> memref<128x16xf32, #tpu.memory_space<vmem>>
      %dma_wait3A_380 = arith.constant 0 : i32
      %dma_wait3A_381 = tpu.memref_slice %arg8[%dma_wait3A_375, %dma_wait3A_380] : memref<8x128xi32, #tpu.memory_space<vmem>> -> memref<1x128xi32, #tpu.memory_space<vmem>>
      %dma_wait3A_382 = tpu.memref_squeeze %dma_wait3A_381 : memref<1x128xi32, #tpu.memory_space<vmem>> -> memref<128xi32, #tpu.memory_space<vmem>>
      %dma_wait3A_383 = arith.constant 0 : i32
      %dma_wait3A_384 = arith.constant 0 : i32
      %dma_wait3A_385 = tpu.memref_slice %arg6[%dma_wait3A_383, %dma_wait3A_384] : memref<100352x16xf32, #tpu.memory_space<vmem_shared>> -> memref<100352x16xf32, #tpu.memory_space<vmem_shared>>
      tpu.wait_indirect_dma semaphore(%arg14 : memref<!tpu.dma_semaphore, #tpu.memory_space<semaphore_mem>>) src(%dma_wait3A_379 : memref<128x16xf32, #tpu.memory_space<vmem>>) dst(%dma_wait3A_385 : memref<100352x16xf32, #tpu.memory_space<vmem_shared>>)
      %dma_wait3A_386 = arith.constant 2 : i32
      %dma_wait3A_387 = arith.constant 6 : i32
      %dma_wait3A_388 = arith.constant 0 : i32
      %dma_wait3A_389 = arith.constant 0 : i32
      %dma_wait3A_390 = tpu.memref_slice %arg10[%dma_wait3A_386, %dma_wait3A_388, %dma_wait3A_389] : memref<4x128x16xf32, #tpu.memory_space<vmem>> -> memref<1x128x16xf32, #tpu.memory_space<vmem>>
      %dma_wait3A_391 = tpu.memref_squeeze %dma_wait3A_390 : memref<1x128x16xf32, #tpu.memory_space<vmem>> -> memref<128x16xf32, #tpu.memory_space<vmem>>
      %dma_wait3A_392 = arith.constant 0 : i32
      %dma_wait3A_393 = tpu.memref_slice %arg8[%dma_wait3A_387, %dma_wait3A_392] : memref<8x128xi32, #tpu.memory_space<vmem>> -> memref<1x128xi32, #tpu.memory_space<vmem>>
      %dma_wait3A_394 = tpu.memref_squeeze %dma_wait3A_393 : memref<1x128xi32, #tpu.memory_space<vmem>> -> memref<128xi32, #tpu.memory_space<vmem>>
      %dma_wait3A_395 = arith.constant 0 : i32
      %dma_wait3A_396 = arith.constant 0 : i32
      %dma_wait3A_397 = tpu.memref_slice %arg6[%dma_wait3A_395, %dma_wait3A_396] : memref<100352x16xf32, #tpu.memory_space<vmem_shared>> -> memref<100352x16xf32, #tpu.memory_space<vmem_shared>>
      tpu.wait_indirect_dma semaphore(%arg14 : memref<!tpu.dma_semaphore, #tpu.memory_space<semaphore_mem>>) src(%dma_wait3A_391 : memref<128x16xf32, #tpu.memory_space<vmem>>) dst(%dma_wait3A_397 : memref<100352x16xf32, #tpu.memory_space<vmem_shared>>)
      %dma_wait3A_398 = arith.constant 3 : i32
      %dma_wait3A_399 = arith.constant 7 : i32
      %dma_wait3A_400 = arith.constant 0 : i32
      %dma_wait3A_401 = arith.constant 0 : i32
      %dma_wait3A_402 = tpu.memref_slice %arg10[%dma_wait3A_398, %dma_wait3A_400, %dma_wait3A_401] : memref<4x128x16xf32, #tpu.memory_space<vmem>> -> memref<1x128x16xf32, #tpu.memory_space<vmem>>
      %dma_wait3A_403 = tpu.memref_squeeze %dma_wait3A_402 : memref<1x128x16xf32, #tpu.memory_space<vmem>> -> memref<128x16xf32, #tpu.memory_space<vmem>>
      %dma_wait3A_404 = arith.constant 0 : i32
      %dma_wait3A_405 = tpu.memref_slice %arg8[%dma_wait3A_399, %dma_wait3A_404] : memref<8x128xi32, #tpu.memory_space<vmem>> -> memref<1x128xi32, #tpu.memory_space<vmem>>
      %dma_wait3A_406 = tpu.memref_squeeze %dma_wait3A_405 : memref<1x128xi32, #tpu.memory_space<vmem>> -> memref<128xi32, #tpu.memory_space<vmem>>
      %dma_wait3A_407 = arith.constant 0 : i32
      %dma_wait3A_408 = arith.constant 0 : i32
      %dma_wait3A_409 = tpu.memref_slice %arg6[%dma_wait3A_407, %dma_wait3A_408] : memref<100352x16xf32, #tpu.memory_space<vmem_shared>> -> memref<100352x16xf32, #tpu.memory_space<vmem_shared>>
      tpu.wait_indirect_dma semaphore(%arg14 : memref<!tpu.dma_semaphore, #tpu.memory_space<semaphore_mem>>) src(%dma_wait3A_403 : memref<128x16xf32, #tpu.memory_space<vmem>>) dst(%dma_wait3A_409 : memref<100352x16xf32, #tpu.memory_space<vmem_shared>>)
    }
    %scan3A_7 = arith.constant 100 : i32
    %barrier3A_8 = arith.constant 0 : index
    tpu.barrier barrier_id(%barrier3A_8)
    %mul3A_9 = arith.constant 6272 : i32
    %mul3A_10 = arith.muli %arg1, %mul3A_9 : i32
    %mul3A_11 = arith.constant 100352 : i32
    %mul3A_12 = arith.muli %arg0, %mul3A_11 : i32
    %mul3A_13 = arith.constant 6272 : i32
    %mul3A_14 = arith.muli %arg1, %mul3A_13 : i32
    %add3A_15 = arith.addi %mul3A_12, %mul3A_14 : i32
    "tpu.region"() ({
      %run_scoped3A = tpu.sem_alloc : memref<!tpu.dma_semaphore, #tpu.memory_space<semaphore_mem>>
      %dma_start3A = arith.constant 0 : i32
      %dma_start3A_16 = tpu.memref_slice %arg5[%add3A_15, %dma_start3A] : memref<200704x16xf32, #tpu.memory_space<hbm>> -> memref<6272x16xf32, #tpu.memory_space<hbm>>
      %dma_start3A_17 = arith.constant 0 : i32
      %dma_start3A_18 = tpu.memref_slice %arg6[%mul3A_10, %dma_start3A_17] : memref<100352x16xf32, #tpu.memory_space<vmem_shared>> -> memref<6272x16xf32, #tpu.memory_space<vmem_shared>>
      tpu.enqueue_dma source(%dma_start3A_18 : memref<6272x16xf32, #tpu.memory_space<vmem_shared>>) target(%dma_start3A_16 : memref<6272x16xf32, #tpu.memory_space<hbm>>) target_semaphore(%run_scoped3A : memref<!tpu.dma_semaphore, #tpu.memory_space<semaphore_mem>>)
      %dma_wait3A = arith.constant 0 : i32
      %dma_wait3A_19 = tpu.memref_slice %arg5[%add3A_15, %dma_wait3A] : memref<200704x16xf32, #tpu.memory_space<hbm>> -> memref<6272x16xf32, #tpu.memory_space<hbm>>
      %dma_wait3A_20 = arith.constant 0 : i32
      %dma_wait3A_21 = tpu.memref_slice %arg6[%mul3A_10, %dma_wait3A_20] : memref<100352x16xf32, #tpu.memory_space<vmem_shared>> -> memref<6272x16xf32, #tpu.memory_space<vmem_shared>>
      tpu.wait_dma2 semaphore(%run_scoped3A : memref<!tpu.dma_semaphore, #tpu.memory_space<semaphore_mem>>) src(%dma_wait3A_21 : memref<6272x16xf32, #tpu.memory_space<vmem_shared>>) dst(%dma_wait3A_19 : memref<6272x16xf32, #tpu.memory_space<hbm>>)
      tpu.yield
    }) : () -> ()
    return
  }
}

module attributes {stable_mosaic.version = 14 : i64} {
  func.func @_tc_mlp_body(%arg0: i32, %arg1: memref<2048x128xf32, #tpu.memory_space<vmem>>, %arg2: memref<256x128xf32, #tpu.memory_space<vmem>>, %arg3: memref<1x256xf32, #tpu.memory_space<vmem>>, %arg4: memref<16x256xf32, #tpu.memory_space<vmem>>, %arg5: memref<1x16xf32, #tpu.memory_space<vmem>>, %arg6: memref<2048x16xf32, #tpu.memory_space<vmem>>) attributes {dimension_semantics = [#tpu.dimension_semantics<arbitrary>], iteration_bounds = array<i64: 49>, scalar_prefetch = 0 : i64, scratch_operands = 0 : i64, tpu.core_type = #tpu.core_type<tc>, window_params = [{transform_indices = @transform_0, window_bounds = array<i64: 2048, 128>}, {pipeline_mode = #tpu.pipeline_mode<synchronous>, transform_indices = @transform_1, window_bounds = array<i64: 256, 128>}, {pipeline_mode = #tpu.pipeline_mode<synchronous>, transform_indices = @transform_2, window_bounds = array<i64: 1, 256>}, {pipeline_mode = #tpu.pipeline_mode<synchronous>, transform_indices = @transform_3, window_bounds = array<i64: 16, 256>}, {pipeline_mode = #tpu.pipeline_mode<synchronous>, transform_indices = @transform_4, window_bounds = array<i64: 1, 16>}, {transform_indices = @transform_5, window_bounds = array<i64: 2048, 16>}]} {
    %get3A = arith.constant 0 : index
    %get3A_0 = arith.constant 0 : index
    %get3A_1 = vector.load %arg1[%get3A, %get3A_0] : memref<2048x128xf32, #tpu.memory_space<vmem>>, vector<2048x128xf32>
    %get3A_2 = arith.constant 0 : index
    %get3A_3 = arith.constant 0 : index
    %get3A_4 = vector.load %arg2[%get3A_2, %get3A_3] : memref<256x128xf32, #tpu.memory_space<vmem>>, vector<256x128xf32>
    %dot_general3A = arith.constant dense<0.000000e+00> : vector<2048x256xf32>
    %dot_general3A_5 = tpu.matmul %get3A_1, %get3A_4, %dot_general3A {dimension_numbers = #tpu.dot_dimension_numbers<[1], [1], [0], [0], [0, 0, 1, 0], [], []>, precision = #tpu.contract_precision<fp32>, transpose_lhs_hint = false} : vector<2048x128xf32>, vector<256x128xf32>, vector<2048x256xf32> -> vector<2048x256xf32>
    %get3A_6 = arith.constant 0 : index
    %get3A_7 = arith.constant 0 : index
    %get3A_8 = vector.load %arg3[%get3A_6, %get3A_7] : memref<1x256xf32, #tpu.memory_space<vmem>>, vector<1x256xf32>
    %add3A = vector.broadcast %get3A_8 : vector<1x256xf32> to vector<2048x256xf32>
    %add3A_9 = arith.addf %dot_general3A_5, %add3A : vector<2048x256xf32>
    %ge3A = arith.constant 0.000000e+00 : f32
    %ge3A_10 = vector.broadcast %ge3A : f32 to vector<2048x256xf32>
    %ge3A_11 = arith.cmpf oge, %add3A_9, %ge3A_10 : vector<2048x256xf32>
    %mul3A = arith.constant 0.00999999977 : f32
    %mul3A_12 = vector.broadcast %mul3A : f32 to vector<2048x256xf32>
    %mul3A_13 = arith.mulf %mul3A_12, %add3A_9 : vector<2048x256xf32>
    %select_n3A = arith.select %ge3A_11, %add3A_9, %mul3A_13 : vector<2048x256xi1>, vector<2048x256xf32>
    %get3A_14 = arith.constant 0 : index
    %get3A_15 = arith.constant 0 : index
    %get3A_16 = vector.load %arg4[%get3A_14, %get3A_15] : memref<16x256xf32, #tpu.memory_space<vmem>>, vector<16x256xf32>
    %dot_general3A_17 = arith.constant dense<0.000000e+00> : vector<2048x16xf32>
    %dot_general3A_18 = tpu.matmul %select_n3A, %get3A_16, %dot_general3A_17 {dimension_numbers = #tpu.dot_dimension_numbers<[1], [1], [0], [0], [0, 0, 1, 0], [], []>, precision = #tpu.contract_precision<fp32>, transpose_lhs_hint = false} : vector<2048x256xf32>, vector<16x256xf32>, vector<2048x16xf32> -> vector<2048x16xf32>
    %get3A_19 = arith.constant 0 : index
    %get3A_20 = arith.constant 0 : index
    %get3A_21 = vector.load %arg5[%get3A_19, %get3A_20] : memref<1x16xf32, #tpu.memory_space<vmem>>, vector<1x16xf32>
    %add3A_22 = vector.broadcast %get3A_21 : vector<1x16xf32> to vector<2048x16xf32>
    %add3A_23 = arith.addf %dot_general3A_18, %add3A_22 : vector<2048x16xf32>
    %ge3A_24 = arith.constant 0.000000e+00 : f32
    %ge3A_25 = vector.broadcast %ge3A_24 : f32 to vector<2048x16xf32>
    %ge3A_26 = arith.cmpf oge, %add3A_23, %ge3A_25 : vector<2048x16xf32>
    %mul3A_27 = arith.constant 0.00999999977 : f32
    %mul3A_28 = vector.broadcast %mul3A_27 : f32 to vector<2048x16xf32>
    %mul3A_29 = arith.mulf %mul3A_28, %add3A_23 : vector<2048x16xf32>
    %select_n3A_30 = arith.select %ge3A_26, %add3A_23, %mul3A_29 : vector<2048x16xi1>, vector<2048x16xf32>
    %swap3A = arith.constant 0 : index
    %swap3A_31 = arith.constant 0 : index
    %swap3A_32 = vector.load %arg6[%swap3A, %swap3A_31] : memref<2048x16xf32, #tpu.memory_space<vmem>>, vector<2048x16xf32>
    tpu.vector_store %arg6[%swap3A, %swap3A_31], %select_n3A_30 {strides = array<i32>} : memref<2048x16xf32, #tpu.memory_space<vmem>>, vector<2048x16xf32>,
    return
  }
  func.func @transform_0(%arg0: i32) -> (i32, i32) {
    %c0_i32 = arith.constant 0 : i32
    %c0_i32_0 = arith.constant 0 : i32
    return %arg0, %c0_i32 : i32, i32
  }
  func.func @transform_1(%arg0: i32) -> (i32, i32) {
    %c0_i32 = arith.constant 0 : i32
    %c0_i32_0 = arith.constant 0 : i32
    %c0_i32_1 = arith.constant 0 : i32
    return %c0_i32, %c0_i32_0 : i32, i32
  }
  func.func @transform_2(%arg0: i32) -> (i32, i32) {
    %c0_i32 = arith.constant 0 : i32
    %c0_i32_0 = arith.constant 0 : i32
    %c0_i32_1 = arith.constant 0 : i32
    return %c0_i32, %c0_i32_0 : i32, i32
  }
  func.func @transform_3(%arg0: i32) -> (i32, i32) {
    %c0_i32 = arith.constant 0 : i32
    %c0_i32_0 = arith.constant 0 : i32
    %c0_i32_1 = arith.constant 0 : i32
    return %c0_i32, %c0_i32_0 : i32, i32
  }
  func.func @transform_4(%arg0: i32) -> (i32, i32) {
    %c0_i32 = arith.constant 0 : i32
    %c0_i32_0 = arith.constant 0 : i32
    %c0_i32_1 = arith.constant 0 : i32
    return %c0_i32, %c0_i32_0 : i32, i32
  }
  func.func @transform_5(%arg0: i32) -> (i32, i32) {
    %c0_i32 = arith.constant 0 : i32
    %c0_i32_0 = arith.constant 0 : i32
    return %arg0, %c0_i32 : i32, i32
  }
}

module attributes {stable_mosaic.version = 14 : i64} {
  func.func @_tc_scale_body(%arg0: i32, %arg1: memref<2048x16xf32, #tpu.memory_space<vmem>>, %arg2: memref<2x256x8xf32, #tpu.memory_space<vmem>>, %arg3: memref<8x128xf32, #tpu.memory_space<vmem>>, %arg4: memref<3x16x16xf32, #tpu.memory_space<vmem>>, %arg5: memref<3x16xf32, #tpu.memory_space<vmem>>, %arg6: memref<3x16xf32, #tpu.memory_space<vmem>>, %arg7: memref<1x16xf32, #tpu.memory_space<vmem>>, %arg8: memref<16x16x16xf32, #tpu.memory_space<vmem>>, %arg9: memref<16x16xf32, #tpu.memory_space<vmem>>, %arg10: memref<256x128xf32, #tpu.memory_space<vmem>>) attributes {dimension_semantics = [#tpu.dimension_semantics<arbitrary>], iteration_bounds = array<i64: 49>, scalar_prefetch = 0 : i64, scratch_operands = 0 : i64, tpu.core_type = #tpu.core_type<tc>, window_params = [{transform_indices = @transform_0, window_bounds = array<i64: 2048, 16>}, {transform_indices = @transform_1, window_bounds = array<i64: 2, 256, 8>}, {pipeline_mode = #tpu.pipeline_mode<synchronous>, transform_indices = @transform_2, window_bounds = array<i64: 8, 128>}, {pipeline_mode = #tpu.pipeline_mode<synchronous>, transform_indices = @transform_3, window_bounds = array<i64: 3, 16, 16>}, {pipeline_mode = #tpu.pipeline_mode<synchronous>, transform_indices = @transform_4, window_bounds = array<i64: 3, 16>}, {pipeline_mode = #tpu.pipeline_mode<synchronous>, transform_indices = @transform_5, window_bounds = array<i64: 3, 16>}, {pipeline_mode = #tpu.pipeline_mode<synchronous>, transform_indices = @transform_6, window_bounds = array<i64: 1, 16>}, {pipeline_mode = #tpu.pipeline_mode<synchronous>, transform_indices = @transform_7, window_bounds = array<i64: 16, 16, 16>}, {pipeline_mode = #tpu.pipeline_mode<synchronous>, transform_indices = @transform_8, window_bounds = array<i64: 16, 16>}, {transform_indices = @transform_9, window_bounds = array<i64: 256, 128>}]} {
    %get3A = arith.constant 0 : index
    %get3A_0 = arith.constant 0 : index
    %get3A_1 = arith.constant 0 : index
    %get3A_2 = vector.load %arg2[%get3A, %get3A_0, %get3A_1] : memref<2x256x8xf32, #tpu.memory_space<vmem>>, vector<2x256x8xf32>
    %get3A_3 = arith.constant 0 : index
    %get3A_4 = arith.constant 0 : index
    %get3A_5 = vector.load %arg3[%get3A_3, %get3A_4] : memref<8x128xf32, #tpu.memory_space<vmem>>, vector<8x128xf32>
    %slice3A = vector.extract_strided_slice %get3A_2 {offsets = [0, 0, 0], sizes = [1, 256, 8], strides = [1, 1, 1]} : vector<2x256x8xf32> to vector<1x256x8xf32>
    %squeeze3A = vector.shape_cast %slice3A : vector<1x256x8xf32> to vector<256x8xf32>
    %slice3A_6 = vector.extract_strided_slice %get3A_2 {offsets = [1, 0, 0], sizes = [1, 256, 8], strides = [1, 1, 1]} : vector<2x256x8xf32> to vector<1x256x8xf32>
    %squeeze3A_7 = vector.shape_cast %slice3A_6 : vector<1x256x8xf32> to vector<256x8xf32>
    %add3A = arith.addf %squeeze3A, %squeeze3A_7 : vector<256x8xf32>
    %add3A_8 = arith.constant 1.000000e+00 : f32
    %add3A_9 = vector.broadcast %add3A_8 : f32 to vector<256x8xf32>
    %add3A_10 = arith.addf %add3A, %add3A_9 : vector<256x8xf32>
    %rsqrt3A = math.rsqrt %add3A_10 : vector<256x8xf32>
    %dot_general3A = arith.constant dense<0.000000e+00> : vector<256x128xf32>
    %dot_general3A_11 = tpu.matmul %rsqrt3A, %get3A_5, %dot_general3A {dimension_numbers = #tpu.dot_dimension_numbers<[1], [0], [0], [1], [0, 0, 1, 1], [], []>, precision = #tpu.contract_precision<fp32>, transpose_lhs_hint = false} : vector<256x8xf32>, vector<8x128xf32>, vector<256x128xf32> -> vector<256x128xf32>
    %get3A_12 = arith.constant 0 : index
    %get3A_13 = arith.constant 0 : index
    %get3A_14 = arith.constant 0 : index
    %get3A_15 = vector.load %arg4[%get3A_12, %get3A_13, %get3A_14] : memref<3x16x16xf32, #tpu.memory_space<vmem>>, vector<3x16x16xf32>
    %get3A_16 = arith.constant 0 : index
    %get3A_17 = arith.constant 0 : index
    %get3A_18 = vector.load %arg5[%get3A_16, %get3A_17] : memref<3x16xf32, #tpu.memory_space<vmem>>, vector<3x16xf32>
    %get3A_19 = arith.constant 0 : index
    %get3A_20 = arith.constant 0 : index
    %get3A_21 = vector.load %arg6[%get3A_19, %get3A_20] : memref<3x16xf32, #tpu.memory_space<vmem>>, vector<3x16xf32>
    %get3A_22 = arith.constant 0 : index
    %get3A_23 = arith.constant 0 : index
    %get3A_24 = vector.load %arg7[%get3A_22, %get3A_23] : memref<1x16xf32, #tpu.memory_space<vmem>>, vector<1x16xf32>
    %get3A_25 = arith.constant 0 : index
    %get3A_26 = arith.constant 0 : index
    %get3A_27 = arith.constant 0 : index
    %get3A_28 = vector.load %arg8[%get3A_25, %get3A_26, %get3A_27] : memref<16x16x16xf32, #tpu.memory_space<vmem>>, vector<16x16x16xf32>
    %get3A_29 = arith.constant 0 : index
    %get3A_30 = arith.constant 0 : index
    %get3A_31 = vector.load %arg9[%get3A_29, %get3A_30] : memref<16x16xf32, #tpu.memory_space<vmem>>, vector<16x16xf32>
    %reshape3A = vector.shape_cast %get3A_24 : vector<1x16xf32> to vector<1x1x16xf32>
    %mul3A = vector.broadcast %reshape3A : vector<1x1x16xf32> to vector<3x16x16xf32>
    %mul3A_32 = arith.mulf %get3A_15, %mul3A : vector<3x16x16xf32>
    %reduce_sum3A = arith.constant dense<0.000000e+00> : vector<3x16xf32>
    %reduce_sum3A_33 = vector.multi_reduction <add>, %mul3A_32, %reduce_sum3A [2] : vector<3x16x16xf32> to vector<3x16xf32>
    %add3A_34 = arith.addf %reduce_sum3A_33, %get3A_18 : vector<3x16xf32>
    %slice3A_35 = vector.extract_strided_slice %add3A_34 {offsets = [0, 0], sizes = [1, 16], strides = [1, 1]} : vector<3x16xf32> to vector<1x16xf32>
    %slice3A_36 = vector.extract_strided_slice %get3A_21 {offsets = [0, 0], sizes = [1, 16], strides = [1, 1]} : vector<3x16xf32> to vector<1x16xf32>
    %add3A_37 = arith.addf %slice3A_35, %slice3A_36 : vector<1x16xf32>
    %logistic3A = arith.negf %add3A_37 : vector<1x16xf32>
    %logistic3A_38 = math.exp %logistic3A : vector<1x16xf32>
    %logistic3A_39 = arith.constant 1.000000e+00 : f32
    %logistic3A_40 = vector.broadcast %logistic3A_39 : f32 to vector<1x16xf32>
    %logistic3A_41 = arith.addf %logistic3A_40, %logistic3A_38 : vector<1x16xf32>
    %logistic3A_42 = arith.divf %logistic3A_40, %logistic3A_41 : vector<1x16xf32>
    %slice3A_43 = vector.extract_strided_slice %add3A_34 {offsets = [1, 0], sizes = [1, 16], strides = [1, 1]} : vector<3x16xf32> to vector<1x16xf32>
    %slice3A_44 = vector.extract_strided_slice %get3A_21 {offsets = [1, 0], sizes = [1, 16], strides = [1, 1]} : vector<3x16xf32> to vector<1x16xf32>
    %add3A_45 = arith.addf %slice3A_43, %slice3A_44 : vector<1x16xf32>
    %logistic3A_46 = arith.negf %add3A_45 : vector<1x16xf32>
    %logistic3A_47 = math.exp %logistic3A_46 : vector<1x16xf32>
    %logistic3A_48 = arith.constant 1.000000e+00 : f32
    %logistic3A_49 = vector.broadcast %logistic3A_48 : f32 to vector<1x16xf32>
    %logistic3A_50 = arith.addf %logistic3A_49, %logistic3A_47 : vector<1x16xf32>
    %logistic3A_51 = arith.divf %logistic3A_49, %logistic3A_50 : vector<1x16xf32>
    %slice3A_52 = vector.extract_strided_slice %add3A_34 {offsets = [2, 0], sizes = [1, 16], strides = [1, 1]} : vector<3x16xf32> to vector<1x16xf32>
    %slice3A_53 = vector.extract_strided_slice %get3A_21 {offsets = [2, 0], sizes = [1, 16], strides = [1, 1]} : vector<3x16xf32> to vector<1x16xf32>
    %mul3A_54 = arith.mulf %logistic3A_42, %slice3A_53 : vector<1x16xf32>
    %add3A_55 = arith.addf %slice3A_52, %mul3A_54 : vector<1x16xf32>
    %tanh3A = math.tanh %add3A_55 : vector<1x16xf32>
    %sub3A = arith.constant 1.000000e+00 : f32
    %sub3A_56 = vector.broadcast %sub3A : f32 to vector<1x16xf32>
    %sub3A_57 = arith.subf %sub3A_56, %logistic3A_51 : vector<1x16xf32>
    %mul3A_58 = arith.mulf %sub3A_57, %tanh3A : vector<1x16xf32>
    %reshape3A_59 = vector.shape_cast %mul3A_58 : vector<1x16xf32> to vector<1x1x16xf32>
    %mul3A_60 = vector.broadcast %reshape3A_59 : vector<1x1x16xf32> to vector<16x16x16xf32>
    %mul3A_61 = arith.mulf %get3A_28, %mul3A_60 : vector<16x16x16xf32>
    %reduce_sum3A_62 = arith.constant dense<0.000000e+00> : vector<16x16xf32>
    %reduce_sum3A_63 = vector.multi_reduction <add>, %mul3A_61, %reduce_sum3A_62 [2] : vector<16x16x16xf32> to vector<16x16xf32>
    %add3A_64 = arith.addf %reduce_sum3A_63, %get3A_31 : vector<16x16xf32>
    %get3A_65 = arith.constant 0 : index
    %get3A_66 = arith.constant 0 : index
    %get3A_67 = vector.load %arg1[%get3A_65, %get3A_66] : memref<2048x16xf32, #tpu.memory_space<vmem>>, vector<2048x16xf32>
    %dot_general3A_68 = arith.constant dense<0.000000e+00> : vector<2048x16xf32>
    %dot_general3A_69 = tpu.matmul %get3A_67, %add3A_64, %dot_general3A_68 {dimension_numbers = #tpu.dot_dimension_numbers<[1], [0], [0], [1], [0, 0, 1, 1], [], []>, precision = #tpu.contract_precision<fp32>, transpose_lhs_hint = false} : vector<2048x16xf32>, vector<16x16xf32>, vector<2048x16xf32> -> vector<2048x16xf32>
    %reshape3A_70 = vector.shape_cast %dot_general3A_69 : vector<2048x16xf32> to vector<256x8x16xf32>
    %slice3A_71 = vector.extract_strided_slice %reshape3A_70 {offsets = [0, 0, 0], sizes = [256, 1, 16], strides = [1, 1, 1]} : vector<256x8x16xf32> to vector<256x1x16xf32>
    %squeeze3A_72 = vector.shape_cast %slice3A_71 : vector<256x1x16xf32> to vector<256x16xf32>
    %slice3A_73 = vector.extract_strided_slice %reshape3A_70 {offsets = [0, 1, 0], sizes = [256, 1, 16], strides = [1, 1, 1]} : vector<256x8x16xf32> to vector<256x1x16xf32>
    %squeeze3A_74 = vector.shape_cast %slice3A_73 : vector<256x1x16xf32> to vector<256x16xf32>
    %slice3A_75 = vector.extract_strided_slice %reshape3A_70 {offsets = [0, 2, 0], sizes = [256, 1, 16], strides = [1, 1, 1]} : vector<256x8x16xf32> to vector<256x1x16xf32>
    %squeeze3A_76 = vector.shape_cast %slice3A_75 : vector<256x1x16xf32> to vector<256x16xf32>
    %slice3A_77 = vector.extract_strided_slice %reshape3A_70 {offsets = [0, 3, 0], sizes = [256, 1, 16], strides = [1, 1, 1]} : vector<256x8x16xf32> to vector<256x1x16xf32>
    %squeeze3A_78 = vector.shape_cast %slice3A_77 : vector<256x1x16xf32> to vector<256x16xf32>
    %slice3A_79 = vector.extract_strided_slice %reshape3A_70 {offsets = [0, 4, 0], sizes = [256, 1, 16], strides = [1, 1, 1]} : vector<256x8x16xf32> to vector<256x1x16xf32>
    %squeeze3A_80 = vector.shape_cast %slice3A_79 : vector<256x1x16xf32> to vector<256x16xf32>
    %slice3A_81 = vector.extract_strided_slice %reshape3A_70 {offsets = [0, 5, 0], sizes = [256, 1, 16], strides = [1, 1, 1]} : vector<256x8x16xf32> to vector<256x1x16xf32>
    %squeeze3A_82 = vector.shape_cast %slice3A_81 : vector<256x1x16xf32> to vector<256x16xf32>
    %slice3A_83 = vector.extract_strided_slice %reshape3A_70 {offsets = [0, 6, 0], sizes = [256, 1, 16], strides = [1, 1, 1]} : vector<256x8x16xf32> to vector<256x1x16xf32>
    %squeeze3A_84 = vector.shape_cast %slice3A_83 : vector<256x1x16xf32> to vector<256x16xf32>
    %slice3A_85 = vector.extract_strided_slice %reshape3A_70 {offsets = [0, 7, 0], sizes = [256, 1, 16], strides = [1, 1, 1]} : vector<256x8x16xf32> to vector<256x1x16xf32>
    %squeeze3A_86 = vector.shape_cast %slice3A_85 : vector<256x1x16xf32> to vector<256x16xf32>
    %concatenate3A = tpu.concatenate %squeeze3A_72, %squeeze3A_74, %squeeze3A_76, %squeeze3A_78, %squeeze3A_80, %squeeze3A_82, %squeeze3A_84, %squeeze3A_86 in 1 : vector<256x16xf32>, vector<256x16xf32>, vector<256x16xf32>, vector<256x16xf32>, vector<256x16xf32>, vector<256x16xf32>, vector<256x16xf32>, vector<256x16xf32> -> vector<256x128xf32>
    %mul3A_87 = arith.mulf %dot_general3A_11, %concatenate3A : vector<256x128xf32>
    %swap3A = arith.constant 0 : index
    %swap3A_88 = arith.constant 0 : index
    %swap3A_89 = vector.load %arg10[%swap3A, %swap3A_88] : memref<256x128xf32, #tpu.memory_space<vmem>>, vector<256x128xf32>
    tpu.vector_store %arg10[%swap3A, %swap3A_88], %mul3A_87 {strides = array<i32>} : memref<256x128xf32, #tpu.memory_space<vmem>>, vector<256x128xf32>,
    return
  }
  func.func @transform_0(%arg0: i32) -> (i32, i32) {
    %c0_i32 = arith.constant 0 : i32
    %c0_i32_0 = arith.constant 0 : i32
    return %arg0, %c0_i32 : i32, i32
  }
  func.func @transform_1(%arg0: i32) -> (i32, i32, i32) {
    %c0_i32 = arith.constant 0 : i32
    %c0_i32_0 = arith.constant 0 : i32
    %c0_i32_1 = arith.constant 0 : i32
    return %c0_i32, %arg0, %c0_i32_0 : i32, i32, i32
  }
  func.func @transform_2(%arg0: i32) -> (i32, i32) {
    %c0_i32 = arith.constant 0 : i32
    %c0_i32_0 = arith.constant 0 : i32
    %c0_i32_1 = arith.constant 0 : i32
    return %c0_i32, %c0_i32_0 : i32, i32
  }
  func.func @transform_3(%arg0: i32) -> (i32, i32, i32) {
    %c0_i32 = arith.constant 0 : i32
    %c0_i32_0 = arith.constant 0 : i32
    %c0_i32_1 = arith.constant 0 : i32
    %c0_i32_2 = arith.constant 0 : i32
    return %c0_i32, %c0_i32_0, %c0_i32_1 : i32, i32, i32
  }
  func.func @transform_4(%arg0: i32) -> (i32, i32) {
    %c0_i32 = arith.constant 0 : i32
    %c0_i32_0 = arith.constant 0 : i32
    %c0_i32_1 = arith.constant 0 : i32
    return %c0_i32, %c0_i32_0 : i32, i32
  }
  func.func @transform_5(%arg0: i32) -> (i32, i32) {
    %c0_i32 = arith.constant 0 : i32
    %c0_i32_0 = arith.constant 0 : i32
    %c0_i32_1 = arith.constant 0 : i32
    return %c0_i32, %c0_i32_0 : i32, i32
  }
  func.func @transform_6(%arg0: i32) -> (i32, i32) {
    %c0_i32 = arith.constant 0 : i32
    %c0_i32_0 = arith.constant 0 : i32
    %c0_i32_1 = arith.constant 0 : i32
    return %c0_i32, %c0_i32_0 : i32, i32
  }
  func.func @transform_7(%arg0: i32) -> (i32, i32, i32) {
    %c0_i32 = arith.constant 0 : i32
    %c0_i32_0 = arith.constant 0 : i32
    %c0_i32_1 = arith.constant 0 : i32
    %c0_i32_2 = arith.constant 0 : i32
    return %c0_i32, %c0_i32_0, %c0_i32_1 : i32, i32, i32
  }
  func.func @transform_8(%arg0: i32) -> (i32, i32) {
    %c0_i32 = arith.constant 0 : i32
    %c0_i32_0 = arith.constant 0 : i32
    %c0_i32_1 = arith.constant 0 : i32
    return %c0_i32, %c0_i32_0 : i32, i32
  }
  func.func @transform_9(%arg0: i32) -> (i32, i32) {
    %c0_i32 = arith.constant 0 : i32
    %c0_i32_0 = arith.constant 0 : i32
    return %arg0, %c0_i32 : i32, i32
  }
}

module attributes {stable_mosaic.version = 14 : i64} {
  func.func @_tc_mid_body(%arg0: i32, %arg1: memref<2x256x128xf32, #tpu.memory_space<vmem>>, %arg2: memref<256x128xf32, #tpu.memory_space<vmem>>, %arg3: memref<2x256x8xf32, #tpu.memory_space<vmem>>, %arg4: memref<8x128xf32, #tpu.memory_space<vmem>>, %arg5: memref<128x16xf32, #tpu.memory_space<vmem>>, %arg6: memref<16x128xf32, #tpu.memory_space<vmem>>, %arg7: memref<128x128xf32, #tpu.memory_space<vmem>>, %arg8: memref<1x128xf32, #tpu.memory_space<vmem>>, %arg9: memref<3x16x16xf32, #tpu.memory_space<vmem>>, %arg10: memref<3x16xf32, #tpu.memory_space<vmem>>, %arg11: memref<3x16xf32, #tpu.memory_space<vmem>>, %arg12: memref<1x16xf32, #tpu.memory_space<vmem>>, %arg13: memref<16x16x16xf32, #tpu.memory_space<vmem>>, %arg14: memref<16x16xf32, #tpu.memory_space<vmem>>, %arg15: memref<256x128xf32, #tpu.memory_space<vmem>>) attributes {dimension_semantics = [#tpu.dimension_semantics<arbitrary>], iteration_bounds = array<i64: 49>, scalar_prefetch = 0 : i64, scratch_operands = 0 : i64, tpu.core_type = #tpu.core_type<tc>, window_params = [{transform_indices = @transform_0, window_bounds = array<i64: 2, 256, 128>}, {transform_indices = @transform_1, window_bounds = array<i64: 256, 128>}, {transform_indices = @transform_2, window_bounds = array<i64: 2, 256, 8>}, {pipeline_mode = #tpu.pipeline_mode<synchronous>, transform_indices = @transform_3, window_bounds = array<i64: 8, 128>}, {pipeline_mode = #tpu.pipeline_mode<synchronous>, transform_indices = @transform_4, window_bounds = array<i64: 128, 16>}, {pipeline_mode = #tpu.pipeline_mode<synchronous>, transform_indices = @transform_5, window_bounds = array<i64: 16, 128>}, {pipeline_mode = #tpu.pipeline_mode<synchronous>, transform_indices = @transform_6, window_bounds = array<i64: 128, 128>}, {pipeline_mode = #tpu.pipeline_mode<synchronous>, transform_indices = @transform_7, window_bounds = array<i64: 1, 128>}, {pipeline_mode = #tpu.pipeline_mode<synchronous>, transform_indices = @transform_8, window_bounds = array<i64: 3, 16, 16>}, {pipeline_mode = #tpu.pipeline_mode<synchronous>, transform_indices = @transform_9, window_bounds = array<i64: 3, 16>}, {pipeline_mode = #tpu.pipeline_mode<synchronous>, transform_indices = @transform_10, window_bounds = array<i64: 3, 16>}, {pipeline_mode = #tpu.pipeline_mode<synchronous>, transform_indices = @transform_11, window_bounds = array<i64: 1, 16>}, {pipeline_mode = #tpu.pipeline_mode<synchronous>, transform_indices = @transform_12, window_bounds = array<i64: 16, 16, 16>}, {pipeline_mode = #tpu.pipeline_mode<synchronous>, transform_indices = @transform_13, window_bounds = array<i64: 16, 16>}, {transform_indices = @transform_14, window_bounds = array<i64: 256, 128>}]} {
    %get3A = arith.constant 0 : index
    %get3A_0 = arith.constant 0 : index
    %get3A_1 = arith.constant 0 : index
    %get3A_2 = vector.load %arg3[%get3A, %get3A_0, %get3A_1] : memref<2x256x8xf32, #tpu.memory_space<vmem>>, vector<2x256x8xf32>
    %get3A_3 = arith.constant 0 : index
    %get3A_4 = arith.constant 0 : index
    %get3A_5 = vector.load %arg4[%get3A_3, %get3A_4] : memref<8x128xf32, #tpu.memory_space<vmem>>, vector<8x128xf32>
    %slice3A = vector.extract_strided_slice %get3A_2 {offsets = [0, 0, 0], sizes = [1, 256, 8], strides = [1, 1, 1]} : vector<2x256x8xf32> to vector<1x256x8xf32>
    %squeeze3A = vector.shape_cast %slice3A : vector<1x256x8xf32> to vector<256x8xf32>
    %slice3A_6 = vector.extract_strided_slice %get3A_2 {offsets = [1, 0, 0], sizes = [1, 256, 8], strides = [1, 1, 1]} : vector<2x256x8xf32> to vector<1x256x8xf32>
    %squeeze3A_7 = vector.shape_cast %slice3A_6 : vector<1x256x8xf32> to vector<256x8xf32>
    %add3A = arith.addf %squeeze3A, %squeeze3A_7 : vector<256x8xf32>
    %add3A_8 = arith.constant 1.000000e+00 : f32
    %add3A_9 = vector.broadcast %add3A_8 : f32 to vector<256x8xf32>
    %add3A_10 = arith.addf %add3A, %add3A_9 : vector<256x8xf32>
    %rsqrt3A = math.rsqrt %add3A_10 : vector<256x8xf32>
    %dot_general3A = arith.constant dense<0.000000e+00> : vector<256x128xf32>
    %dot_general3A_11 = tpu.matmul %rsqrt3A, %get3A_5, %dot_general3A {dimension_numbers = #tpu.dot_dimension_numbers<[1], [0], [0], [1], [0, 0, 1, 1], [], []>, precision = #tpu.contract_precision<fp32>, transpose_lhs_hint = false} : vector<256x8xf32>, vector<8x128xf32>, vector<256x128xf32> -> vector<256x128xf32>
    %get3A_12 = arith.constant 0 : index
    %get3A_13 = arith.constant 0 : index
    %get3A_14 = arith.constant 0 : index
    %get3A_15 = vector.load %arg1[%get3A_12, %get3A_13, %get3A_14] : memref<2x256x128xf32, #tpu.memory_space<vmem>>, vector<1x256x128xf32>
    %get3A_16 = vector.shape_cast %get3A_15 : vector<1x256x128xf32> to vector<256x128xf32>
    %get3A_17 = arith.constant 1 : index
    %get3A_18 = arith.constant 0 : index
    %get3A_19 = arith.constant 0 : index
    %get3A_20 = vector.load %arg1[%get3A_17, %get3A_18, %get3A_19] : memref<2x256x128xf32, #tpu.memory_space<vmem>>, vector<1x256x128xf32>
    %get3A_21 = vector.shape_cast %get3A_20 : vector<1x256x128xf32> to vector<256x128xf32>
    %add3A_22 = arith.addf %get3A_16, %get3A_21 : vector<256x128xf32>
    %get3A_23 = arith.constant 0 : index
    %get3A_24 = arith.constant 0 : index
    %get3A_25 = vector.load %arg2[%get3A_23, %get3A_24] : memref<256x128xf32, #tpu.memory_space<vmem>>, vector<256x128xf32>
    %add3A_26 = arith.addf %add3A_22, %get3A_25 : vector<256x128xf32>
    %mul3A = arith.mulf %dot_general3A_11, %add3A_26 : vector<256x128xf32>
    %get3A_27 = arith.constant 0 : index
    %get3A_28 = arith.constant 0 : index
    %get3A_29 = vector.load %arg8[%get3A_27, %get3A_28] : memref<1x128xf32, #tpu.memory_space<vmem>>, vector<1x128xf32>
    %add3A_30 = vector.broadcast %get3A_29 : vector<1x128xf32> to vector<256x128xf32>
    %add3A_31 = arith.addf %mul3A, %add3A_30 : vector<256x128xf32>
    %ge3A = arith.constant 0.000000e+00 : f32
    %ge3A_32 = vector.broadcast %ge3A : f32 to vector<256x128xf32>
    %ge3A_33 = arith.cmpf oge, %add3A_31, %ge3A_32 : vector<256x128xf32>
    %mul3A_34 = arith.constant 0.00999999977 : f32
    %mul3A_35 = vector.broadcast %mul3A_34 : f32 to vector<256x128xf32>
    %mul3A_36 = arith.mulf %mul3A_35, %add3A_31 : vector<256x128xf32>
    %select_n3A = arith.select %ge3A_33, %add3A_31, %mul3A_36 : vector<256x128xi1>, vector<256x128xf32>
    %get3A_37 = arith.constant 0 : index
    %get3A_38 = arith.constant 0 : index
    %get3A_39 = arith.constant 0 : index
    %get3A_40 = vector.load %arg9[%get3A_37, %get3A_38, %get3A_39] : memref<3x16x16xf32, #tpu.memory_space<vmem>>, vector<3x16x16xf32>
    %get3A_41 = arith.constant 0 : index
    %get3A_42 = arith.constant 0 : index
    %get3A_43 = vector.load %arg10[%get3A_41, %get3A_42] : memref<3x16xf32, #tpu.memory_space<vmem>>, vector<3x16xf32>
    %get3A_44 = arith.constant 0 : index
    %get3A_45 = arith.constant 0 : index
    %get3A_46 = vector.load %arg11[%get3A_44, %get3A_45] : memref<3x16xf32, #tpu.memory_space<vmem>>, vector<3x16xf32>
    %get3A_47 = arith.constant 0 : index
    %get3A_48 = arith.constant 0 : index
    %get3A_49 = vector.load %arg12[%get3A_47, %get3A_48] : memref<1x16xf32, #tpu.memory_space<vmem>>, vector<1x16xf32>
    %get3A_50 = arith.constant 0 : index
    %get3A_51 = arith.constant 0 : index
    %get3A_52 = arith.constant 0 : index
    %get3A_53 = vector.load %arg13[%get3A_50, %get3A_51, %get3A_52] : memref<16x16x16xf32, #tpu.memory_space<vmem>>, vector<16x16x16xf32>
    %get3A_54 = arith.constant 0 : index
    %get3A_55 = arith.constant 0 : index
    %get3A_56 = vector.load %arg14[%get3A_54, %get3A_55] : memref<16x16xf32, #tpu.memory_space<vmem>>, vector<16x16xf32>
    %reshape3A = vector.shape_cast %get3A_49 : vector<1x16xf32> to vector<1x1x16xf32>
    %mul3A_57 = vector.broadcast %reshape3A : vector<1x1x16xf32> to vector<3x16x16xf32>
    %mul3A_58 = arith.mulf %get3A_40, %mul3A_57 : vector<3x16x16xf32>
    %reduce_sum3A = arith.constant dense<0.000000e+00> : vector<3x16xf32>
    %reduce_sum3A_59 = vector.multi_reduction <add>, %mul3A_58, %reduce_sum3A [2] : vector<3x16x16xf32> to vector<3x16xf32>
    %add3A_60 = arith.addf %reduce_sum3A_59, %get3A_43 : vector<3x16xf32>
    %slice3A_61 = vector.extract_strided_slice %add3A_60 {offsets = [0, 0], sizes = [1, 16], strides = [1, 1]} : vector<3x16xf32> to vector<1x16xf32>
    %slice3A_62 = vector.extract_strided_slice %get3A_46 {offsets = [0, 0], sizes = [1, 16], strides = [1, 1]} : vector<3x16xf32> to vector<1x16xf32>
    %add3A_63 = arith.addf %slice3A_61, %slice3A_62 : vector<1x16xf32>
    %logistic3A = arith.negf %add3A_63 : vector<1x16xf32>
    %logistic3A_64 = math.exp %logistic3A : vector<1x16xf32>
    %logistic3A_65 = arith.constant 1.000000e+00 : f32
    %logistic3A_66 = vector.broadcast %logistic3A_65 : f32 to vector<1x16xf32>
    %logistic3A_67 = arith.addf %logistic3A_66, %logistic3A_64 : vector<1x16xf32>
    %logistic3A_68 = arith.divf %logistic3A_66, %logistic3A_67 : vector<1x16xf32>
    %slice3A_69 = vector.extract_strided_slice %add3A_60 {offsets = [1, 0], sizes = [1, 16], strides = [1, 1]} : vector<3x16xf32> to vector<1x16xf32>
    %slice3A_70 = vector.extract_strided_slice %get3A_46 {offsets = [1, 0], sizes = [1, 16], strides = [1, 1]} : vector<3x16xf32> to vector<1x16xf32>
    %add3A_71 = arith.addf %slice3A_69, %slice3A_70 : vector<1x16xf32>
    %logistic3A_72 = arith.negf %add3A_71 : vector<1x16xf32>
    %logistic3A_73 = math.exp %logistic3A_72 : vector<1x16xf32>
    %logistic3A_74 = arith.constant 1.000000e+00 : f32
    %logistic3A_75 = vector.broadcast %logistic3A_74 : f32 to vector<1x16xf32>
    %logistic3A_76 = arith.addf %logistic3A_75, %logistic3A_73 : vector<1x16xf32>
    %logistic3A_77 = arith.divf %logistic3A_75, %logistic3A_76 : vector<1x16xf32>
    %slice3A_78 = vector.extract_strided_slice %add3A_60 {offsets = [2, 0], sizes = [1, 16], strides = [1, 1]} : vector<3x16xf32> to vector<1x16xf32>
    %slice3A_79 = vector.extract_strided_slice %get3A_46 {offsets = [2, 0], sizes = [1, 16], strides = [1, 1]} : vector<3x16xf32> to vector<1x16xf32>
    %mul3A_80 = arith.mulf %logistic3A_68, %slice3A_79 : vector<1x16xf32>
    %add3A_81 = arith.addf %slice3A_78, %mul3A_80 : vector<1x16xf32>
    %tanh3A = math.tanh %add3A_81 : vector<1x16xf32>
    %sub3A = arith.constant 1.000000e+00 : f32
    %sub3A_82 = vector.broadcast %sub3A : f32 to vector<1x16xf32>
    %sub3A_83 = arith.subf %sub3A_82, %logistic3A_77 : vector<1x16xf32>
    %mul3A_84 = arith.mulf %sub3A_83, %tanh3A : vector<1x16xf32>
    %reshape3A_85 = vector.shape_cast %mul3A_84 : vector<1x16xf32> to vector<1x1x16xf32>
    %mul3A_86 = vector.broadcast %reshape3A_85 : vector<1x1x16xf32> to vector<16x16x16xf32>
    %mul3A_87 = arith.mulf %get3A_53, %mul3A_86 : vector<16x16x16xf32>
    %reduce_sum3A_88 = arith.constant dense<0.000000e+00> : vector<16x16xf32>
    %reduce_sum3A_89 = vector.multi_reduction <add>, %mul3A_87, %reduce_sum3A_88 [2] : vector<16x16x16xf32> to vector<16x16xf32>
    %add3A_90 = arith.addf %reduce_sum3A_89, %get3A_56 : vector<16x16xf32>
    %get3A_91 = arith.constant 0 : index
    %get3A_92 = arith.constant 0 : index
    %get3A_93 = vector.load %arg5[%get3A_91, %get3A_92] : memref<128x16xf32, #tpu.memory_space<vmem>>, vector<128x16xf32>
    %get3A_94 = arith.constant 0 : index
    %get3A_95 = arith.constant 0 : index
    %get3A_96 = vector.load %arg6[%get3A_94, %get3A_95] : memref<16x128xf32, #tpu.memory_space<vmem>>, vector<16x128xf32>
    %get3A_97 = arith.constant 0 : index
    %get3A_98 = arith.constant 0 : index
    %get3A_99 = vector.load %arg7[%get3A_97, %get3A_98] : memref<128x128xf32, #tpu.memory_space<vmem>>, vector<128x128xf32>
    %dot_general3A_100 = arith.constant dense<0.000000e+00> : vector<128x16xf32>
    %dot_general3A_101 = tpu.matmul %get3A_93, %add3A_90, %dot_general3A_100 {dimension_numbers = #tpu.dot_dimension_numbers<[1], [0], [0], [1], [0, 0, 1, 1], [], []>, precision = #tpu.contract_precision<fp32>, transpose_lhs_hint = false} : vector<128x16xf32>, vector<16x16xf32>, vector<128x16xf32> -> vector<128x16xf32>
    %dot_general3A_102 = arith.constant dense<0.000000e+00> : vector<128x128xf32>
    %dot_general3A_103 = tpu.matmul %dot_general3A_101, %get3A_96, %dot_general3A_102 {dimension_numbers = #tpu.dot_dimension_numbers<[1], [0], [0], [1], [0, 0, 1, 1], [], []>, precision = #tpu.contract_precision<fp32>, transpose_lhs_hint = false} : vector<128x16xf32>, vector<16x128xf32>, vector<128x128xf32> -> vector<128x128xf32>
    %mul3A_104 = arith.mulf %dot_general3A_103, %get3A_99 : vector<128x128xf32>
    %dot_general3A_105 = arith.constant dense<0.000000e+00> : vector<256x128xf32>
    %dot_general3A_106 = tpu.matmul %select_n3A, %mul3A_104, %dot_general3A_105 {dimension_numbers = #tpu.dot_dimension_numbers<[1], [0], [0], [1], [0, 0, 1, 1], [], []>, precision = #tpu.contract_precision<fp32>, transpose_lhs_hint = false} : vector<256x128xf32>, vector<128x128xf32>, vector<256x128xf32> -> vector<256x128xf32>
    %mul3A_107 = arith.mulf %dot_general3A_11, %dot_general3A_106 : vector<256x128xf32>
    %swap3A = arith.constant 0 : index
    %swap3A_108 = arith.constant 0 : index
    %swap3A_109 = vector.load %arg15[%swap3A, %swap3A_108] : memref<256x128xf32, #tpu.memory_space<vmem>>, vector<256x128xf32>
    tpu.vector_store %arg15[%swap3A, %swap3A_108], %mul3A_107 {strides = array<i32>} : memref<256x128xf32, #tpu.memory_space<vmem>>, vector<256x128xf32>,
    return
  }
  func.func @transform_0(%arg0: i32) -> (i32, i32, i32) {
    %c0_i32 = arith.constant 0 : i32
    %c0_i32_0 = arith.constant 0 : i32
    %c0_i32_1 = arith.constant 0 : i32
    return %c0_i32, %arg0, %c0_i32_0 : i32, i32, i32
  }
  func.func @transform_1(%arg0: i32) -> (i32, i32) {
    %c0_i32 = arith.constant 0 : i32
    %c0_i32_0 = arith.constant 0 : i32
    return %arg0, %c0_i32 : i32, i32
  }
  func.func @transform_2(%arg0: i32) -> (i32, i32, i32) {
    %c0_i32 = arith.constant 0 : i32
    %c0_i32_0 = arith.constant 0 : i32
    %c0_i32_1 = arith.constant 0 : i32
    return %c0_i32, %arg0, %c0_i32_0 : i32, i32, i32
  }
  func.func @transform_3(%arg0: i32) -> (i32, i32) {
    %c0_i32 = arith.constant 0 : i32
    %c0_i32_0 = arith.constant 0 : i32
    %c0_i32_1 = arith.constant 0 : i32
    return %c0_i32, %c0_i32_0 : i32, i32
  }
  func.func @transform_4(%arg0: i32) -> (i32, i32) {
    %c0_i32 = arith.constant 0 : i32
    %c0_i32_0 = arith.constant 0 : i32
    %c0_i32_1 = arith.constant 0 : i32
    return %c0_i32, %c0_i32_0 : i32, i32
  }
  func.func @transform_5(%arg0: i32) -> (i32, i32) {
    %c0_i32 = arith.constant 0 : i32
    %c0_i32_0 = arith.constant 0 : i32
    %c0_i32_1 = arith.constant 0 : i32
    return %c0_i32, %c0_i32_0 : i32, i32
  }
  func.func @transform_6(%arg0: i32) -> (i32, i32) {
    %c0_i32 = arith.constant 0 : i32
    %c0_i32_0 = arith.constant 0 : i32
    %c0_i32_1 = arith.constant 0 : i32
    return %c0_i32, %c0_i32_0 : i32, i32
  }
  func.func @transform_7(%arg0: i32) -> (i32, i32) {
    %c0_i32 = arith.constant 0 : i32
    %c0_i32_0 = arith.constant 0 : i32
    %c0_i32_1 = arith.constant 0 : i32
    return %c0_i32, %c0_i32_0 : i32, i32
  }
  func.func @transform_8(%arg0: i32) -> (i32, i32, i32) {
    %c0_i32 = arith.constant 0 : i32
    %c0_i32_0 = arith.constant 0 : i32
    %c0_i32_1 = arith.constant 0 : i32
    %c0_i32_2 = arith.constant 0 : i32
    return %c0_i32, %c0_i32_0, %c0_i32_1 : i32, i32, i32
  }
  func.func @transform_9(%arg0: i32) -> (i32, i32) {
    %c0_i32 = arith.constant 0 : i32
    %c0_i32_0 = arith.constant 0 : i32
    %c0_i32_1 = arith.constant 0 : i32
    return %c0_i32, %c0_i32_0 : i32, i32
  }
  func.func @transform_10(%arg0: i32) -> (i32, i32) {
    %c0_i32 = arith.constant 0 : i32
    %c0_i32_0 = arith.constant 0 : i32
    %c0_i32_1 = arith.constant 0 : i32
    return %c0_i32, %c0_i32_0 : i32, i32
  }
  func.func @transform_11(%arg0: i32) -> (i32, i32) {
    %c0_i32 = arith.constant 0 : i32
    %c0_i32_0 = arith.constant 0 : i32
    %c0_i32_1 = arith.constant 0 : i32
    return %c0_i32, %c0_i32_0 : i32, i32
  }
  func.func @transform_12(%arg0: i32) -> (i32, i32, i32) {
    %c0_i32 = arith.constant 0 : i32
    %c0_i32_0 = arith.constant 0 : i32
    %c0_i32_1 = arith.constant 0 : i32
    %c0_i32_2 = arith.constant 0 : i32
    return %c0_i32, %c0_i32_0, %c0_i32_1 : i32, i32, i32
  }
  func.func @transform_13(%arg0: i32) -> (i32, i32) {
    %c0_i32 = arith.constant 0 : i32
    %c0_i32_0 = arith.constant 0 : i32
    %c0_i32_1 = arith.constant 0 : i32
    return %c0_i32, %c0_i32_0 : i32, i32
  }
  func.func @transform_14(%arg0: i32) -> (i32, i32) {
    %c0_i32 = arith.constant 0 : i32
    %c0_i32_0 = arith.constant 0 : i32
    return %arg0, %c0_i32 : i32, i32
  }
}

module attributes {stable_mosaic.version = 14 : i64} {
  func.func @_tc_out_body(%arg0: i32, %arg1: memref<2x256x128xf32, #tpu.memory_space<vmem>>, %arg2: memref<256x128xf32, #tpu.memory_space<vmem>>, %arg3: memref<2x256x8xf32, #tpu.memory_space<vmem>>, %arg4: memref<8x128xf32, #tpu.memory_space<vmem>>, %arg5: memref<1x128xf32, #tpu.memory_space<vmem>>, %arg6: memref<256x128xf32, #tpu.memory_space<vmem>>) attributes {dimension_semantics = [#tpu.dimension_semantics<arbitrary>], iteration_bounds = array<i64: 49>, scalar_prefetch = 0 : i64, scratch_operands = 0 : i64, tpu.core_type = #tpu.core_type<tc>, window_params = [{transform_indices = @transform_0, window_bounds = array<i64: 2, 256, 128>}, {transform_indices = @transform_1, window_bounds = array<i64: 256, 128>}, {transform_indices = @transform_2, window_bounds = array<i64: 2, 256, 8>}, {pipeline_mode = #tpu.pipeline_mode<synchronous>, transform_indices = @transform_3, window_bounds = array<i64: 8, 128>}, {pipeline_mode = #tpu.pipeline_mode<synchronous>, transform_indices = @transform_4, window_bounds = array<i64: 1, 128>}, {transform_indices = @transform_5, window_bounds = array<i64: 256, 128>}]} {
    %get3A = arith.constant 0 : index
    %get3A_0 = arith.constant 0 : index
    %get3A_1 = arith.constant 0 : index
    %get3A_2 = vector.load %arg3[%get3A, %get3A_0, %get3A_1] : memref<2x256x8xf32, #tpu.memory_space<vmem>>, vector<2x256x8xf32>
    %get3A_3 = arith.constant 0 : index
    %get3A_4 = arith.constant 0 : index
    %get3A_5 = vector.load %arg4[%get3A_3, %get3A_4] : memref<8x128xf32, #tpu.memory_space<vmem>>, vector<8x128xf32>
    %slice3A = vector.extract_strided_slice %get3A_2 {offsets = [0, 0, 0], sizes = [1, 256, 8], strides = [1, 1, 1]} : vector<2x256x8xf32> to vector<1x256x8xf32>
    %squeeze3A = vector.shape_cast %slice3A : vector<1x256x8xf32> to vector<256x8xf32>
    %slice3A_6 = vector.extract_strided_slice %get3A_2 {offsets = [1, 0, 0], sizes = [1, 256, 8], strides = [1, 1, 1]} : vector<2x256x8xf32> to vector<1x256x8xf32>
    %squeeze3A_7 = vector.shape_cast %slice3A_6 : vector<1x256x8xf32> to vector<256x8xf32>
    %add3A = arith.addf %squeeze3A, %squeeze3A_7 : vector<256x8xf32>
    %add3A_8 = arith.constant 1.000000e+00 : f32
    %add3A_9 = vector.broadcast %add3A_8 : f32 to vector<256x8xf32>
    %add3A_10 = arith.addf %add3A, %add3A_9 : vector<256x8xf32>
    %rsqrt3A = math.rsqrt %add3A_10 : vector<256x8xf32>
    %dot_general3A = arith.constant dense<0.000000e+00> : vector<256x128xf32>
    %dot_general3A_11 = tpu.matmul %rsqrt3A, %get3A_5, %dot_general3A {dimension_numbers = #tpu.dot_dimension_numbers<[1], [0], [0], [1], [0, 0, 1, 1], [], []>, precision = #tpu.contract_precision<fp32>, transpose_lhs_hint = false} : vector<256x8xf32>, vector<8x128xf32>, vector<256x128xf32> -> vector<256x128xf32>
    %get3A_12 = arith.constant 0 : index
    %get3A_13 = arith.constant 0 : index
    %get3A_14 = arith.constant 0 : index
    %get3A_15 = vector.load %arg1[%get3A_12, %get3A_13, %get3A_14] : memref<2x256x128xf32, #tpu.memory_space<vmem>>, vector<1x256x128xf32>
    %get3A_16 = vector.shape_cast %get3A_15 : vector<1x256x128xf32> to vector<256x128xf32>
    %get3A_17 = arith.constant 1 : index
    %get3A_18 = arith.constant 0 : index
    %get3A_19 = arith.constant 0 : index
    %get3A_20 = vector.load %arg1[%get3A_17, %get3A_18, %get3A_19] : memref<2x256x128xf32, #tpu.memory_space<vmem>>, vector<1x256x128xf32>
    %get3A_21 = vector.shape_cast %get3A_20 : vector<1x256x128xf32> to vector<256x128xf32>
    %add3A_22 = arith.addf %get3A_16, %get3A_21 : vector<256x128xf32>
    %get3A_23 = arith.constant 0 : index
    %get3A_24 = arith.constant 0 : index
    %get3A_25 = vector.load %arg2[%get3A_23, %get3A_24] : memref<256x128xf32, #tpu.memory_space<vmem>>, vector<256x128xf32>
    %add3A_26 = arith.addf %add3A_22, %get3A_25 : vector<256x128xf32>
    %mul3A = arith.mulf %dot_general3A_11, %add3A_26 : vector<256x128xf32>
    %get3A_27 = arith.constant 0 : index
    %get3A_28 = arith.constant 0 : index
    %get3A_29 = vector.load %arg5[%get3A_27, %get3A_28] : memref<1x128xf32, #tpu.memory_space<vmem>>, vector<1x128xf32>
    %add3A_30 = vector.broadcast %get3A_29 : vector<1x128xf32> to vector<256x128xf32>
    %add3A_31 = arith.addf %mul3A, %add3A_30 : vector<256x128xf32>
    %ge3A = arith.constant 0.000000e+00 : f32
    %ge3A_32 = vector.broadcast %ge3A : f32 to vector<256x128xf32>
    %ge3A_33 = arith.cmpf oge, %add3A_31, %ge3A_32 : vector<256x128xf32>
    %mul3A_34 = arith.constant 0.00999999977 : f32
    %mul3A_35 = vector.broadcast %mul3A_34 : f32 to vector<256x128xf32>
    %mul3A_36 = arith.mulf %mul3A_35, %add3A_31 : vector<256x128xf32>
    %select_n3A = arith.select %ge3A_33, %add3A_31, %mul3A_36 : vector<256x128xi1>, vector<256x128xf32>
    %swap3A = arith.constant 0 : index
    %swap3A_37 = arith.constant 0 : index
    %swap3A_38 = vector.load %arg6[%swap3A, %swap3A_37] : memref<256x128xf32, #tpu.memory_space<vmem>>, vector<256x128xf32>
    tpu.vector_store %arg6[%swap3A, %swap3A_37], %select_n3A {strides = array<i32>} : memref<256x128xf32, #tpu.memory_space<vmem>>, vector<256x128xf32>,
    return
  }
  func.func @transform_0(%arg0: i32) -> (i32, i32, i32) {
    %c0_i32 = arith.constant 0 : i32
    %c0_i32_0 = arith.constant 0 : i32
    %c0_i32_1 = arith.constant 0 : i32
    return %c0_i32, %arg0, %c0_i32_0 : i32, i32, i32
  }
  func.func @transform_1(%arg0: i32) -> (i32, i32) {
    %c0_i32 = arith.constant 0 : i32
    %c0_i32_0 = arith.constant 0 : i32
    return %arg0, %c0_i32 : i32, i32
  }
  func.func @transform_2(%arg0: i32) -> (i32, i32, i32) {
    %c0_i32 = arith.constant 0 : i32
    %c0_i32_0 = arith.constant 0 : i32
    %c0_i32_1 = arith.constant 0 : i32
    return %c0_i32, %arg0, %c0_i32_0 : i32, i32, i32
  }
  func.func @transform_3(%arg0: i32) -> (i32, i32) {
    %c0_i32 = arith.constant 0 : i32
    %c0_i32_0 = arith.constant 0 : i32
    %c0_i32_1 = arith.constant 0 : i32
    return %c0_i32, %c0_i32_0 : i32, i32
  }
  func.func @transform_4(%arg0: i32) -> (i32, i32) {
    %c0_i32 = arith.constant 0 : i32
    %c0_i32_0 = arith.constant 0 : i32
    %c0_i32_1 = arith.constant 0 : i32
    return %c0_i32, %c0_i32_0 : i32, i32
  }
  func.func @transform_5(%arg0: i32) -> (i32, i32) {
    %c0_i32 = arith.constant 0 : i32
    %c0_i32_0 = arith.constant 0 : i32
    return %arg0, %c0_i32 : i32, i32
  }
}

</mosaic_0001>

<sc_bundles>
// kernel: kernel.12.cloned.1.call-start
scs
__scs_entry_jumppad:
0x0: {  	(pc) =	sbr.rel $0x88, $3  }
0x1: {  	(tag) =	ssettag $0x0;
	lr =	simm.s32 $0x1  }
0x2: {  	[smem:$0x3F8B] =	sst lr;
	_ =	strace $0xD0000000  }
0x3: {  	_ = 	snop  }
0x4: {  	_ = 	snop  }
0x5: {  	_ = 	snop  }
0x6: {  	_ = 	snop  }
0x7: {  	_ = 	snop  }
__scs_overlays_trampoline_lowered:
0x8: {  	[smem:$0x3F9A] =	sst s0  }
0x9: {  	[smem:$0x3F9B] =	sst s1  }
0xa: {  	[smem:$0x3F9C] =	sst s2  }
0xb: {  	[smem:$0x3F9D] =	sst s3  }
0xc: {  	[smem:$0x3F9E] =	sst s4  }
0xd: {  	[smem:$0x3F9F] =	sst s5  }
0xe: {  	[smem:$0x3FA0] =	sst s6  }
0xf: {  	[smem:$0x3FA1] =	sst s7  }
0x10: {  	[smem:$0x3FA2] =	sst s8  }
0x11: {  	[smem:$0x3FA3] =	sst s9;
	s0 =	simm.s32 @!p0 $0x0  }
0x12: {  	s1 =	sld [smem:$0x3F89];
	s0 =	simm.s32 @p0 $0x1  }
0x13: {  	[smem:$0x3FA4] =	sst s0;
	s0 =	simm.s32 @!p1 $0x0  }
0x14: {  	s2 =	sld [smem:$0x3F88];
	s0 =	simm.s32 @p1 $0x1  }
0x15: {  	[smem:$0x3FA5] =	sst s0;
	s0 =	simm.s32 @!p2 $0x0  }
0x16: {  	s3 =	sld [smem:$0x3FDB];
	s0 =	simm.s32 @p2 $0x1  }
0x17: {  	s4 =	simm.s32 $0x1BF5;
	[smem:$0x3FA7] =	sst s0  }
0x18: {  	s0 =	sld [smem:$0x3F8A];
	_ =	swait.ge [sflag:s4], $0x0  }
0x19: {  	s7 =	sld [smem:$0x3F8B]  }
0x1a: {  	s8 =	sadd.s32 $0xFFFFE003, lr  }
0x1b: {  	s9 =	sadd.s32 $0xFFFFFEF7, lr;
	s5 =	simm.s32 $0xFFFFFFFF;
	p2 =	slt.u32 s8, $0xFFFFF086  }
0x1c: {  	p1 =	slt.u32 s9, $0xF7A;
	s5 =	simm.s32 @!p2 $0x0  }
0x1d: {  	s5 =	simm.s32 @p1 $0x1;
	p0 =	seq.s32 s7, s2  }
0x1e: {  	s7 =	smul.u32 @!p0 $0xF7A, s2;
	p2 =	seq.s32 @!p0 s5, $0x0  }
0x1f: {  	s9 =	smul.u32 $0xF7A, s1;
	s8 =	simm.s32 @!p0 $0x1BF5;
	p2 =	por !p2, p0  }
0x20: {  	[sflag:s8] =	ssyncset.s32 @!p0 $0xFFFFF086;
	s6 =	sadd.s32 @!p0 s3, s7;
	s7 =	simm.s32 @!p0 $0x108  }
0x21: {  	s3 =	sadd.s32 s3, s9;
	s6 =	sadd.s32 @!p0 $0x88, s6;
	s7 =	simm.s32 @p2 $0x1082  }
0x22: {  	[simem:s7], [sflag:s8] =	dma.local @!p0 [hbm:s6], $0xF7A  }
0x23: {  	s9 =	sor.u32 $0xD0000000, s2;
	s6 =	simm.s32 $0x108;
	_ =	swait.ge @!p0 [sflag:s8], $0x0  }
0x24: {  	s3 =	sadd.s32 $0x88, s3;
	s6 =	simm.s32 @!p1 $0x1082;
	[sflag:s4] =	ssyncset.s32 $0xFFFFF086  }
0x25: {  	[simem:s6], [sflag:s4] =	dma.local [hbm:s3], $0xF7A  }
0x26: {  	[smem:$0x3F8B] =	sst s1;
	(tag) =	ssettag s2;
	_ =	strace s9  }
0x27: {  	s1 =	sld [smem:$0x3F9B]  }
0x28: {  	s2 =	sld [smem:$0x3F9C]  }
0x29: {  	s4 =	sld [smem:$0x3F9E]  }
0x2a: {  	p0 =	seq.s32 s5, $0x0;
	s5 =	sld [smem:$0x3F9F]  }
0x2b: {  	s6 =	sld [smem:$0x3FA0]  }
0x2c: {  	s7 =	sld [smem:$0x3FA1]  }
0x2d: {  	s3 =	simm.s32 $0x108;
	s8 =	sld [smem:$0x3FA2]  }
0x2e: {  	s3 =	simm.s32 @!p0 $0x1082;
	s9 =	sld [smem:$0x3FA3]  }
0x2f: {  	lr =	sadd.s32 s0, s3;
	s0 =	sld [smem:$0x3F9A]  }
0x30: {  	s3 =	sld [smem:$0x3F9D]  }
0x31: {  	[smem:$0x3FA6] =	sst s10  }
0x32: {  	s10 =	sld [smem:$0x3FA4];
	_ =	sdelay $0x3  }
0x33: {  	p0 =	seq.s32 s10, $0x1;
	s10 =	sld [smem:$0x3FA6];
	_ =	sdelay $0x3  }
0x34: {  	[smem:$0x3FA6] =	sst s10  }
0x35: {  	s10 =	sld [smem:$0x3FA5];
	_ =	sdelay $0x3  }
0x36: {  	p1 =	seq.s32 s10, $0x1;
	s10 =	sld [smem:$0x3FA6];
	_ =	sdelay $0x3  }
0x37: {  	[smem:$0x3FA6] =	sst s10  }
0x38: {  	s10 =	sld [smem:$0x3FA7]  }
0x39: {  	_ = 	snop;
	(pc) =	sbr.ind lr, $3  }
0x3a: {  	_ = 	snop  }
0x3b: {  	_ = 	snop  }
0x3c: {  	p2 =	seq.s32 s10, $0x1;
	s10 =	sld [smem:$0x3FA6]  }
0x3d: {  	_ =	shalt  }
0x3e: {  	_ =	shalt  }
0x3f: {  	_ =	shalt  }
0x40: {  	_ =	shalt  }
0x41: {  	_ =	shalt  }
0x42: {  	_ =	shalt  }
0x43: {  	_ =	shalt  }
0x44: {  	_ =	shalt  }
0x45: {  	_ =	shalt  }
0x46: {  	_ =	shalt  }
0x47: {  	_ =	shalt  }
0x48: {  	_ =	shalt  }
0x49: {  	_ =	shalt  }
0x4a: {  	_ =	shalt  }
0x4b: {  	_ =	shalt  }
0x4c: {  	_ =	shalt  }
0x4d: {  	_ =	shalt  }
0x4e: {  	_ =	shalt  }
0x4f: {  	_ =	shalt  }
0x50: {  	_ =	shalt  }
0x51: {  	_ =	shalt  }
0x52: {  	_ =	shalt  }
0x53: {  	_ =	shalt  }
0x54: {  	_ =	shalt  }
0x55: {  	_ =	shalt  }
0x56: {  	_ =	shalt  }
0x57: {  	_ =	shalt  }
0x58: {  	_ =	shalt  }
0x59: {  	_ =	shalt  }
0x5a: {  	_ =	shalt  }
0x5b: {  	_ =	shalt  }
0x5c: {  	_ =	shalt  }
0x5d: {  	_ =	shalt  }
0x5e: {  	_ =	shalt  }
0x5f: {  	_ =	shalt  }
0x60: {  	_ =	shalt  }
0x61: {  	_ =	shalt  }
0x62: {  	_ =	shalt  }
0x63: {  	_ =	shalt  }
0x64: {  	_ =	shalt  }
0x65: {  	_ =	shalt  }
0x66: {  	_ =	shalt  }
0x67: {  	_ =	shalt  }
0x68: {  	_ =	shalt  }
0x69: {  	_ =	shalt  }
0x6a: {  	_ =	shalt  }
0x6b: {  	_ =	shalt  }
0x6c: {  	_ =	shalt  }
0x6d: {  	_ =	shalt  }
0x6e: {  	_ =	shalt  }
0x6f: {  	_ =	shalt  }
0x70: {  	_ =	shalt  }
0x71: {  	_ =	shalt  }
0x72: {  	_ =	shalt  }
0x73: {  	_ =	shalt  }
0x74: {  	_ =	shalt  }
0x75: {  	_ =	shalt  }
0x76: {  	_ =	shalt  }
0x77: {  	_ =	shalt  }
0x78: {  	_ =	shalt  }
0x79: {  	_ =	shalt  }
0x7a: {  	_ =	shalt  }
0x7b: {  	_ =	shalt  }
0x7c: {  	_ =	shalt  }
0x7d: {  	_ =	shalt  }
0x7e: {  	_ =	shalt  }
0x7f: {  	_ =	shalt  }
0x80: {  	_ =	shalt  }
0x81: {  	_ =	shalt  }
0x82: {  	_ =	shalt  }
0x83: {  	_ =	shalt  }
0x84: {  	_ =	shalt  }
0x85: {  	_ =	shalt  }
0x86: {  	_ =	shalt  }
0x87: {  	_ =	shalt  }
.Lfunc_end0:
.L_simem_size_0:
called_computation.1_lowered:
.L_overlay_start_0:
0x88: {  	s2 =	sld [smem:$0x3FD9]  }
0x89: {  	s3 =	sld [smem:$0x3FFE];
	_ =	sdelay $0x1  }
0x8a: {  	s1 =	srdreg.scid  }
0x8b: {  	s0 =	sand.u32 $0x1, s1  }
0x8c: {  	s17 =	sshll.u32 s0, $0xA;
	s2 =	sadd.s32 s3, s2  }
0x8d: {  	s2 =	sadd.s32 s2, s17  }
0x8e: {  	[smem:$0x3FB2] =	sst s2  }
0x8f: {  	_ = 	snop  }
0x90: {  	s2 =	sld [smem:$0x3FD0];
	(tm) =	ssettm $0x1  }
0x91: {  	s18 =	sld [smem:$0x3FFB];
	_ =	sdelay $0x3  }
0x92: {  	_ =	strace s18  }
0x93: {  	s3 =	sld [smem:$0x3FFC];
	_ =	sdelay $0x3  }
0x94: {  	_ =	strace s3  }
0x95: {  	s3 =	sld [smem:$0x3FFD];
	_ =	sdelay $0x3  }
0x96: {  	_ =	strace s3  }
0x97: {  	_ =	strace $0x8FFFFFFF  }
0x98: {  	s19 =	sld [smem:$0x3FDB];
	_ =	sdelay $0x1  }
0x99: {  	s4 =	simm.s32 $_scs_section_size  }
0x9a: {  	s5 =	simm.s32 $_size__tile_overlayer_lowered;
	s6 =	simm.s32 $_tile_overlayer_lowered  }
0x9b: {  	s22 =	simm.s32 $0x1BFF;
	s21 =	sshll.u32 s6, $0x1;
	s3 =	sadd.s32 s4, s19  }
0x9c: {  	s7 =	simm.s32 $0x0;
	s20 =	sshll.u32 s5, $0x1;
	s5 =	sadd.s32 s21, s3  }
0x9d: {  	[timem:s7], [sflag:s22] =	dma.local [hbm:s5], s20  }
0x9e: {  	_ =	swait.ge [sflag:s22], s20  }
0x9f: {  	s4 =	ssub.s32 $0x0, s20;
	[sflag:s22] =	ssyncset.done $0x0  }
0xa0: {  	[sflag:s22] =	ssyncadd.s32 s4;
	_ =	sdelay $0x1  }
0xa1: {  	s23 =	simm.s32 $0x1B8B  }
0xa2: {  	_ =	swait.ge [sflag:s23], $0x1  }
0xa3: {  	[sflag:s23] =	ssyncset.done $0x0  }
0xa4: {  	s25 =	simm.s32 $0x1B8E;
	s24 =	sld [smem:$0x3FFE];
	[sflag:s23] =	ssyncadd.s32 $0xFFFFFFFF  }
0xa5: {  	s26 =	simm.s32 $execute0_lowered;
	[smem:$0x3FD2] =	sst s25  }
0xa6: {  	s5 =	sshll.u32 s26, $0x1;
	_ =	strace $0x80000049;
	[dreg:$0x1] =	wrdreg $0xFFFFFFFF  }
0xa7: {  	s28 =	simm.s32 $_size_execute0_lowered;
	s3 =	sadd.s32 s3, s5;
	[dreg:$0x0] =	wrdreg $0x0  }
0xa8: {  	s5 =	sshll.u32 s28, $0x1;
	[dreg:$0x2] =	wrdreg s3  }
0xa9: {  	[dreg:$0x3] =	wrdreg s5  }
0xaa: {  	[dreg:$0x4] =	wrdreg $0xC0  }
0xab: {  	_ =	task [dreg:s7], $0x5FFFF  }
0xac: {  	[dreg:$0x1] =	wrdreg $0xFFFFFFFF  }
0xad: {  	[dreg:$0x0] =	wrdreg $0x60  }
0xae: {  	[dreg:$0x2] =	wrdreg s24  }
0xaf: {  	[dreg:$0x3] =	wrdreg s2  }
0xb0: {  	[dreg:$0x4] =	wrdreg $0x0  }
0xb1: {  	[dreg:$0x5] =	wrdreg $0x9  }
0xb2: {  	_ =	task.clear_ibuf [dreg:s7], $0x6FFFF;
	_ =	strace $0x90000049  }
0xb3: {  	s29 =	simm.s32 $0x9;
	_ =	strace $0x8000004B  }
0xb4: {  	_ =	swait.ge [sflag:s29], $0x1  }
0xb5: {  	[sflag:s29] =	ssyncadd.s32 $0xFFFFFFFF  }
0xb6: {  	_ =	strace $0x9000004B  }
0xb7: {  	_ =	sfence  }
0xb8: {  	s30 =	sld [smem:$0x0];
	_ =	sdelay $0x2  }
0xb9: {  	s31 =	sshll.u32 s1, $0xD;
	s1 =	sshrl.u32 s1, $0x2  }
0xba: {  	s3 =	sand.u32 $0x4000, s31;
	s1 =	sadd.s32 s1, s30  }
0xbb: {  	s0 =	sor.u32 s3, s0;
	s1 =	sshll.u32 s1, $0x11  }
0xbc: {  	s0 =	sor.u32 s1, s0  }
0xbd: {  	s0 =	sadd.s32 $0x8F2B, s0  }
0xbe: {  	[sflag:s0] =	ssyncadd.remote.s32 $0x1  }
0xbf: {  	_ =	sfence.sel $0xFFFF  }
0xc0: {  	[dreg:$0x0] =	wrdreg $0xFFFFFFFF;
	(pc) =	sbr.abs _section_cstart, $3  }
0xc1: {  	[dreg:$0x1] =	wrdreg $0xFFFFFFFF  }
0xc2: {  	_ =	task.clear_ibuf [dreg:s7], $0x2FFFF;
	_ =	strace $0x9FFFFFFF  }
0xc3: {  	(tm) =	ssettm $0x7FFFFFFF  }
tec
execute0_lowered:
.L_overlay_start_1:
0x0: {  	(tag) =	ssettag $0x1  }
0x1: {  	s0 =	rddreg [dreg:$0x0]  }
0x2: {  	s3 =	rddreg [dreg:$0x2]  }
0x3: {  	s9 =	stileid.u32;
	s2 =	srdreg.scid  }
0x4: {  	s4 =	simm.s32 $0x0;
	s10 =	simm.s32 $0x5;
	s11 =	simm.s32 $0x18800  }
0x5: {  	s12 =	simm.s32 $0x80;
	s21 =	simm.s32 $0x18880;
	s13 =	simm.s32 $0x19000  }
0x6: {  	s22 =	simm.s32 $0x18900;
	s14 =	simm.s32 $0x19800;
	s23 =	simm.s32 $0x18980  }
0x7: {  	s24 =	simm.s32 $0x18C80;
	s25 =	simm.s32 $0x18D00;
	s26 =	simm.s32 $0x18D80  }
0x8: {  	s28 =	simm.s32 $0x2;
	s29 =	simm.s32 $0x18E00;
	s30 =	simm.s32 $0x18E80  }
0x9: {  	s31 =	simm.s32 $0x18F00;
	s1 =	smul.u32 $0xC800, s9;
	[smem:$0x7FF] =	sst s4  }
0xa: {  	s2 =	sand.u32 $0x1, s2;
	_ =	strace $0x8000004A;
	[dreg:$0x5] =	wrdreg s21  }
0xb: {  	s6 =	smul.u32 $0x3100, s9;
	s5 =	sadd.s32 $0x65E00, s0;
	[dreg:$0x6] =	wrdreg s22  }
0xc: {  	s8 =	smul.u32 $0x62000, s9;
	s18 =	sshll.u32 s9, $0x6;
	[dreg:$0x7] =	wrdreg s23  }
0xd: {  	s9 =	simm.s32 $0x0;
	s7 =	smul.u32 $0x31000, s2;
	[dreg:$0x8] =	wrdreg s24  }
0xe: {  	s15 =	ssub.s32 $0x2, s2;
	s2 =	smul.u32 $0x6400, s2;
	[dreg:$0x9] =	wrdreg s25  }
0xf: {  	[dreg:$0xa] =	wrdreg s26;
	s21 =	simm.s32 $0x1C800;
	s22 =	simm.s32 $0x1  }
0x10: {  	s24 =	simm.s32 $0x18A80;
	s25 =	simm.s32 $0x18B00;
	s26 =	simm.s32 $0x18B80  }
0x11: {  	s1 =	sadd.s32 s1, s0;
	s16 =	sshrl.u32 s15, $0x1;
	s17 =	sshrl.u32 s8, $0x2  }
0x12: {  	s8 =	sor.u32 $0x1C05, s18;
	s18 =	simm.s32 $0x1B000;
	s6 =	sadd.s32 s6, s7  }
0x13: {  	s7 =	sadd.s32 s17, s3;
	s1 =	sadd.s32 s2, s1;
	s17 =	simm.s32 $0x18C00  }
0x14: {  	s2 =	simm.s32 $0x4;
	[dreg:$0xb] =	wrdreg s8;
	s0 =	sadd.s32 s6, s0  }
0x15: {  	s6 =	ssub.s32 s15, s16;
	s20 =	sadd.s32 $0x257E00, s1;
	s7 =	sshrl.u32 s7, $0x3  }
0x16: {  	s15 =	simm.s32 $0x1A000;
	s16 =	simm.s32 $0x1A800;
	[dreg:$0x4] =	wrdreg s20  }
0x17: {  	s1 =	simm.s32 $0x3;
	s0 =	sadd.s32 $0x96E00, s0;
	[dreg:$0xe] =	wrdreg s7  }
0x18: {  	s19 =	smax.u32 s6, $0x1;
	s20 =	simm.s32 $0x1C000;
	[dreg:$0xc] =	wrdreg s0  }
0x19: {  	[dreg:$0xd] =	wrdreg s19;
	s19 =	simm.s32 $0x1B800;
	s0 =	simm.s32 $0x18F80  }
.LBB2_1:
0x1a: {  	[dreg:$0xf] =	wrdreg s9  }
0x1b: {  	s6 =	rddreg [dreg:$0x1]  }
0x1c: {  	[spmem:s7], [sflag:s8] =	dma.local [hbm:s6], $0x3100  }
0x1d: {  	_ =	swait.ge [sflag:s10], $0x3100  }
0x1e: {  	[sflag:s10] =	ssyncset.done $0x0  }
0x1f: {  	[sflag:s10] =	ssyncadd.s32 $0xFFFFCF00  }
0x20: {  	[bflag:$0x0] =	sbarrier.arrive $0xFFFF  }
0x21: {  	s8 =	rddreg [dreg:$0x4]  }
0x22: {  	s6 =	sadd.s32 $0x0, s8  }
0x23: {  	[tilespmem:s11], [sflag:$0x5] =	stream.linear.gather [hbm4b:s6+s4], $0x400, $0x38;
	[tilespmem:$0x1D000] =	vst v63  }
0x24: {  	_ =	swait.ge [sflag:s10], $0x400  }
0x25: {  	[sflag:s10] =	ssyncset.done $0x0  }
0x26: {  	[sflag:s10] =	ssyncadd.s32 $0xFFFFFC00  }
0x27: {  	[tilespmem:s13], [sflag:$0x1] =	stream.indirect.gather [hbm4b:s5+s12], $0x10, s11, s12, $0xb8;
	[tilespmem:$0x1D000] =	vst v63  }
0x28: {  	s9 =	rddreg [dreg:$0x5]  }
0x29: {  	[tilespmem:s14], [sflag:$0x1] =	stream.indirect.gather [hbm4b:s5+s12], $0x10, s9, s12, $0xb8;
	[tilespmem:$0x1D000] =	vst v63  }
0x2a: {  	s23 =	rddreg [dreg:$0x6]  }
0x2b: {  	[tilespmem:s15], [sflag:$0x1] =	stream.indirect.gather [hbm4b:s5+s12], $0x10, s23, s12, $0xb8;
	[tilespmem:$0x1D000] =	vst v63  }
0x2c: {  	s7 =	rddreg [dreg:$0x7]  }
0x2d: {  	[tilespmem:s16], [sflag:$0x1] =	stream.indirect.gather [hbm4b:s5+s12], $0x10, s7, s12, $0xb8;
	[tilespmem:$0x1D000] =	vst v63  }
0x2e: {  	s6 =	sadd.s32 $0x80, s6  }
0x2f: {  	[tilespmem:s17], [sflag:$0x5] =	stream.linear.gather [hbm4b:s6+s4], $0x400, $0x38;
	[tilespmem:$0x1D000] =	vst v63  }
0x30: {  	_ =	swait.ge [sflag:s10], $0x400  }
0x31: {  	[sflag:s10] =	ssyncset.done $0x0  }
0x32: {  	[sflag:s10] =	ssyncadd.s32 $0xFFFFFC00  }
0x33: {  	[tilespmem:s18], [sflag:$0x2] =	stream.indirect.gather [hbm4b:s5+s12], $0x10, s17, s12, $0xb8;
	[tilespmem:$0x1D000] =	vst v63  }
0x34: {  	s23 =	rddreg [dreg:$0x8]  }
0x35: {  	[tilespmem:s19], [sflag:$0x2] =	stream.indirect.gather [hbm4b:s5+s12], $0x10, s23, s12, $0xb8;
	[tilespmem:$0x1D000] =	vst v63  }
0x36: {  	s7 =	rddreg [dreg:$0x9]  }
0x37: {  	[tilespmem:s20], [sflag:$0x2] =	stream.indirect.gather [hbm4b:s5+s12], $0x10, s7, s12, $0xb8;
	[tilespmem:$0x1D000] =	vst v63  }
0x38: {  	s9 =	rddreg [dreg:$0xa]  }
0x39: {  	[tilespmem:s21], [sflag:$0x2] =	stream.indirect.gather [hbm4b:s5+s12], $0x10, s9, s12, $0xb8;
	[tilespmem:$0x1D000] =	vst v63  }
0x3a: {  	_ =	swait.ge [sflag:s22], $0x800  }
0x3b: {  	[sflag:s22] =	ssyncset.done $0x0  }
0x3c: {  	[sflag:s22] =	ssyncadd.s32 $0xFFFFF800  }
0x3d: {  	_ =	swait.ge [sflag:s22], $0x800  }
0x3e: {  	[sflag:s22] =	ssyncset.done $0x0  }
0x3f: {  	[sflag:s22] =	ssyncadd.s32 $0xFFFFF800  }
0x40: {  	_ =	swait.ge [sflag:s22], $0x800  }
0x41: {  	[sflag:s22] =	ssyncset.done $0x0  }
0x42: {  	[sflag:s22] =	ssyncadd.s32 $0xFFFFF800  }
0x43: {  	_ =	swait.ge [sflag:s22], $0x800  }
0x44: {  	[sflag:s22] =	ssyncset.done $0x0  }
0x45: {  	s23 =	simm.s32 $0x18A00;
	[sflag:s22] =	ssyncadd.s32 $0xFFFFF800  }
0x46: {  	[spmem:s3] =	stream.indirect.scatter.add.f32 [tilespmem:s13], [sflag:$0x3], $0x10, s23, s12, $0xb8;
	[tilespmem:$0x1D000] =	vst v63  }
0x47: {  	_ = 	snop  }
0x48: {  	[spmem:s3] =	stream.indirect.scatter.add.f32 [tilespmem:s14], [sflag:$0x3], $0x10, s24, s12, $0xb8;
	[tilespmem:$0x1D000] =	vst v63  }
0x49: {  	_ = 	snop  }
0x4a: {  	[spmem:s3] =	stream.indirect.scatter.add.f32 [tilespmem:s15], [sflag:$0x3], $0x10, s25, s12, $0xb8;
	[tilespmem:$0x1D000] =	vst v63  }
0x4b: {  	_ = 	snop  }
0x4c: {  	[spmem:s3] =	stream.indirect.scatter.add.f32 [tilespmem:s16], [sflag:$0x3], $0x10, s26, s12, $0xb8;
	[tilespmem:$0x1D000] =	vst v63  }
0x4d: {  	_ =	swait.ge [sflag:s28], $0x800  }
0x4e: {  	[sflag:s28] =	ssyncset.done $0x0  }
0x4f: {  	[sflag:s28] =	ssyncadd.s32 $0xFFFFF800  }
0x50: {  	_ =	swait.ge [sflag:s28], $0x800  }
0x51: {  	[sflag:s28] =	ssyncset.done $0x0  }
0x52: {  	[sflag:s28] =	ssyncadd.s32 $0xFFFFF800  }
0x53: {  	_ =	swait.ge [sflag:s28], $0x800  }
0x54: {  	[sflag:s28] =	ssyncset.done $0x0  }
0x55: {  	[sflag:s28] =	ssyncadd.s32 $0xFFFFF800  }
0x56: {  	_ =	swait.ge [sflag:s28], $0x800  }
0x57: {  	[sflag:s28] =	ssyncset.done $0x0  }
0x58: {  	[sflag:s28] =	ssyncadd.s32 $0xFFFFF800  }
0x59: {  	[spmem:s3] =	stream.indirect.scatter.add.f32 [tilespmem:s18], [sflag:$0x4], $0x10, s29, s12, $0xb8;
	[tilespmem:$0x1D000] =	vst v63  }
0x5a: {  	_ = 	snop  }
0x5b: {  	[spmem:s3] =	stream.indirect.scatter.add.f32 [tilespmem:s19], [sflag:$0x4], $0x10, s30, s12, $0xb8;
	[tilespmem:$0x1D000] =	vst v63  }
0x5c: {  	_ = 	snop  }
0x5d: {  	[spmem:s3] =	stream.indirect.scatter.add.f32 [tilespmem:s20], [sflag:$0x4], $0x10, s31, s12, $0xb8;
	[tilespmem:$0x1D000] =	vst v63  }
0x5e: {  	_ = 	snop  }
0x5f: {  	[spmem:s3] =	stream.indirect.scatter.add.f32 [tilespmem:s21], [sflag:$0x4], $0x10, s0, s12, $0xb8;
	[tilespmem:$0x1D000] =	vst v63  }
0x60: {  	_ =	swait.ge [sflag:s1], $0x800  }
0x61: {  	[sflag:s1] =	ssyncset.done $0x0  }
0x62: {  	[sflag:s1] =	ssyncadd.s32 $0xFFFFF800  }
0x63: {  	_ =	swait.ge [sflag:s1], $0x800  }
0x64: {  	[sflag:s1] =	ssyncset.done $0x0  }
0x65: {  	[sflag:s1] =	ssyncadd.s32 $0xFFFFF800  }
0x66: {  	_ =	swait.ge [sflag:s1], $0x800  }
0x67: {  	[sflag:s1] =	ssyncset.done $0x0  }
0x68: {  	[sflag:s1] =	ssyncadd.s32 $0xFFFFF800  }
0x69: {  	_ =	swait.ge [sflag:s1], $0x800  }
0x6a: {  	[sflag:s1] =	ssyncset.done $0x0  }
0x6b: {  	[sflag:s1] =	ssyncadd.s32 $0xFFFFF800  }
0x6c: {  	_ =	swait.ge [sflag:s2], $0x800  }
0x6d: {  	[sflag:s2] =	ssyncset.done $0x0  }
0x6e: {  	[sflag:s2] =	ssyncadd.s32 $0xFFFFF800  }
0x6f: {  	_ =	swait.ge [sflag:s2], $0x800  }
0x70: {  	[sflag:s2] =	ssyncset.done $0x0  }
0x71: {  	[sflag:s2] =	ssyncadd.s32 $0xFFFFF800  }
0x72: {  	_ =	swait.ge [sflag:s2], $0x800  }
0x73: {  	[sflag:s2] =	ssyncset.done $0x0  }
0x74: {  	[sflag:s2] =	ssyncadd.s32 $0xFFFFF800  }
0x75: {  	s8 =	simm.s32 $0x100;
	_ =	swait.ge [sflag:s2], $0x800  }
0x76: {  	s6 =	simm.s32 $0x200;
	s9 =	rddreg [dreg:$0x4];
	[sflag:s2] =	ssyncset.done $0x0  }
.LBB2_2:
0x77: {  	[sflag:s2] =	ssyncadd.s32 $0xFFFFF800;
	s9 =	sadd.s32 s8, s9  }
0x78: {  	[tilespmem:s11], [sflag:$0x5] =	stream.linear.gather [hbm4b:s9+s4], $0x400, $0x38;
	[tilespmem:$0x1D000] =	vst v63  }
0x79: {  	_ =	swait.ge [sflag:s10], $0x400  }
0x7a: {  	[sflag:s10] =	ssyncset.done $0x0  }
0x7b: {  	s7 =	smov.u32 s6;
	[sflag:s10] =	ssyncadd.s32 $0xFFFFFC00  }
0x7c: {  	[tilespmem:s13], [sflag:$0x1] =	stream.indirect.gather [hbm4b:s5+s12], $0x10, s11, s12, $0xb8;
	[tilespmem:$0x1D000] =	vst v63  }
0x7d: {  	s8 =	smov.u32 s7;
	s7 =	rddreg [dreg:$0x5]  }
0x7e: {  	[tilespmem:s14], [sflag:$0x1] =	stream.indirect.gather [hbm4b:s5+s12], $0x10, s7, s12, $0xb8;
	[tilespmem:$0x1D000] =	vst v63  }
0x7f: {  	s23 =	rddreg [dreg:$0x6]  }
0x80: {  	[tilespmem:s15], [sflag:$0x1] =	stream.indirect.gather [hbm4b:s5+s12], $0x10, s23, s12, $0xb8;
	[tilespmem:$0x1D000] =	vst v63  }
0x81: {  	s7 =	rddreg [dreg:$0x7]  }
0x82: {  	[tilespmem:s16], [sflag:$0x1] =	stream.indirect.gather [hbm4b:s5+s12], $0x10, s7, s12, $0xb8;
	[tilespmem:$0x1D000] =	vst v63  }
0x83: {  	s9 =	sadd.s32 $0x80, s9  }
0x84: {  	[tilespmem:s17], [sflag:$0x5] =	stream.linear.gather [hbm4b:s9+s4], $0x400, $0x38;
	[tilespmem:$0x1D000] =	vst v63  }
0x85: {  	_ =	swait.ge [sflag:s10], $0x400  }
0x86: {  	[sflag:s10] =	ssyncset.done $0x0  }
0x87: {  	[sflag:s10] =	ssyncadd.s32 $0xFFFFFC00  }
0x88: {  	[tilespmem:s18], [sflag:$0x2] =	stream.indirect.gather [hbm4b:s5+s12], $0x10, s17, s12, $0xb8;
	[tilespmem:$0x1D000] =	vst v63  }
0x89: {  	s23 =	rddreg [dreg:$0x8]  }
0x8a: {  	[tilespmem:s19], [sflag:$0x2] =	stream.indirect.gather [hbm4b:s5+s12], $0x10, s23, s12, $0xb8;
	[tilespmem:$0x1D000] =	vst v63  }
0x8b: {  	s9 =	rddreg [dreg:$0x9]  }
0x8c: {  	[tilespmem:s20], [sflag:$0x2] =	stream.indirect.gather [hbm4b:s5+s12], $0x10, s9, s12, $0xb8;
	[tilespmem:$0x1D000] =	vst v63  }
0x8d: {  	s23 =	rddreg [dreg:$0xa]  }
0x8e: {  	[tilespmem:s21], [sflag:$0x2] =	stream.indirect.gather [hbm4b:s5+s12], $0x10, s23, s12, $0xb8;
	[tilespmem:$0x1D000] =	vst v63  }
0x8f: {  	_ =	swait.ge [sflag:s22], $0x800  }
0x90: {  	[sflag:s22] =	ssyncset.done $0x0  }
0x91: {  	[sflag:s22] =	ssyncadd.s32 $0xFFFFF800  }
0x92: {  	_ =	swait.ge [sflag:s22], $0x800  }
0x93: {  	[sflag:s22] =	ssyncset.done $0x0  }
0x94: {  	[sflag:s22] =	ssyncadd.s32 $0xFFFFF800  }
0x95: {  	_ =	swait.ge [sflag:s22], $0x800  }
0x96: {  	[sflag:s22] =	ssyncset.done $0x0  }
0x97: {  	[sflag:s22] =	ssyncadd.s32 $0xFFFFF800  }
0x98: {  	_ =	swait.ge [sflag:s22], $0x800  }
0x99: {  	[sflag:s22] =	ssyncset.done $0x0  }
0x9a: {  	s23 =	simm.s32 $0x18A00;
	[sflag:s22] =	ssyncadd.s32 $0xFFFFF800  }
0x9b: {  	[spmem:s3] =	stream.indirect.scatter.add.f32 [tilespmem:s13], [sflag:$0x3], $0x10, s23, s12, $0xb8;
	[tilespmem:$0x1D000] =	vst v63  }
0x9c: {  	_ = 	snop  }
0x9d: {  	[spmem:s3] =	stream.indirect.scatter.add.f32 [tilespmem:s14], [sflag:$0x3], $0x10, s24, s12, $0xb8;
	[tilespmem:$0x1D000] =	vst v63  }
0x9e: {  	_ = 	snop  }
0x9f: {  	[spmem:s3] =	stream.indirect.scatter.add.f32 [tilespmem:s15], [sflag:$0x3], $0x10, s25, s12, $0xb8;
	[tilespmem:$0x1D000] =	vst v63  }
0xa0: {  	_ = 	snop  }
0xa1: {  	[spmem:s3] =	stream.indirect.scatter.add.f32 [tilespmem:s16], [sflag:$0x3], $0x10, s26, s12, $0xb8;
	[tilespmem:$0x1D000] =	vst v63  }
0xa2: {  	_ =	swait.ge [sflag:s28], $0x800  }
0xa3: {  	[sflag:s28] =	ssyncset.done $0x0  }
0xa4: {  	[sflag:s28] =	ssyncadd.s32 $0xFFFFF800  }
0xa5: {  	_ =	swait.ge [sflag:s28], $0x800  }
0xa6: {  	[sflag:s28] =	ssyncset.done $0x0  }
0xa7: {  	[sflag:s28] =	ssyncadd.s32 $0xFFFFF800  }
0xa8: {  	_ =	swait.ge [sflag:s28], $0x800  }
0xa9: {  	[sflag:s28] =	ssyncset.done $0x0  }
0xaa: {  	[sflag:s28] =	ssyncadd.s32 $0xFFFFF800  }
0xab: {  	_ =	swait.ge [sflag:s28], $0x800  }
0xac: {  	[sflag:s28] =	ssyncset.done $0x0  }
0xad: {  	[sflag:s28] =	ssyncadd.s32 $0xFFFFF800  }
0xae: {  	[spmem:s3] =	stream.indirect.scatter.add.f32 [tilespmem:s18], [sflag:$0x4], $0x10, s29, s12, $0xb8;
	[tilespmem:$0x1D000] =	vst v63  }
0xaf: {  	_ = 	snop  }
0xb0: {  	[spmem:s3] =	stream.indirect.scatter.add.f32 [tilespmem:s19], [sflag:$0x4], $0x10, s30, s12, $0xb8;
	[tilespmem:$0x1D000] =	vst v63  }
0xb1: {  	_ = 	snop  }
0xb2: {  	[spmem:s3] =	stream.indirect.scatter.add.f32 [tilespmem:s20], [sflag:$0x4], $0x10, s31, s12, $0xb8;
	[tilespmem:$0x1D000] =	vst v63  }
0xb3: {  	_ = 	snop  }
0xb4: {  	[spmem:s3] =	stream.indirect.scatter.add.f32 [tilespmem:s21], [sflag:$0x4], $0x10, s0, s12, $0xb8;
	[tilespmem:$0x1D000] =	vst v63  }
0xb5: {  	_ =	swait.ge [sflag:s1], $0x800  }
0xb6: {  	[sflag:s1] =	ssyncset.done $0x0  }
0xb7: {  	[sflag:s1] =	ssyncadd.s32 $0xFFFFF800  }
0xb8: {  	_ =	swait.ge [sflag:s1], $0x800  }
0xb9: {  	[sflag:s1] =	ssyncset.done $0x0  }
0xba: {  	[sflag:s1] =	ssyncadd.s32 $0xFFFFF800  }
0xbb: {  	_ =	swait.ge [sflag:s1], $0x800  }
0xbc: {  	[sflag:s1] =	ssyncset.done $0x0  }
0xbd: {  	[sflag:s1] =	ssyncadd.s32 $0xFFFFF800  }
0xbe: {  	_ =	swait.ge [sflag:s1], $0x800  }
0xbf: {  	[sflag:s1] =	ssyncset.done $0x0  }
0xc0: {  	[sflag:s1] =	ssyncadd.s32 $0xFFFFF800  }
0xc1: {  	_ =	swait.ge [sflag:s2], $0x800  }
0xc2: {  	[sflag:s2] =	ssyncset.done $0x0  }
0xc3: {  	[sflag:s2] =	ssyncadd.s32 $0xFFFFF800  }
0xc4: {  	_ =	swait.ge [sflag:s2], $0x800  }
0xc5: {  	[sflag:s2] =	ssyncset.done $0x0  }
0xc6: {  	p0 =	sne.s32 s6, $0x6300;
	[sflag:s2] =	ssyncadd.s32 $0xFFFFF800  }
.Ltmp0:
0xc7: {  	_ =	swait.ge [sflag:s2], $0x800;
	(pc) =	sbr.rel @p0 .LBB2_2-.Ltmp0, $4  }
0xc8: {  	[sflag:s2] =	ssyncset.done $0x0  }
0xc9: {  	[sflag:s2] =	ssyncadd.s32 $0xFFFFF800  }
0xca: {  	_ =	swait.ge [sflag:s2], $0x800  }
0xcb: {  	s6 =	sadd.s32 $0x100, s6;
	s9 =	rddreg [dreg:$0x4];
	[sflag:s2] =	ssyncset.done $0x0  }
0xcc: {  	[sflag:s2] =	ssyncadd.s32 $0xFFFFF800;
	s6 =	sadd.s32 s8, s9  }
0xcd: {  	[tilespmem:s11], [sflag:$0x5] =	stream.linear.gather [hbm4b:s6+s4], $0x400, $0x38;
	[tilespmem:$0x1D000] =	vst v63  }
0xce: {  	_ =	swait.ge [sflag:s10], $0x400  }
0xcf: {  	[sflag:s10] =	ssyncset.done $0x0  }
0xd0: {  	[sflag:s10] =	ssyncadd.s32 $0xFFFFFC00  }
0xd1: {  	[tilespmem:s13], [sflag:$0x1] =	stream.indirect.gather [hbm4b:s5+s12], $0x10, s11, s12, $0xb8;
	[tilespmem:$0x1D000] =	vst v63  }
0xd2: {  	s7 =	rddreg [dreg:$0x5]  }
0xd3: {  	[tilespmem:s14], [sflag:$0x1] =	stream.indirect.gather [hbm4b:s5+s12], $0x10, s7, s12, $0xb8;
	[tilespmem:$0x1D000] =	vst v63  }
0xd4: {  	s9 =	rddreg [dreg:$0x6]  }
0xd5: {  	[tilespmem:s15], [sflag:$0x1] =	stream.indirect.gather [hbm4b:s5+s12], $0x10, s9, s12, $0xb8;
	[tilespmem:$0x1D000] =	vst v63  }
0xd6: {  	s23 =	rddreg [dreg:$0x7]  }
0xd7: {  	[tilespmem:s16], [sflag:$0x1] =	stream.indirect.gather [hbm4b:s5+s12], $0x10, s23, s12, $0xb8;
	[tilespmem:$0x1D000] =	vst v63  }
0xd8: {  	s6 =	sadd.s32 $0x80, s6  }
0xd9: {  	[tilespmem:s17], [sflag:$0x5] =	stream.linear.gather [hbm4b:s6+s4], $0x400, $0x38;
	[tilespmem:$0x1D000] =	vst v63  }
0xda: {  	_ =	swait.ge [sflag:s10], $0x400  }
0xdb: {  	[sflag:s10] =	ssyncset.done $0x0  }
0xdc: {  	[sflag:s10] =	ssyncadd.s32 $0xFFFFFC00  }
0xdd: {  	[tilespmem:s18], [sflag:$0x2] =	stream.indirect.gather [hbm4b:s5+s12], $0x10, s17, s12, $0xb8;
	[tilespmem:$0x1D000] =	vst v63  }
0xde: {  	s9 =	rddreg [dreg:$0x8]  }
0xdf: {  	[tilespmem:s19], [sflag:$0x2] =	stream.indirect.gather [hbm4b:s5+s12], $0x10, s9, s12, $0xb8;
	[tilespmem:$0x1D000] =	vst v63  }
0xe0: {  	s23 =	rddreg [dreg:$0x9]  }
0xe1: {  	[tilespmem:s20], [sflag:$0x2] =	stream.indirect.gather [hbm4b:s5+s12], $0x10, s23, s12, $0xb8;
	[tilespmem:$0x1D000] =	vst v63  }
0xe2: {  	s8 =	rddreg [dreg:$0xa]  }
0xe3: {  	[tilespmem:s21], [sflag:$0x2] =	stream.indirect.gather [hbm4b:s5+s12], $0x10, s8, s12, $0xb8;
	[tilespmem:$0x1D000] =	vst v63  }
0xe4: {  	_ =	swait.ge [sflag:s22], $0x800  }
0xe5: {  	[sflag:s22] =	ssyncset.done $0x0  }
0xe6: {  	[sflag:s22] =	ssyncadd.s32 $0xFFFFF800  }
0xe7: {  	_ =	swait.ge [sflag:s22], $0x800  }
0xe8: {  	[sflag:s22] =	ssyncset.done $0x0  }
0xe9: {  	[sflag:s22] =	ssyncadd.s32 $0xFFFFF800  }
0xea: {  	_ =	swait.ge [sflag:s22], $0x800  }
0xeb: {  	[sflag:s22] =	ssyncset.done $0x0  }
0xec: {  	[sflag:s22] =	ssyncadd.s32 $0xFFFFF800  }
0xed: {  	_ =	swait.ge [sflag:s22], $0x800  }
0xee: {  	[sflag:s22] =	ssyncset.done $0x0  }
0xef: {  	s9 =	simm.s32 $0x18A00;
	[sflag:s22] =	ssyncadd.s32 $0xFFFFF800  }
0xf0: {  	[spmem:s3] =	stream.indirect.scatter.add.f32 [tilespmem:s13], [sflag:$0x3], $0x10, s9, s12, $0xb8;
	[tilespmem:$0x1D000] =	vst v63  }
0xf1: {  	_ = 	snop  }
0xf2: {  	[spmem:s3] =	stream.indirect.scatter.add.f32 [tilespmem:s14], [sflag:$0x3], $0x10, s24, s12, $0xb8;
	[tilespmem:$0x1D000] =	vst v63  }
0xf3: {  	_ = 	snop  }
0xf4: {  	[spmem:s3] =	stream.indirect.scatter.add.f32 [tilespmem:s15], [sflag:$0x3], $0x10, s25, s12, $0xb8;
	[tilespmem:$0x1D000] =	vst v63  }
0xf5: {  	_ = 	snop  }
0xf6: {  	[spmem:s3] =	stream.indirect.scatter.add.f32 [tilespmem:s16], [sflag:$0x3], $0x10, s26, s12, $0xb8;
	[tilespmem:$0x1D000] =	vst v63  }
0xf7: {  	_ =	swait.ge [sflag:s28], $0x800  }
0xf8: {  	[sflag:s28] =	ssyncset.done $0x0  }
0xf9: {  	[sflag:s28] =	ssyncadd.s32 $0xFFFFF800  }
0xfa: {  	_ =	swait.ge [sflag:s28], $0x800  }
0xfb: {  	[sflag:s28] =	ssyncset.done $0x0  }
0xfc: {  	[sflag:s28] =	ssyncadd.s32 $0xFFFFF800  }
0xfd: {  	_ =	swait.ge [sflag:s28], $0x800  }
0xfe: {  	[sflag:s28] =	ssyncset.done $0x0  }
0xff: {  	[sflag:s28] =	ssyncadd.s32 $0xFFFFF800  }
0x100: {  	_ =	swait.ge [sflag:s28], $0x800  }
0x101: {  	[sflag:s28] =	ssyncset.done $0x0  }
0x102: {  	[sflag:s28] =	ssyncadd.s32 $0xFFFFF800  }
0x103: {  	[spmem:s3] =	stream.indirect.scatter.add.f32 [tilespmem:s18], [sflag:$0x4], $0x10, s29, s12, $0xb8;
	[tilespmem:$0x1D000] =	vst v63  }
0x104: {  	_ = 	snop  }
0x105: {  	[spmem:s3] =	stream.indirect.scatter.add.f32 [tilespmem:s19], [sflag:$0x4], $0x10, s30, s12, $0xb8;
	[tilespmem:$0x1D000] =	vst v63  }
0x106: {  	_ = 	snop  }
0x107: {  	[spmem:s3] =	stream.indirect.scatter.add.f32 [tilespmem:s20], [sflag:$0x4], $0x10, s31, s12, $0xb8;
	[tilespmem:$0x1D000] =	vst v63  }
0x108: {  	_ = 	snop  }
0x109: {  	[spmem:s3] =	stream.indirect.scatter.add.f32 [tilespmem:s21], [sflag:$0x4], $0x10, s0, s12, $0xb8;
	[tilespmem:$0x1D000] =	vst v63  }
0x10a: {  	_ =	swait.ge [sflag:s1], $0x800  }
0x10b: {  	[sflag:s1] =	ssyncset.done $0x0  }
0x10c: {  	[sflag:s1] =	ssyncadd.s32 $0xFFFFF800  }
0x10d: {  	_ =	swait.ge [sflag:s1], $0x800  }
0x10e: {  	[sflag:s1] =	ssyncset.done $0x0  }
0x10f: {  	[sflag:s1] =	ssyncadd.s32 $0xFFFFF800  }
0x110: {  	_ =	swait.ge [sflag:s1], $0x800  }
0x111: {  	[sflag:s1] =	ssyncset.done $0x0  }
0x112: {  	[sflag:s1] =	ssyncadd.s32 $0xFFFFF800  }
0x113: {  	_ =	swait.ge [sflag:s1], $0x800  }
0x114: {  	[sflag:s1] =	ssyncset.done $0x0  }
0x115: {  	[sflag:s1] =	ssyncadd.s32 $0xFFFFF800  }
0x116: {  	_ =	swait.ge [sflag:s2], $0x800  }
0x117: {  	[sflag:s2] =	ssyncset.done $0x0  }
0x118: {  	[sflag:s2] =	ssyncadd.s32 $0xFFFFF800  }
0x119: {  	_ =	swait.ge [sflag:s2], $0x800  }
0x11a: {  	[sflag:s2] =	ssyncset.done $0x0  }
0x11b: {  	[sflag:s2] =	ssyncadd.s32 $0xFFFFF800  }
0x11c: {  	_ =	swait.ge [sflag:s2], $0x800  }
0x11d: {  	[sflag:s2] =	ssyncset.done $0x0  }
0x11e: {  	[sflag:s2] =	ssyncadd.s32 $0xFFFFF800  }
0x11f: {  	_ =	swait.ge [sflag:s2], $0x800  }
0x120: {  	[sflag:s2] =	ssyncset.done $0x0  }
0x121: {  	[sflag:s2] =	ssyncadd.s32 $0xFFFFF800  }
0x122: {  	[bflag:$0x0] =	sbarrier.arrive $0xFFFF  }
0x123: {  	s8 =	rddreg [dreg:$0xb]  }
0x124: {  	s23 =	rddreg [dreg:$0xc]  }
0x125: {  	s7 =	rddreg [dreg:$0xe]  }
0x126: {  	[hbm:s23], [sflag:s8] =	dma.local [spmem:s7], $0x3100  }
0x127: {  	_ =	swait.ge [sflag:s10], $0x3100  }
0x128: {  	s6 =	rddreg [dreg:$0xf]  }
0x129: {  	s23 =	rddreg [dreg:$0xd];
	s9 =	sadd.s32 $0x1, s6  }
0x12a: {  	p0 =	sne.s32 s9, s23  }
.Ltmp1:
0x12b: {  	_ = 	snop;
	(pc) =	sbr.rel @p0 .LBB2_1-.Ltmp1, $3  }
0x12c: {  	_ =	sdelay $0x1  }
0x12d: {  	[sflag:s10] =	ssyncset.done $0x0  }
0x12e: {  	[sflag:s10] =	ssyncadd.s32 $0xFFFFCF00  }
0x12f: {  	_ =	sfence.sel $0x180000  }
0x130: {  	[bflag:$0x0] =	sbarrier.arrive $0xFFFF  }
0x131: {  	_ =	strace $0x9000004A  }
0x132: {  	s0 =	stileid.u32;
	[bflag:$0x2] =	sbarrier.arrive $0xFFFF  }
0x133: {  	p0 =	sne.s32 s0, $0x0;
	s0 =	rddreg [dreg:$0x3]  }
0x134: {  	s0 =	sadd.s32 @!p0 $0x100000, s0  }
0x135: {  	[sflag:s0] =	ssyncadd.tile.s32 @!p0 $0x1;
	_ =	shalt  }
.Lfunc_end2:
_tile_overlayer_lowered:
.L_overlay_start_2:
0x136: {  	(tag) =	ssettag $0x2  }
0x137: {  	s0 =	rddreg [dreg:$0x0];
	s2 =	stileid.u32  }
0x138: {  	s1 =	rddreg [dreg:$0x1];
	p0 =	sne.s32 s2, $0x0  }
0x139: {  	s3 =	rddreg [dreg:$0x2];
	[bflag:$0x3] =	sbarrier.arrive $0xFFFF;
	s2 =	simm.s32 @!p0 $0x1C05  }
0x13a: {  	[timem:s3], [sflag:s2] =	dma.local @!p0 [hbm:s0], s1  }
0x13b: {  	s0 =	simm.s32 @!p0 $0x5  }
0x13c: {  	_ =	swait.ge @!p0 [sflag:s0], s1  }
0x13d: {  	s1 =	ssub.s32 @!p0 $0x0, s1;
	[sflag:s0] =	ssyncset.done @!p0 $0x0  }
0x13e: {  	[sflag:s0] =	ssyncadd.s32 @!p0 s1  }
0x13f: {  	[bflag:$0x3] =	sbarrier.arrive $0xFFFF  }
0x140: {  	_ =	shalt  }

// kernel: kernel.15.cloned.1.call-start
scs
__scs_entry_jumppad:
0x0: {  	(pc) =	sbr.rel $0x88, $3  }
0x1: {  	(tag) =	ssettag $0x0;
	lr =	simm.s32 $0x1  }
0x2: {  	[smem:$0x3F8B] =	sst lr;
	_ =	strace $0xD0000000  }
0x3: {  	_ = 	snop  }
0x4: {  	_ = 	snop  }
0x5: {  	_ = 	snop  }
0x6: {  	_ = 	snop  }
0x7: {  	_ = 	snop  }
__scs_overlays_trampoline_lowered:
0x8: {  	[smem:$0x3F9A] =	sst s0  }
0x9: {  	[smem:$0x3F9B] =	sst s1  }
0xa: {  	[smem:$0x3F9C] =	sst s2  }
0xb: {  	[smem:$0x3F9D] =	sst s3  }
0xc: {  	[smem:$0x3F9E] =	sst s4  }
0xd: {  	[smem:$0x3F9F] =	sst s5  }
0xe: {  	[smem:$0x3FA0] =	sst s6  }
0xf: {  	[smem:$0x3FA1] =	sst s7  }
0x10: {  	[smem:$0x3FA2] =	sst s8  }
0x11: {  	[smem:$0x3FA3] =	sst s9;
	s0 =	simm.s32 @!p0 $0x0  }
0x12: {  	s1 =	sld [smem:$0x3F89];
	s0 =	simm.s32 @p0 $0x1  }
0x13: {  	[smem:$0x3FA4] =	sst s0;
	s0 =	simm.s32 @!p1 $0x0  }
0x14: {  	s2 =	sld [smem:$0x3F88];
	s0 =	simm.s32 @p1 $0x1  }
0x15: {  	[smem:$0x3FA5] =	sst s0;
	s0 =	simm.s32 @!p2 $0x0  }
0x16: {  	s3 =	sld [smem:$0x3FDB];
	s0 =	simm.s32 @p2 $0x1  }
0x17: {  	s4 =	simm.s32 $0x1BF5;
	[smem:$0x3FA7] =	sst s0  }
0x18: {  	s0 =	sld [smem:$0x3F8A];
	_ =	swait.ge [sflag:s4], $0x0  }
0x19: {  	s7 =	sld [smem:$0x3F8B]  }
0x1a: {  	s8 =	sadd.s32 $0xFFFFE003, lr  }
0x1b: {  	s9 =	sadd.s32 $0xFFFFFEF7, lr;
	s5 =	simm.s32 $0xFFFFFFFF;
	p2 =	slt.u32 s8, $0xFFFFF086  }
0x1c: {  	p1 =	slt.u32 s9, $0xF7A;
	s5 =	simm.s32 @!p2 $0x0  }
0x1d: {  	s5 =	simm.s32 @p1 $0x1;
	p0 =	seq.s32 s7, s2  }
0x1e: {  	s7 =	smul.u32 @!p0 $0xF7A, s2;
	p2 =	seq.s32 @!p0 s5, $0x0  }
0x1f: {  	s9 =	smul.u32 $0xF7A, s1;
	s8 =	simm.s32 @!p0 $0x1BF5;
	p2 =	por !p2, p0  }
0x20: {  	[sflag:s8] =	ssyncset.s32 @!p0 $0xFFFFF086;
	s6 =	sadd.s32 @!p0 s3, s7;
	s7 =	simm.s32 @!p0 $0x108  }
0x21: {  	s3 =	sadd.s32 s3, s9;
	s6 =	sadd.s32 @!p0 $0x88, s6;
	s7 =	simm.s32 @p2 $0x1082  }
0x22: {  	[simem:s7], [sflag:s8] =	dma.local @!p0 [hbm:s6], $0xF7A  }
0x23: {  	s9 =	sor.u32 $0xD0000000, s2;
	s6 =	simm.s32 $0x108;
	_ =	swait.ge @!p0 [sflag:s8], $0x0  }
0x24: {  	s3 =	sadd.s32 $0x88, s3;
	s6 =	simm.s32 @!p1 $0x1082;
	[sflag:s4] =	ssyncset.s32 $0xFFFFF086  }
0x25: {  	[simem:s6], [sflag:s4] =	dma.local [hbm:s3], $0xF7A  }
0x26: {  	[smem:$0x3F8B] =	sst s1;
	(tag) =	ssettag s2;
	_ =	strace s9  }
0x27: {  	s1 =	sld [smem:$0x3F9B]  }
0x28: {  	s2 =	sld [smem:$0x3F9C]  }
0x29: {  	s4 =	sld [smem:$0x3F9E]  }
0x2a: {  	p0 =	seq.s32 s5, $0x0;
	s5 =	sld [smem:$0x3F9F]  }
0x2b: {  	s6 =	sld [smem:$0x3FA0]  }
0x2c: {  	s7 =	sld [smem:$0x3FA1]  }
0x2d: {  	s3 =	simm.s32 $0x108;
	s8 =	sld [smem:$0x3FA2]  }
0x2e: {  	s3 =	simm.s32 @!p0 $0x1082;
	s9 =	sld [smem:$0x3FA3]  }
0x2f: {  	lr =	sadd.s32 s0, s3;
	s0 =	sld [smem:$0x3F9A]  }
0x30: {  	s3 =	sld [smem:$0x3F9D]  }
0x31: {  	[smem:$0x3FA6] =	sst s10  }
0x32: {  	s10 =	sld [smem:$0x3FA4];
	_ =	sdelay $0x3  }
0x33: {  	p0 =	seq.s32 s10, $0x1;
	s10 =	sld [smem:$0x3FA6];
	_ =	sdelay $0x3  }
0x34: {  	[smem:$0x3FA6] =	sst s10  }
0x35: {  	s10 =	sld [smem:$0x3FA5];
	_ =	sdelay $0x3  }
0x36: {  	p1 =	seq.s32 s10, $0x1;
	s10 =	sld [smem:$0x3FA6];
	_ =	sdelay $0x3  }
0x37: {  	[smem:$0x3FA6] =	sst s10  }
0x38: {  	s10 =	sld [smem:$0x3FA7]  }
0x39: {  	_ = 	snop;
	(pc) =	sbr.ind lr, $3  }
0x3a: {  	_ = 	snop  }
0x3b: {  	_ = 	snop  }
0x3c: {  	p2 =	seq.s32 s10, $0x1;
	s10 =	sld [smem:$0x3FA6]  }
0x3d: {  	_ =	shalt  }
0x3e: {  	_ =	shalt  }
0x3f: {  	_ =	shalt  }
0x40: {  	_ =	shalt  }
0x41: {  	_ =	shalt  }
0x42: {  	_ =	shalt  }
0x43: {  	_ =	shalt  }
0x44: {  	_ =	shalt  }
0x45: {  	_ =	shalt  }
0x46: {  	_ =	shalt  }
0x47: {  	_ =	shalt  }
0x48: {  	_ =	shalt  }
0x49: {  	_ =	shalt  }
0x4a: {  	_ =	shalt  }
0x4b: {  	_ =	shalt  }
0x4c: {  	_ =	shalt  }
0x4d: {  	_ =	shalt  }
0x4e: {  	_ =	shalt  }
0x4f: {  	_ =	shalt  }
0x50: {  	_ =	shalt  }
0x51: {  	_ =	shalt  }
0x52: {  	_ =	shalt  }
0x53: {  	_ =	shalt  }
0x54: {  	_ =	shalt  }
0x55: {  	_ =	shalt  }
0x56: {  	_ =	shalt  }
0x57: {  	_ =	shalt  }
0x58: {  	_ =	shalt  }
0x59: {  	_ =	shalt  }
0x5a: {  	_ =	shalt  }
0x5b: {  	_ =	shalt  }
0x5c: {  	_ =	shalt  }
0x5d: {  	_ =	shalt  }
0x5e: {  	_ =	shalt  }
0x5f: {  	_ =	shalt  }
0x60: {  	_ =	shalt  }
0x61: {  	_ =	shalt  }
0x62: {  	_ =	shalt  }
0x63: {  	_ =	shalt  }
0x64: {  	_ =	shalt  }
0x65: {  	_ =	shalt  }
0x66: {  	_ =	shalt  }
0x67: {  	_ =	shalt  }
0x68: {  	_ =	shalt  }
0x69: {  	_ =	shalt  }
0x6a: {  	_ =	shalt  }
0x6b: {  	_ =	shalt  }
0x6c: {  	_ =	shalt  }
0x6d: {  	_ =	shalt  }
0x6e: {  	_ =	shalt  }
0x6f: {  	_ =	shalt  }
0x70: {  	_ =	shalt  }
0x71: {  	_ =	shalt  }
0x72: {  	_ =	shalt  }
0x73: {  	_ =	shalt  }
0x74: {  	_ =	shalt  }
0x75: {  	_ =	shalt  }
0x76: {  	_ =	shalt  }
0x77: {  	_ =	shalt  }
0x78: {  	_ =	shalt  }
0x79: {  	_ =	shalt  }
0x7a: {  	_ =	shalt  }
0x7b: {  	_ =	shalt  }
0x7c: {  	_ =	shalt  }
0x7d: {  	_ =	shalt  }
0x7e: {  	_ =	shalt  }
0x7f: {  	_ =	shalt  }
0x80: {  	_ =	shalt  }
0x81: {  	_ =	shalt  }
0x82: {  	_ =	shalt  }
0x83: {  	_ =	shalt  }
0x84: {  	_ =	shalt  }
0x85: {  	_ =	shalt  }
0x86: {  	_ =	shalt  }
0x87: {  	_ =	shalt  }
.Lfunc_end0:
.L_simem_size_0:
called_computation.2_lowered:
.L_overlay_start_0:
0x88: {  	s2 =	sld [smem:$0x3FD9]  }
0x89: {  	s3 =	sld [smem:$0x3FFE];
	_ =	sdelay $0x1  }
0x8a: {  	s1 =	srdreg.scid  }
0x8b: {  	s0 =	sand.u32 $0x1, s1  }
0x8c: {  	s17 =	sshll.u32 s0, $0xA;
	s2 =	sadd.s32 s3, s2  }
0x8d: {  	s2 =	sadd.s32 s2, s17  }
0x8e: {  	[smem:$0x3FB2] =	sst s2  }
0x8f: {  	_ = 	snop  }
0x90: {  	s2 =	sld [smem:$0x3FD0];
	(tm) =	ssettm $0x1  }
0x91: {  	s18 =	sld [smem:$0x3FFB];
	_ =	sdelay $0x3  }
0x92: {  	_ =	strace s18  }
0x93: {  	s3 =	sld [smem:$0x3FFC];
	_ =	sdelay $0x3  }
0x94: {  	_ =	strace s3  }
0x95: {  	s3 =	sld [smem:$0x3FFD];
	_ =	sdelay $0x3  }
0x96: {  	_ =	strace s3  }
0x97: {  	_ =	strace $0x8FFFFFFF  }
0x98: {  	s19 =	sld [smem:$0x3FDB];
	_ =	sdelay $0x1  }
0x99: {  	s4 =	simm.s32 $_scs_section_size  }
0x9a: {  	s5 =	simm.s32 $_size__tile_overlayer_lowered;
	s6 =	simm.s32 $_tile_overlayer_lowered  }
0x9b: {  	s22 =	simm.s32 $0x1BFF;
	s21 =	sshll.u32 s6, $0x1;
	s3 =	sadd.s32 s4, s19  }
0x9c: {  	s7 =	simm.s32 $0x0;
	s20 =	sshll.u32 s5, $0x1;
	s5 =	sadd.s32 s21, s3  }
0x9d: {  	[timem:s7], [sflag:s22] =	dma.local [hbm:s5], s20  }
0x9e: {  	_ =	swait.ge [sflag:s22], s20  }
0x9f: {  	s4 =	ssub.s32 $0x0, s20;
	[sflag:s22] =	ssyncset.done $0x0  }
0xa0: {  	[sflag:s22] =	ssyncadd.s32 s4;
	_ =	sdelay $0x1  }
0xa1: {  	s23 =	simm.s32 $0x1B8B  }
0xa2: {  	_ =	swait.ge [sflag:s23], $0x1  }
0xa3: {  	[sflag:s23] =	ssyncset.done $0x0  }
0xa4: {  	s25 =	simm.s32 $0x1B8E;
	s24 =	sld [smem:$0x3FFE];
	[sflag:s23] =	ssyncadd.s32 $0xFFFFFFFF  }
0xa5: {  	s26 =	simm.s32 $execute0_lowered;
	[smem:$0x3FD2] =	sst s25  }
0xa6: {  	s5 =	sshll.u32 s26, $0x1;
	_ =	strace $0x8000004C;
	[dreg:$0x1] =	wrdreg $0xFFFFFFFF  }
0xa7: {  	s28 =	simm.s32 $_size_execute0_lowered;
	s3 =	sadd.s32 s3, s5;
	[dreg:$0x0] =	wrdreg $0x0  }
0xa8: {  	s5 =	sshll.u32 s28, $0x1;
	[dreg:$0x2] =	wrdreg s3  }
0xa9: {  	[dreg:$0x3] =	wrdreg s5  }
0xaa: {  	[dreg:$0x4] =	wrdreg $0xC0  }
0xab: {  	_ =	task [dreg:s7], $0x5FFFF  }
0xac: {  	[dreg:$0x1] =	wrdreg $0xFFFFFFFF  }
0xad: {  	[dreg:$0x0] =	wrdreg $0x60  }
0xae: {  	[dreg:$0x2] =	wrdreg s24  }
0xaf: {  	[dreg:$0x3] =	wrdreg s2  }
0xb0: {  	[dreg:$0x4] =	wrdreg $0x0  }
0xb1: {  	[dreg:$0x5] =	wrdreg $0x9  }
0xb2: {  	_ =	task.clear_ibuf [dreg:s7], $0x6FFFF;
	_ =	strace $0x9000004C  }
0xb3: {  	s29 =	simm.s32 $0x9;
	_ =	strace $0x8000004E  }
0xb4: {  	_ =	swait.ge [sflag:s29], $0x1  }
0xb5: {  	[sflag:s29] =	ssyncadd.s32 $0xFFFFFFFF  }
0xb6: {  	_ =	strace $0x9000004E  }
0xb7: {  	_ =	sfence  }
0xb8: {  	s30 =	sld [smem:$0x0];
	_ =	sdelay $0x2  }
0xb9: {  	s31 =	sshll.u32 s1, $0xD;
	s1 =	sshrl.u32 s1, $0x2  }
0xba: {  	s3 =	sand.u32 $0x4000, s31;
	s1 =	sadd.s32 s1, s30  }
0xbb: {  	s0 =	sor.u32 s3, s0;
	s1 =	sshll.u32 s1, $0x11  }
0xbc: {  	s0 =	sor.u32 s1, s0  }
0xbd: {  	s0 =	sadd.s32 $0x8F2B, s0  }
0xbe: {  	[sflag:s0] =	ssyncadd.remote.s32 $0x1  }
0xbf: {  	_ =	sfence.sel $0xFFFF  }
0xc0: {  	[dreg:$0x0] =	wrdreg $0xFFFFFFFF;
	(pc) =	sbr.abs _section_cstart, $3  }
0xc1: {  	[dreg:$0x1] =	wrdreg $0xFFFFFFFF  }
0xc2: {  	_ =	task.clear_ibuf [dreg:s7], $0x2FFFF;
	_ =	strace $0x9FFFFFFF  }
0xc3: {  	(tm) =	ssettm $0x7FFFFFFF  }
tec
execute0_lowered:
.L_overlay_start_1:
0x0: {  	(tag) =	ssettag $0x1  }
0x1: {  	s0 =	rddreg [dreg:$0x0]  }
0x2: {  	s3 =	rddreg [dreg:$0x2]  }
0x3: {  	s9 =	stileid.u32;
	s2 =	srdreg.scid  }
0x4: {  	s4 =	simm.s32 $0x0;
	s10 =	simm.s32 $0x5;
	s11 =	simm.s32 $0x18800  }
0x5: {  	s12 =	simm.s32 $0x80;
	s21 =	simm.s32 $0x18880;
	s13 =	simm.s32 $0x19000  }
0x6: {  	s22 =	simm.s32 $0x18900;
	s14 =	simm.s32 $0x19800;
	s23 =	simm.s32 $0x18980  }
0x7: {  	s24 =	simm.s32 $0x18C80;
	s25 =	simm.s32 $0x18D00;
	s26 =	simm.s32 $0x18D80  }
0x8: {  	s28 =	simm.s32 $0x2;
	s29 =	simm.s32 $0x18E00;
	s30 =	simm.s32 $0x18E80  }
0x9: {  	s31 =	simm.s32 $0x18F00;
	s1 =	smul.u32 $0xC800, s9;
	[smem:$0x7FF] =	sst s4  }
0xa: {  	s2 =	sand.u32 $0x1, s2;
	_ =	strace $0x8000004D;
	[dreg:$0x5] =	wrdreg s21  }
0xb: {  	s6 =	smul.u32 $0x3100, s9;
	s5 =	sadd.s32 $0x65E00, s0;
	[dreg:$0x6] =	wrdreg s22  }
0xc: {  	s8 =	smul.u32 $0x62000, s9;
	s18 =	sshll.u32 s9, $0x6;
	[dreg:$0x7] =	wrdreg s23  }
0xd: {  	s9 =	simm.s32 $0x0;
	s7 =	smul.u32 $0x31000, s2;
	[dreg:$0x8] =	wrdreg s24  }
0xe: {  	s15 =	ssub.s32 $0x2, s2;
	s2 =	smul.u32 $0x6400, s2;
	[dreg:$0x9] =	wrdreg s25  }
0xf: {  	[dreg:$0xa] =	wrdreg s26;
	s21 =	simm.s32 $0x1C800;
	s22 =	simm.s32 $0x1  }
0x10: {  	s24 =	simm.s32 $0x18A80;
	s25 =	simm.s32 $0x18B00;
	s26 =	simm.s32 $0x18B80  }
0x11: {  	s1 =	sadd.s32 s1, s0;
	s16 =	sshrl.u32 s15, $0x1;
	s17 =	sshrl.u32 s8, $0x2  }
0x12: {  	s8 =	sor.u32 $0x1C05, s18;
	s18 =	simm.s32 $0x1B000;
	s6 =	sadd.s32 s6, s7  }
0x13: {  	s7 =	sadd.s32 s17, s3;
	s1 =	sadd.s32 s2, s1;
	s17 =	simm.s32 $0x18C00  }
0x14: {  	s2 =	simm.s32 $0x4;
	[dreg:$0xb] =	wrdreg s8;
	s0 =	sadd.s32 s6, s0  }
0x15: {  	s6 =	ssub.s32 s15, s16;
	s20 =	sadd.s32 $0x257E00, s1;
	s7 =	sshrl.u32 s7, $0x3  }
0x16: {  	s15 =	simm.s32 $0x1A000;
	s16 =	simm.s32 $0x1A800;
	[dreg:$0x4] =	wrdreg s20  }
0x17: {  	s1 =	simm.s32 $0x3;
	s0 =	sadd.s32 $0x96E00, s0;
	[dreg:$0xe] =	wrdreg s7  }
0x18: {  	s19 =	smax.u32 s6, $0x1;
	s20 =	simm.s32 $0x1C000;
	[dreg:$0xc] =	wrdreg s0  }
0x19: {  	[dreg:$0xd] =	wrdreg s19;
	s19 =	simm.s32 $0x1B800;
	s0 =	simm.s32 $0x18F80  }
.LBB2_1:
0x1a: {  	[dreg:$0xf] =	wrdreg s9  }
0x1b: {  	s6 =	rddreg [dreg:$0x1]  }
0x1c: {  	[spmem:s7], [sflag:s8] =	dma.local [hbm:s6], $0x3100  }
0x1d: {  	_ =	swait.ge [sflag:s10], $0x3100  }
0x1e: {  	[sflag:s10] =	ssyncset.done $0x0  }
0x1f: {  	[sflag:s10] =	ssyncadd.s32 $0xFFFFCF00  }
0x20: {  	[bflag:$0x0] =	sbarrier.arrive $0xFFFF  }
0x21: {  	s8 =	rddreg [dreg:$0x4]  }
0x22: {  	s6 =	sadd.s32 $0x0, s8  }
0x23: {  	[tilespmem:s11], [sflag:$0x5] =	stream.linear.gather [hbm4b:s6+s4], $0x400, $0x38;
	[tilespmem:$0x1D000] =	vst v63  }
0x24: {  	_ =	swait.ge [sflag:s10], $0x400  }
0x25: {  	[sflag:s10] =	ssyncset.done $0x0  }
0x26: {  	[sflag:s10] =	ssyncadd.s32 $0xFFFFFC00  }
0x27: {  	[tilespmem:s13], [sflag:$0x1] =	stream.indirect.gather [hbm4b:s5+s12], $0x10, s11, s12, $0xb8;
	[tilespmem:$0x1D000] =	vst v63  }
0x28: {  	s9 =	rddreg [dreg:$0x5]  }
0x29: {  	[tilespmem:s14], [sflag:$0x1] =	stream.indirect.gather [hbm4b:s5+s12], $0x10, s9, s12, $0xb8;
	[tilespmem:$0x1D000] =	vst v63  }
0x2a: {  	s23 =	rddreg [dreg:$0x6]  }
0x2b: {  	[tilespmem:s15], [sflag:$0x1] =	stream.indirect.gather [hbm4b:s5+s12], $0x10, s23, s12, $0xb8;
	[tilespmem:$0x1D000] =	vst v63  }
0x2c: {  	s7 =	rddreg [dreg:$0x7]  }
0x2d: {  	[tilespmem:s16], [sflag:$0x1] =	stream.indirect.gather [hbm4b:s5+s12], $0x10, s7, s12, $0xb8;
	[tilespmem:$0x1D000] =	vst v63  }
0x2e: {  	s6 =	sadd.s32 $0x80, s6  }
0x2f: {  	[tilespmem:s17], [sflag:$0x5] =	stream.linear.gather [hbm4b:s6+s4], $0x400, $0x38;
	[tilespmem:$0x1D000] =	vst v63  }
0x30: {  	_ =	swait.ge [sflag:s10], $0x400  }
0x31: {  	[sflag:s10] =	ssyncset.done $0x0  }
0x32: {  	[sflag:s10] =	ssyncadd.s32 $0xFFFFFC00  }
0x33: {  	[tilespmem:s18], [sflag:$0x2] =	stream.indirect.gather [hbm4b:s5+s12], $0x10, s17, s12, $0xb8;
	[tilespmem:$0x1D000] =	vst v63  }
0x34: {  	s23 =	rddreg [dreg:$0x8]  }
0x35: {  	[tilespmem:s19], [sflag:$0x2] =	stream.indirect.gather [hbm4b:s5+s12], $0x10, s23, s12, $0xb8;
	[tilespmem:$0x1D000] =	vst v63  }
0x36: {  	s7 =	rddreg [dreg:$0x9]  }
0x37: {  	[tilespmem:s20], [sflag:$0x2] =	stream.indirect.gather [hbm4b:s5+s12], $0x10, s7, s12, $0xb8;
	[tilespmem:$0x1D000] =	vst v63  }
0x38: {  	s9 =	rddreg [dreg:$0xa]  }
0x39: {  	[tilespmem:s21], [sflag:$0x2] =	stream.indirect.gather [hbm4b:s5+s12], $0x10, s9, s12, $0xb8;
	[tilespmem:$0x1D000] =	vst v63  }
0x3a: {  	_ =	swait.ge [sflag:s22], $0x800  }
0x3b: {  	[sflag:s22] =	ssyncset.done $0x0  }
0x3c: {  	[sflag:s22] =	ssyncadd.s32 $0xFFFFF800  }
0x3d: {  	_ =	swait.ge [sflag:s22], $0x800  }
0x3e: {  	[sflag:s22] =	ssyncset.done $0x0  }
0x3f: {  	[sflag:s22] =	ssyncadd.s32 $0xFFFFF800  }
0x40: {  	_ =	swait.ge [sflag:s22], $0x800  }
0x41: {  	[sflag:s22] =	ssyncset.done $0x0  }
0x42: {  	[sflag:s22] =	ssyncadd.s32 $0xFFFFF800  }
0x43: {  	_ =	swait.ge [sflag:s22], $0x800  }
0x44: {  	[sflag:s22] =	ssyncset.done $0x0  }
0x45: {  	s23 =	simm.s32 $0x18A00;
	[sflag:s22] =	ssyncadd.s32 $0xFFFFF800  }
0x46: {  	[spmem:s3] =	stream.indirect.scatter.add.f32 [tilespmem:s13], [sflag:$0x3], $0x10, s23, s12, $0xb8;
	[tilespmem:$0x1D000] =	vst v63  }
0x47: {  	_ = 	snop  }
0x48: {  	[spmem:s3] =	stream.indirect.scatter.add.f32 [tilespmem:s14], [sflag:$0x3], $0x10, s24, s12, $0xb8;
	[tilespmem:$0x1D000] =	vst v63  }
0x49: {  	_ = 	snop  }
0x4a: {  	[spmem:s3] =	stream.indirect.scatter.add.f32 [tilespmem:s15], [sflag:$0x3], $0x10, s25, s12, $0xb8;
	[tilespmem:$0x1D000] =	vst v63  }
0x4b: {  	_ = 	snop  }
0x4c: {  	[spmem:s3] =	stream.indirect.scatter.add.f32 [tilespmem:s16], [sflag:$0x3], $0x10, s26, s12, $0xb8;
	[tilespmem:$0x1D000] =	vst v63  }
0x4d: {  	_ =	swait.ge [sflag:s28], $0x800  }
0x4e: {  	[sflag:s28] =	ssyncset.done $0x0  }
0x4f: {  	[sflag:s28] =	ssyncadd.s32 $0xFFFFF800  }
0x50: {  	_ =	swait.ge [sflag:s28], $0x800  }
0x51: {  	[sflag:s28] =	ssyncset.done $0x0  }
0x52: {  	[sflag:s28] =	ssyncadd.s32 $0xFFFFF800  }
0x53: {  	_ =	swait.ge [sflag:s28], $0x800  }
0x54: {  	[sflag:s28] =	ssyncset.done $0x0  }
0x55: {  	[sflag:s28] =	ssyncadd.s32 $0xFFFFF800  }
0x56: {  	_ =	swait.ge [sflag:s28], $0x800  }
0x57: {  	[sflag:s28] =	ssyncset.done $0x0  }
0x58: {  	[sflag:s28] =	ssyncadd.s32 $0xFFFFF800  }
0x59: {  	[spmem:s3] =	stream.indirect.scatter.add.f32 [tilespmem:s18], [sflag:$0x4], $0x10, s29, s12, $0xb8;
	[tilespmem:$0x1D000] =	vst v63  }
0x5a: {  	_ = 	snop  }
0x5b: {  	[spmem:s3] =	stream.indirect.scatter.add.f32 [tilespmem:s19], [sflag:$0x4], $0x10, s30, s12, $0xb8;
	[tilespmem:$0x1D000] =	vst v63  }
0x5c: {  	_ = 	snop  }
0x5d: {  	[spmem:s3] =	stream.indirect.scatter.add.f32 [tilespmem:s20], [sflag:$0x4], $0x10, s31, s12, $0xb8;
	[tilespmem:$0x1D000] =	vst v63  }
0x5e: {  	_ = 	snop  }
0x5f: {  	[spmem:s3] =	stream.indirect.scatter.add.f32 [tilespmem:s21], [sflag:$0x4], $0x10, s0, s12, $0xb8;
	[tilespmem:$0x1D000] =	vst v63  }
0x60: {  	_ =	swait.ge [sflag:s1], $0x800  }
0x61: {  	[sflag:s1] =	ssyncset.done $0x0  }
0x62: {  	[sflag:s1] =	ssyncadd.s32 $0xFFFFF800  }
0x63: {  	_ =	swait.ge [sflag:s1], $0x800  }
0x64: {  	[sflag:s1] =	ssyncset.done $0x0  }
0x65: {  	[sflag:s1] =	ssyncadd.s32 $0xFFFFF800  }
0x66: {  	_ =	swait.ge [sflag:s1], $0x800  }
0x67: {  	[sflag:s1] =	ssyncset.done $0x0  }
0x68: {  	[sflag:s1] =	ssyncadd.s32 $0xFFFFF800  }
0x69: {  	_ =	swait.ge [sflag:s1], $0x800  }
0x6a: {  	[sflag:s1] =	ssyncset.done $0x0  }
0x6b: {  	[sflag:s1] =	ssyncadd.s32 $0xFFFFF800  }
0x6c: {  	_ =	swait.ge [sflag:s2], $0x800  }
0x6d: {  	[sflag:s2] =	ssyncset.done $0x0  }
0x6e: {  	[sflag:s2] =	ssyncadd.s32 $0xFFFFF800  }
0x6f: {  	_ =	swait.ge [sflag:s2], $0x800  }
0x70: {  	[sflag:s2] =	ssyncset.done $0x0  }
0x71: {  	[sflag:s2] =	ssyncadd.s32 $0xFFFFF800  }
0x72: {  	_ =	swait.ge [sflag:s2], $0x800  }
0x73: {  	[sflag:s2] =	ssyncset.done $0x0  }
0x74: {  	[sflag:s2] =	ssyncadd.s32 $0xFFFFF800  }
0x75: {  	s8 =	simm.s32 $0x100;
	_ =	swait.ge [sflag:s2], $0x800  }
0x76: {  	s6 =	simm.s32 $0x200;
	s9 =	rddreg [dreg:$0x4];
	[sflag:s2] =	ssyncset.done $0x0  }
.LBB2_2:
0x77: {  	[sflag:s2] =	ssyncadd.s32 $0xFFFFF800;
	s9 =	sadd.s32 s8, s9  }
0x78: {  	[tilespmem:s11], [sflag:$0x5] =	stream.linear.gather [hbm4b:s9+s4], $0x400, $0x38;
	[tilespmem:$0x1D000] =	vst v63  }
0x79: {  	_ =	swait.ge [sflag:s10], $0x400  }
0x7a: {  	[sflag:s10] =	ssyncset.done $0x0  }
0x7b: {  	s7 =	smov.u32 s6;
	[sflag:s10] =	ssyncadd.s32 $0xFFFFFC00  }
0x7c: {  	[tilespmem:s13], [sflag:$0x1] =	stream.indirect.gather [hbm4b:s5+s12], $0x10, s11, s12, $0xb8;
	[tilespmem:$0x1D000] =	vst v63  }
0x7d: {  	s8 =	smov.u32 s7;
	s7 =	rddreg [dreg:$0x5]  }
0x7e: {  	[tilespmem:s14], [sflag:$0x1] =	stream.indirect.gather [hbm4b:s5+s12], $0x10, s7, s12, $0xb8;
	[tilespmem:$0x1D000] =	vst v63  }
0x7f: {  	s23 =	rddreg [dreg:$0x6]  }
0x80: {  	[tilespmem:s15], [sflag:$0x1] =	stream.indirect.gather [hbm4b:s5+s12], $0x10, s23, s12, $0xb8;
	[tilespmem:$0x1D000] =	vst v63  }
0x81: {  	s7 =	rddreg [dreg:$0x7]  }
0x82: {  	[tilespmem:s16], [sflag:$0x1] =	stream.indirect.gather [hbm4b:s5+s12], $0x10, s7, s12, $0xb8;
	[tilespmem:$0x1D000] =	vst v63  }
0x83: {  	s9 =	sadd.s32 $0x80, s9  }
0x84: {  	[tilespmem:s17], [sflag:$0x5] =	stream.linear.gather [hbm4b:s9+s4], $0x400, $0x38;
	[tilespmem:$0x1D000] =	vst v63  }
0x85: {  	_ =	swait.ge [sflag:s10], $0x400  }
0x86: {  	[sflag:s10] =	ssyncset.done $0x0  }
0x87: {  	[sflag:s10] =	ssyncadd.s32 $0xFFFFFC00  }
0x88: {  	[tilespmem:s18], [sflag:$0x2] =	stream.indirect.gather [hbm4b:s5+s12], $0x10, s17, s12, $0xb8;
	[tilespmem:$0x1D000] =	vst v63  }
0x89: {  	s23 =	rddreg [dreg:$0x8]  }
0x8a: {  	[tilespmem:s19], [sflag:$0x2] =	stream.indirect.gather [hbm4b:s5+s12], $0x10, s23, s12, $0xb8;
	[tilespmem:$0x1D000] =	vst v63  }
0x8b: {  	s9 =	rddreg [dreg:$0x9]  }
0x8c: {  	[tilespmem:s20], [sflag:$0x2] =	stream.indirect.gather [hbm4b:s5+s12], $0x10, s9, s12, $0xb8;
	[tilespmem:$0x1D000] =	vst v63  }
0x8d: {  	s23 =	rddreg [dreg:$0xa]  }
0x8e: {  	[tilespmem:s21], [sflag:$0x2] =	stream.indirect.gather [hbm4b:s5+s12], $0x10, s23, s12, $0xb8;
	[tilespmem:$0x1D000] =	vst v63  }
0x8f: {  	_ =	swait.ge [sflag:s22], $0x800  }
0x90: {  	[sflag:s22] =	ssyncset.done $0x0  }
0x91: {  	[sflag:s22] =	ssyncadd.s32 $0xFFFFF800  }
0x92: {  	_ =	swait.ge [sflag:s22], $0x800  }
0x93: {  	[sflag:s22] =	ssyncset.done $0x0  }
0x94: {  	[sflag:s22] =	ssyncadd.s32 $0xFFFFF800  }
0x95: {  	_ =	swait.ge [sflag:s22], $0x800  }
0x96: {  	[sflag:s22] =	ssyncset.done $0x0  }
0x97: {  	[sflag:s22] =	ssyncadd.s32 $0xFFFFF800  }
0x98: {  	_ =	swait.ge [sflag:s22], $0x800  }
0x99: {  	[sflag:s22] =	ssyncset.done $0x0  }
0x9a: {  	s23 =	simm.s32 $0x18A00;
	[sflag:s22] =	ssyncadd.s32 $0xFFFFF800  }
0x9b: {  	[spmem:s3] =	stream.indirect.scatter.add.f32 [tilespmem:s13], [sflag:$0x3], $0x10, s23, s12, $0xb8;
	[tilespmem:$0x1D000] =	vst v63  }
0x9c: {  	_ = 	snop  }
0x9d: {  	[spmem:s3] =	stream.indirect.scatter.add.f32 [tilespmem:s14], [sflag:$0x3], $0x10, s24, s12, $0xb8;
	[tilespmem:$0x1D000] =	vst v63  }
0x9e: {  	_ = 	snop  }
0x9f: {  	[spmem:s3] =	stream.indirect.scatter.add.f32 [tilespmem:s15], [sflag:$0x3], $0x10, s25, s12, $0xb8;
	[tilespmem:$0x1D000] =	vst v63  }
0xa0: {  	_ = 	snop  }
0xa1: {  	[spmem:s3] =	stream.indirect.scatter.add.f32 [tilespmem:s16], [sflag:$0x3], $0x10, s26, s12, $0xb8;
	[tilespmem:$0x1D000] =	vst v63  }
0xa2: {  	_ =	swait.ge [sflag:s28], $0x800  }
0xa3: {  	[sflag:s28] =	ssyncset.done $0x0  }
0xa4: {  	[sflag:s28] =	ssyncadd.s32 $0xFFFFF800  }
0xa5: {  	_ =	swait.ge [sflag:s28], $0x800  }
0xa6: {  	[sflag:s28] =	ssyncset.done $0x0  }
0xa7: {  	[sflag:s28] =	ssyncadd.s32 $0xFFFFF800  }
0xa8: {  	_ =	swait.ge [sflag:s28], $0x800  }
0xa9: {  	[sflag:s28] =	ssyncset.done $0x0  }
0xaa: {  	[sflag:s28] =	ssyncadd.s32 $0xFFFFF800  }
0xab: {  	_ =	swait.ge [sflag:s28], $0x800  }
0xac: {  	[sflag:s28] =	ssyncset.done $0x0  }
0xad: {  	[sflag:s28] =	ssyncadd.s32 $0xFFFFF800  }
0xae: {  	[spmem:s3] =	stream.indirect.scatter.add.f32 [tilespmem:s18], [sflag:$0x4], $0x10, s29, s12, $0xb8;
	[tilespmem:$0x1D000] =	vst v63  }
0xaf: {  	_ = 	snop  }
0xb0: {  	[spmem:s3] =	stream.indirect.scatter.add.f32 [tilespmem:s19], [sflag:$0x4], $0x10, s30, s12, $0xb8;
	[tilespmem:$0x1D000] =	vst v63  }
0xb1: {  	_ = 	snop  }
0xb2: {  	[spmem:s3] =	stream.indirect.scatter.add.f32 [tilespmem:s20], [sflag:$0x4], $0x10, s31, s12, $0xb8;
	[tilespmem:$0x1D000] =	vst v63  }
0xb3: {  	_ = 	snop  }
0xb4: {  	[spmem:s3] =	stream.indirect.scatter.add.f32 [tilespmem:s21], [sflag:$0x4], $0x10, s0, s12, $0xb8;
	[tilespmem:$0x1D000] =	vst v63  }
0xb5: {  	_ =	swait.ge [sflag:s1], $0x800  }
0xb6: {  	[sflag:s1] =	ssyncset.done $0x0  }
0xb7: {  	[sflag:s1] =	ssyncadd.s32 $0xFFFFF800  }
0xb8: {  	_ =	swait.ge [sflag:s1], $0x800  }
0xb9: {  	[sflag:s1] =	ssyncset.done $0x0  }
0xba: {  	[sflag:s1] =	ssyncadd.s32 $0xFFFFF800  }
0xbb: {  	_ =	swait.ge [sflag:s1], $0x800  }
0xbc: {  	[sflag:s1] =	ssyncset.done $0x0  }
0xbd: {  	[sflag:s1] =	ssyncadd.s32 $0xFFFFF800  }
0xbe: {  	_ =	swait.ge [sflag:s1], $0x800  }
0xbf: {  	[sflag:s1] =	ssyncset.done $0x0  }
0xc0: {  	[sflag:s1] =	ssyncadd.s32 $0xFFFFF800  }
0xc1: {  	_ =	swait.ge [sflag:s2], $0x800  }
0xc2: {  	[sflag:s2] =	ssyncset.done $0x0  }
0xc3: {  	[sflag:s2] =	ssyncadd.s32 $0xFFFFF800  }
0xc4: {  	_ =	swait.ge [sflag:s2], $0x800  }
0xc5: {  	[sflag:s2] =	ssyncset.done $0x0  }
0xc6: {  	p0 =	sne.s32 s6, $0x6300;
	[sflag:s2] =	ssyncadd.s32 $0xFFFFF800  }
.Ltmp0:
0xc7: {  	_ =	swait.ge [sflag:s2], $0x800;
	(pc) =	sbr.rel @p0 .LBB2_2-.Ltmp0, $4  }
0xc8: {  	[sflag:s2] =	ssyncset.done $0x0  }
0xc9: {  	[sflag:s2] =	ssyncadd.s32 $0xFFFFF800  }
0xca: {  	_ =	swait.ge [sflag:s2], $0x800  }
0xcb: {  	s6 =	sadd.s32 $0x100, s6;
	s9 =	rddreg [dreg:$0x4];
	[sflag:s2] =	ssyncset.done $0x0  }
0xcc: {  	[sflag:s2] =	ssyncadd.s32 $0xFFFFF800;
	s6 =	sadd.s32 s8, s9  }
0xcd: {  	[tilespmem:s11], [sflag:$0x5] =	stream.linear.gather [hbm4b:s6+s4], $0x400, $0x38;
	[tilespmem:$0x1D000] =	vst v63  }
0xce: {  	_ =	swait.ge [sflag:s10], $0x400  }
0xcf: {  	[sflag:s10] =	ssyncset.done $0x0  }
0xd0: {  	[sflag:s10] =	ssyncadd.s32 $0xFFFFFC00  }
0xd1: {  	[tilespmem:s13], [sflag:$0x1] =	stream.indirect.gather [hbm4b:s5+s12], $0x10, s11, s12, $0xb8;
	[tilespmem:$0x1D000] =	vst v63  }
0xd2: {  	s7 =	rddreg [dreg:$0x5]  }
0xd3: {  	[tilespmem:s14], [sflag:$0x1] =	stream.indirect.gather [hbm4b:s5+s12], $0x10, s7, s12, $0xb8;
	[tilespmem:$0x1D000] =	vst v63  }
0xd4: {  	s9 =	rddreg [dreg:$0x6]  }
0xd5: {  	[tilespmem:s15], [sflag:$0x1] =	stream.indirect.gather [hbm4b:s5+s12], $0x10, s9, s12, $0xb8;
	[tilespmem:$0x1D000] =	vst v63  }
0xd6: {  	s23 =	rddreg [dreg:$0x7]  }
0xd7: {  	[tilespmem:s16], [sflag:$0x1] =	stream.indirect.gather [hbm4b:s5+s12], $0x10, s23, s12, $0xb8;
	[tilespmem:$0x1D000] =	vst v63  }
0xd8: {  	s6 =	sadd.s32 $0x80, s6  }
0xd9: {  	[tilespmem:s17], [sflag:$0x5] =	stream.linear.gather [hbm4b:s6+s4], $0x400, $0x38;
	[tilespmem:$0x1D000] =	vst v63  }
0xda: {  	_ =	swait.ge [sflag:s10], $0x400  }
0xdb: {  	[sflag:s10] =	ssyncset.done $0x0  }
0xdc: {  	[sflag:s10] =	ssyncadd.s32 $0xFFFFFC00  }
0xdd: {  	[tilespmem:s18], [sflag:$0x2] =	stream.indirect.gather [hbm4b:s5+s12], $0x10, s17, s12, $0xb8;
	[tilespmem:$0x1D000] =	vst v63  }
0xde: {  	s9 =	rddreg [dreg:$0x8]  }
0xdf: {  	[tilespmem:s19], [sflag:$0x2] =	stream.indirect.gather [hbm4b:s5+s12], $0x10, s9, s12, $0xb8;
	[tilespmem:$0x1D000] =	vst v63  }
0xe0: {  	s23 =	rddreg [dreg:$0x9]  }
0xe1: {  	[tilespmem:s20], [sflag:$0x2] =	stream.indirect.gather [hbm4b:s5+s12], $0x10, s23, s12, $0xb8;
	[tilespmem:$0x1D000] =	vst v63  }
0xe2: {  	s8 =	rddreg [dreg:$0xa]  }
0xe3: {  	[tilespmem:s21], [sflag:$0x2] =	stream.indirect.gather [hbm4b:s5+s12], $0x10, s8, s12, $0xb8;
	[tilespmem:$0x1D000] =	vst v63  }
0xe4: {  	_ =	swait.ge [sflag:s22], $0x800  }
0xe5: {  	[sflag:s22] =	ssyncset.done $0x0  }
0xe6: {  	[sflag:s22] =	ssyncadd.s32 $0xFFFFF800  }
0xe7: {  	_ =	swait.ge [sflag:s22], $0x800  }
0xe8: {  	[sflag:s22] =	ssyncset.done $0x0  }
0xe9: {  	[sflag:s22] =	ssyncadd.s32 $0xFFFFF800  }
0xea: {  	_ =	swait.ge [sflag:s22], $0x800  }
0xeb: {  	[sflag:s22] =	ssyncset.done $0x0  }
0xec: {  	[sflag:s22] =	ssyncadd.s32 $0xFFFFF800  }
0xed: {  	_ =	swait.ge [sflag:s22], $0x800  }
0xee: {  	[sflag:s22] =	ssyncset.done $0x0  }
0xef: {  	s9 =	simm.s32 $0x18A00;
	[sflag:s22] =	ssyncadd.s32 $0xFFFFF800  }
0xf0: {  	[spmem:s3] =	stream.indirect.scatter.add.f32 [tilespmem:s13], [sflag:$0x3], $0x10, s9, s12, $0xb8;
	[tilespmem:$0x1D000] =	vst v63  }
0xf1: {  	_ = 	snop  }
0xf2: {  	[spmem:s3] =	stream.indirect.scatter.add.f32 [tilespmem:s14], [sflag:$0x3], $0x10, s24, s12, $0xb8;
	[tilespmem:$0x1D000] =	vst v63  }
0xf3: {  	_ = 	snop  }
0xf4: {  	[spmem:s3] =	stream.indirect.scatter.add.f32 [tilespmem:s15], [sflag:$0x3], $0x10, s25, s12, $0xb8;
	[tilespmem:$0x1D000] =	vst v63  }
0xf5: {  	_ = 	snop  }
0xf6: {  	[spmem:s3] =	stream.indirect.scatter.add.f32 [tilespmem:s16], [sflag:$0x3], $0x10, s26, s12, $0xb8;
	[tilespmem:$0x1D000] =	vst v63  }
0xf7: {  	_ =	swait.ge [sflag:s28], $0x800  }
0xf8: {  	[sflag:s28] =	ssyncset.done $0x0  }
0xf9: {  	[sflag:s28] =	ssyncadd.s32 $0xFFFFF800  }
0xfa: {  	_ =	swait.ge [sflag:s28], $0x800  }
0xfb: {  	[sflag:s28] =	ssyncset.done $0x0  }
0xfc: {  	[sflag:s28] =	ssyncadd.s32 $0xFFFFF800  }
0xfd: {  	_ =	swait.ge [sflag:s28], $0x800  }
0xfe: {  	[sflag:s28] =	ssyncset.done $0x0  }
0xff: {  	[sflag:s28] =	ssyncadd.s32 $0xFFFFF800  }
0x100: {  	_ =	swait.ge [sflag:s28], $0x800  }
0x101: {  	[sflag:s28] =	ssyncset.done $0x0  }
0x102: {  	[sflag:s28] =	ssyncadd.s32 $0xFFFFF800  }
0x103: {  	[spmem:s3] =	stream.indirect.scatter.add.f32 [tilespmem:s18], [sflag:$0x4], $0x10, s29, s12, $0xb8;
	[tilespmem:$0x1D000] =	vst v63  }
0x104: {  	_ = 	snop  }
0x105: {  	[spmem:s3] =	stream.indirect.scatter.add.f32 [tilespmem:s19], [sflag:$0x4], $0x10, s30, s12, $0xb8;
	[tilespmem:$0x1D000] =	vst v63  }
0x106: {  	_ = 	snop  }
0x107: {  	[spmem:s3] =	stream.indirect.scatter.add.f32 [tilespmem:s20], [sflag:$0x4], $0x10, s31, s12, $0xb8;
	[tilespmem:$0x1D000] =	vst v63  }
0x108: {  	_ = 	snop  }
0x109: {  	[spmem:s3] =	stream.indirect.scatter.add.f32 [tilespmem:s21], [sflag:$0x4], $0x10, s0, s12, $0xb8;
	[tilespmem:$0x1D000] =	vst v63  }
0x10a: {  	_ =	swait.ge [sflag:s1], $0x800  }
0x10b: {  	[sflag:s1] =	ssyncset.done $0x0  }
0x10c: {  	[sflag:s1] =	ssyncadd.s32 $0xFFFFF800  }
0x10d: {  	_ =	swait.ge [sflag:s1], $0x800  }
0x10e: {  	[sflag:s1] =	ssyncset.done $0x0  }
0x10f: {  	[sflag:s1] =	ssyncadd.s32 $0xFFFFF800  }
0x110: {  	_ =	swait.ge [sflag:s1], $0x800  }
0x111: {  	[sflag:s1] =	ssyncset.done $0x0  }
0x112: {  	[sflag:s1] =	ssyncadd.s32 $0xFFFFF800  }
0x113: {  	_ =	swait.ge [sflag:s1], $0x800  }
0x114: {  	[sflag:s1] =	ssyncset.done $0x0  }
0x115: {  	[sflag:s1] =	ssyncadd.s32 $0xFFFFF800  }
0x116: {  	_ =	swait.ge [sflag:s2], $0x800  }
0x117: {  	[sflag:s2] =	ssyncset.done $0x0  }
0x118: {  	[sflag:s2] =	ssyncadd.s32 $0xFFFFF800  }
0x119: {  	_ =	swait.ge [sflag:s2], $0x800  }
0x11a: {  	[sflag:s2] =	ssyncset.done $0x0  }
0x11b: {  	[sflag:s2] =	ssyncadd.s32 $0xFFFFF800  }
0x11c: {  	_ =	swait.ge [sflag:s2], $0x800  }
0x11d: {  	[sflag:s2] =	ssyncset.done $0x0  }
0x11e: {  	[sflag:s2] =	ssyncadd.s32 $0xFFFFF800  }
0x11f: {  	_ =	swait.ge [sflag:s2], $0x800  }
0x120: {  	[sflag:s2] =	ssyncset.done $0x0  }
0x121: {  	[sflag:s2] =	ssyncadd.s32 $0xFFFFF800  }
0x122: {  	[bflag:$0x0] =	sbarrier.arrive $0xFFFF  }
0x123: {  	s8 =	rddreg [dreg:$0xb]  }
0x124: {  	s23 =	rddreg [dreg:$0xc]  }
0x125: {  	s7 =	rddreg [dreg:$0xe]  }
0x126: {  	[hbm:s23], [sflag:s8] =	dma.local [spmem:s7], $0x3100  }
0x127: {  	_ =	swait.ge [sflag:s10], $0x3100  }
0x128: {  	s6 =	rddreg [dreg:$0xf]  }
0x129: {  	s23 =	rddreg [dreg:$0xd];
	s9 =	sadd.s32 $0x1, s6  }
0x12a: {  	p0 =	sne.s32 s9, s23  }
.Ltmp1:
0x12b: {  	_ = 	snop;
	(pc) =	sbr.rel @p0 .LBB2_1-.Ltmp1, $3  }
0x12c: {  	_ =	sdelay $0x1  }
0x12d: {  	[sflag:s10] =	ssyncset.done $0x0  }
0x12e: {  	[sflag:s10] =	ssyncadd.s32 $0xFFFFCF00  }
0x12f: {  	_ =	sfence.sel $0x180000  }
0x130: {  	[bflag:$0x0] =	sbarrier.arrive $0xFFFF  }
0x131: {  	_ =	strace $0x9000004D  }
0x132: {  	s0 =	stileid.u32;
	[bflag:$0x2] =	sbarrier.arrive $0xFFFF  }
0x133: {  	p0 =	sne.s32 s0, $0x0;
	s0 =	rddreg [dreg:$0x3]  }
0x134: {  	s0 =	sadd.s32 @!p0 $0x100000, s0  }
0x135: {  	[sflag:s0] =	ssyncadd.tile.s32 @!p0 $0x1;
	_ =	shalt  }
.Lfunc_end2:
_tile_overlayer_lowered:
.L_overlay_start_2:
0x136: {  	(tag) =	ssettag $0x2  }
0x137: {  	s0 =	rddreg [dreg:$0x0];
	s2 =	stileid.u32  }
0x138: {  	s1 =	rddreg [dreg:$0x1];
	p0 =	sne.s32 s2, $0x0  }
0x139: {  	s3 =	rddreg [dreg:$0x2];
	[bflag:$0x3] =	sbarrier.arrive $0xFFFF;
	s2 =	simm.s32 @!p0 $0x1C05  }
0x13a: {  	[timem:s3], [sflag:s2] =	dma.local @!p0 [hbm:s0], s1  }
0x13b: {  	s0 =	simm.s32 @!p0 $0x5  }
0x13c: {  	_ =	swait.ge @!p0 [sflag:s0], s1  }
0x13d: {  	s1 =	ssub.s32 @!p0 $0x0, s1;
	[sflag:s0] =	ssyncset.done @!p0 $0x0  }
0x13e: {  	[sflag:s0] =	ssyncadd.s32 @!p0 s1  }
0x13f: {  	[bflag:$0x3] =	sbarrier.arrive $0xFFFF  }
0x140: {  	_ =	shalt  }

// kernel: kernel.9.cloned.1.call-start
scs
__scs_entry_jumppad:
0x0: {  	(pc) =	sbr.rel $0x88, $3  }
0x1: {  	(tag) =	ssettag $0x0;
	lr =	simm.s32 $0x1  }
0x2: {  	[smem:$0x3F8B] =	sst lr;
	_ =	strace $0xD0000000  }
0x3: {  	_ = 	snop  }
0x4: {  	_ = 	snop  }
0x5: {  	_ = 	snop  }
0x6: {  	_ = 	snop  }
0x7: {  	_ = 	snop  }
__scs_overlays_trampoline_lowered:
0x8: {  	[smem:$0x3F9A] =	sst s0  }
0x9: {  	[smem:$0x3F9B] =	sst s1  }
0xa: {  	[smem:$0x3F9C] =	sst s2  }
0xb: {  	[smem:$0x3F9D] =	sst s3  }
0xc: {  	[smem:$0x3F9E] =	sst s4  }
0xd: {  	[smem:$0x3F9F] =	sst s5  }
0xe: {  	[smem:$0x3FA0] =	sst s6  }
0xf: {  	[smem:$0x3FA1] =	sst s7  }
0x10: {  	[smem:$0x3FA2] =	sst s8  }
0x11: {  	[smem:$0x3FA3] =	sst s9;
	s0 =	simm.s32 @!p0 $0x0  }
0x12: {  	s1 =	sld [smem:$0x3F89];
	s0 =	simm.s32 @p0 $0x1  }
0x13: {  	[smem:$0x3FA4] =	sst s0;
	s0 =	simm.s32 @!p1 $0x0  }
0x14: {  	s2 =	sld [smem:$0x3F88];
	s0 =	simm.s32 @p1 $0x1  }
0x15: {  	[smem:$0x3FA5] =	sst s0;
	s0 =	simm.s32 @!p2 $0x0  }
0x16: {  	s3 =	sld [smem:$0x3FDB];
	s0 =	simm.s32 @p2 $0x1  }
0x17: {  	s4 =	simm.s32 $0x1BF5;
	[smem:$0x3FA7] =	sst s0  }
0x18: {  	s0 =	sld [smem:$0x3F8A];
	_ =	swait.ge [sflag:s4], $0x0  }
0x19: {  	s7 =	sld [smem:$0x3F8B]  }
0x1a: {  	s8 =	sadd.s32 $0xFFFFE003, lr  }
0x1b: {  	s9 =	sadd.s32 $0xFFFFFEF7, lr;
	s5 =	simm.s32 $0xFFFFFFFF;
	p2 =	slt.u32 s8, $0xFFFFF086  }
0x1c: {  	p1 =	slt.u32 s9, $0xF7A;
	s5 =	simm.s32 @!p2 $0x0  }
0x1d: {  	s5 =	simm.s32 @p1 $0x1;
	p0 =	seq.s32 s7, s2  }
0x1e: {  	s7 =	smul.u32 @!p0 $0xF7A, s2;
	p2 =	seq.s32 @!p0 s5, $0x0  }
0x1f: {  	s9 =	smul.u32 $0xF7A, s1;
	s8 =	simm.s32 @!p0 $0x1BF5;
	p2 =	por !p2, p0  }
0x20: {  	[sflag:s8] =	ssyncset.s32 @!p0 $0xFFFFF086;
	s6 =	sadd.s32 @!p0 s3, s7;
	s7 =	simm.s32 @!p0 $0x108  }
0x21: {  	s3 =	sadd.s32 s3, s9;
	s6 =	sadd.s32 @!p0 $0x88, s6;
	s7 =	simm.s32 @p2 $0x1082  }
0x22: {  	[simem:s7], [sflag:s8] =	dma.local @!p0 [hbm:s6], $0xF7A  }
0x23: {  	s9 =	sor.u32 $0xD0000000, s2;
	s6 =	simm.s32 $0x108;
	_ =	swait.ge @!p0 [sflag:s8], $0x0  }
0x24: {  	s3 =	sadd.s32 $0x88, s3;
	s6 =	simm.s32 @!p1 $0x1082;
	[sflag:s4] =	ssyncset.s32 $0xFFFFF086  }
0x25: {  	[simem:s6], [sflag:s4] =	dma.local [hbm:s3], $0xF7A  }
0x26: {  	[smem:$0x3F8B] =	sst s1;
	(tag) =	ssettag s2;
	_ =	strace s9  }
0x27: {  	s1 =	sld [smem:$0x3F9B]  }
0x28: {  	s2 =	sld [smem:$0x3F9C]  }
0x29: {  	s4 =	sld [smem:$0x3F9E]  }
0x2a: {  	p0 =	seq.s32 s5, $0x0;
	s5 =	sld [smem:$0x3F9F]  }
0x2b: {  	s6 =	sld [smem:$0x3FA0]  }
0x2c: {  	s7 =	sld [smem:$0x3FA1]  }
0x2d: {  	s3 =	simm.s32 $0x108;
	s8 =	sld [smem:$0x3FA2]  }
0x2e: {  	s3 =	simm.s32 @!p0 $0x1082;
	s9 =	sld [smem:$0x3FA3]  }
0x2f: {  	lr =	sadd.s32 s0, s3;
	s0 =	sld [smem:$0x3F9A]  }
0x30: {  	s3 =	sld [smem:$0x3F9D]  }
0x31: {  	[smem:$0x3FA6] =	sst s10  }
0x32: {  	s10 =	sld [smem:$0x3FA4];
	_ =	sdelay $0x3  }
0x33: {  	p0 =	seq.s32 s10, $0x1;
	s10 =	sld [smem:$0x3FA6];
	_ =	sdelay $0x3  }
0x34: {  	[smem:$0x3FA6] =	sst s10  }
0x35: {  	s10 =	sld [smem:$0x3FA5];
	_ =	sdelay $0x3  }
0x36: {  	p1 =	seq.s32 s10, $0x1;
	s10 =	sld [smem:$0x3FA6];
	_ =	sdelay $0x3  }
0x37: {  	[smem:$0x3FA6] =	sst s10  }
0x38: {  	s10 =	sld [smem:$0x3FA7]  }
0x39: {  	_ = 	snop;
	(pc) =	sbr.ind lr, $3  }
0x3a: {  	_ = 	snop  }
0x3b: {  	_ = 	snop  }
0x3c: {  	p2 =	seq.s32 s10, $0x1;
	s10 =	sld [smem:$0x3FA6]  }
0x3d: {  	_ =	shalt  }
0x3e: {  	_ =	shalt  }
0x3f: {  	_ =	shalt  }
0x40: {  	_ =	shalt  }
0x41: {  	_ =	shalt  }
0x42: {  	_ =	shalt  }
0x43: {  	_ =	shalt  }
0x44: {  	_ =	shalt  }
0x45: {  	_ =	shalt  }
0x46: {  	_ =	shalt  }
0x47: {  	_ =	shalt  }
0x48: {  	_ =	shalt  }
0x49: {  	_ =	shalt  }
0x4a: {  	_ =	shalt  }
0x4b: {  	_ =	shalt  }
0x4c: {  	_ =	shalt  }
0x4d: {  	_ =	shalt  }
0x4e: {  	_ =	shalt  }
0x4f: {  	_ =	shalt  }
0x50: {  	_ =	shalt  }
0x51: {  	_ =	shalt  }
0x52: {  	_ =	shalt  }
0x53: {  	_ =	shalt  }
0x54: {  	_ =	shalt  }
0x55: {  	_ =	shalt  }
0x56: {  	_ =	shalt  }
0x57: {  	_ =	shalt  }
0x58: {  	_ =	shalt  }
0x59: {  	_ =	shalt  }
0x5a: {  	_ =	shalt  }
0x5b: {  	_ =	shalt  }
0x5c: {  	_ =	shalt  }
0x5d: {  	_ =	shalt  }
0x5e: {  	_ =	shalt  }
0x5f: {  	_ =	shalt  }
0x60: {  	_ =	shalt  }
0x61: {  	_ =	shalt  }
0x62: {  	_ =	shalt  }
0x63: {  	_ =	shalt  }
0x64: {  	_ =	shalt  }
0x65: {  	_ =	shalt  }
0x66: {  	_ =	shalt  }
0x67: {  	_ =	shalt  }
0x68: {  	_ =	shalt  }
0x69: {  	_ =	shalt  }
0x6a: {  	_ =	shalt  }
0x6b: {  	_ =	shalt  }
0x6c: {  	_ =	shalt  }
0x6d: {  	_ =	shalt  }
0x6e: {  	_ =	shalt  }
0x6f: {  	_ =	shalt  }
0x70: {  	_ =	shalt  }
0x71: {  	_ =	shalt  }
0x72: {  	_ =	shalt  }
0x73: {  	_ =	shalt  }
0x74: {  	_ =	shalt  }
0x75: {  	_ =	shalt  }
0x76: {  	_ =	shalt  }
0x77: {  	_ =	shalt  }
0x78: {  	_ =	shalt  }
0x79: {  	_ =	shalt  }
0x7a: {  	_ =	shalt  }
0x7b: {  	_ =	shalt  }
0x7c: {  	_ =	shalt  }
0x7d: {  	_ =	shalt  }
0x7e: {  	_ =	shalt  }
0x7f: {  	_ =	shalt  }
0x80: {  	_ =	shalt  }
0x81: {  	_ =	shalt  }
0x82: {  	_ =	shalt  }
0x83: {  	_ =	shalt  }
0x84: {  	_ =	shalt  }
0x85: {  	_ =	shalt  }
0x86: {  	_ =	shalt  }
0x87: {  	_ =	shalt  }
.Lfunc_end0:
.L_simem_size_0:
called_computation_lowered:
.L_overlay_start_0:
0x88: {  	s2 =	sld [smem:$0x3FD9]  }
0x89: {  	s3 =	sld [smem:$0x3FFE];
	_ =	sdelay $0x1  }
0x8a: {  	s1 =	srdreg.scid  }
0x8b: {  	s0 =	sand.u32 $0x1, s1  }
0x8c: {  	s17 =	sshll.u32 s0, $0xA;
	s2 =	sadd.s32 s3, s2  }
0x8d: {  	s2 =	sadd.s32 s2, s17  }
0x8e: {  	[smem:$0x3FB2] =	sst s2  }
0x8f: {  	_ = 	snop  }
0x90: {  	s2 =	sld [smem:$0x3FD0];
	(tm) =	ssettm $0x1  }
0x91: {  	s18 =	sld [smem:$0x3FFB];
	_ =	sdelay $0x3  }
0x92: {  	_ =	strace s18  }
0x93: {  	s3 =	sld [smem:$0x3FFC];
	_ =	sdelay $0x3  }
0x94: {  	_ =	strace s3  }
0x95: {  	s3 =	sld [smem:$0x3FFD];
	_ =	sdelay $0x3  }
0x96: {  	_ =	strace s3  }
0x97: {  	_ =	strace $0x8FFFFFFF  }
0x98: {  	s19 =	sld [smem:$0x3FDB];
	_ =	sdelay $0x1  }
0x99: {  	s4 =	simm.s32 $_scs_section_size  }
0x9a: {  	s5 =	simm.s32 $_size__tile_overlayer_lowered;
	s6 =	simm.s32 $_tile_overlayer_lowered  }
0x9b: {  	s22 =	simm.s32 $0x1BFF;
	s21 =	sshll.u32 s6, $0x1;
	s3 =	sadd.s32 s4, s19  }
0x9c: {  	s7 =	simm.s32 $0x0;
	s20 =	sshll.u32 s5, $0x1;
	s5 =	sadd.s32 s21, s3  }
0x9d: {  	[timem:s7], [sflag:s22] =	dma.local [hbm:s5], s20  }
0x9e: {  	_ =	swait.ge [sflag:s22], s20  }
0x9f: {  	s4 =	ssub.s32 $0x0, s20;
	[sflag:s22] =	ssyncset.done $0x0  }
0xa0: {  	[sflag:s22] =	ssyncadd.s32 s4;
	_ =	sdelay $0x1  }
0xa1: {  	s23 =	simm.s32 $0x1B8B  }
0xa2: {  	_ =	swait.ge [sflag:s23], $0x1  }
0xa3: {  	[sflag:s23] =	ssyncset.done $0x0  }
0xa4: {  	s25 =	simm.s32 $0x1B8E;
	s24 =	sld [smem:$0x3FFE];
	[sflag:s23] =	ssyncadd.s32 $0xFFFFFFFF  }
0xa5: {  	s26 =	simm.s32 $execute0_lowered;
	[smem:$0x3FD2] =	sst s25  }
0xa6: {  	s5 =	sshll.u32 s26, $0x1;
	_ =	strace $0x80000046;
	[dreg:$0x1] =	wrdreg $0xFFFFFFFF  }
0xa7: {  	s28 =	simm.s32 $_size_execute0_lowered;
	s3 =	sadd.s32 s3, s5;
	[dreg:$0x0] =	wrdreg $0x0  }
0xa8: {  	s5 =	sshll.u32 s28, $0x1;
	[dreg:$0x2] =	wrdreg s3  }
0xa9: {  	[dreg:$0x3] =	wrdreg s5  }
0xaa: {  	[dreg:$0x4] =	wrdreg $0xC0  }
0xab: {  	_ =	task [dreg:s7], $0x5FFFF  }
0xac: {  	[dreg:$0x1] =	wrdreg $0xFFFFFFFF  }
0xad: {  	[dreg:$0x0] =	wrdreg $0x60  }
0xae: {  	[dreg:$0x2] =	wrdreg s24  }
0xaf: {  	[dreg:$0x3] =	wrdreg s2  }
0xb0: {  	[dreg:$0x4] =	wrdreg $0x0  }
0xb1: {  	[dreg:$0x5] =	wrdreg $0x9  }
0xb2: {  	_ =	task.clear_ibuf [dreg:s7], $0x6FFFF;
	_ =	strace $0x90000046  }
0xb3: {  	s29 =	simm.s32 $0x9;
	_ =	strace $0x80000048  }
0xb4: {  	_ =	swait.ge [sflag:s29], $0x1  }
0xb5: {  	[sflag:s29] =	ssyncadd.s32 $0xFFFFFFFF  }
0xb6: {  	_ =	strace $0x90000048  }
0xb7: {  	_ =	sfence  }
0xb8: {  	s30 =	sld [smem:$0x0];
	_ =	sdelay $0x2  }
0xb9: {  	s31 =	sshll.u32 s1, $0xD;
	s1 =	sshrl.u32 s1, $0x2  }
0xba: {  	s3 =	sand.u32 $0x4000, s31;
	s1 =	sadd.s32 s1, s30  }
0xbb: {  	s0 =	sor.u32 s3, s0;
	s1 =	sshll.u32 s1, $0x11  }
0xbc: {  	s0 =	sor.u32 s1, s0  }
0xbd: {  	s0 =	sadd.s32 $0x8F2B, s0  }
0xbe: {  	[sflag:s0] =	ssyncadd.remote.s32 $0x1  }
0xbf: {  	_ =	sfence.sel $0xFFFF  }
0xc0: {  	[dreg:$0x0] =	wrdreg $0xFFFFFFFF;
	(pc) =	sbr.abs _section_cstart, $3  }
0xc1: {  	[dreg:$0x1] =	wrdreg $0xFFFFFFFF  }
0xc2: {  	_ =	task.clear_ibuf [dreg:s7], $0x2FFFF;
	_ =	strace $0x9FFFFFFF  }
0xc3: {  	(tm) =	ssettm $0x7FFFFFFF  }
tec
execute0_lowered:
.L_overlay_start_1:
0x0: {  	(tag) =	ssettag $0x1  }
0x1: {  	s0 =	rddreg [dreg:$0x0]  }
0x2: {  	s3 =	rddreg [dreg:$0x2]  }
0x3: {  	s9 =	stileid.u32;
	s2 =	srdreg.scid;
	s4 =	simm.s32 $0x0  }
0x4: {  	s13 =	simm.s32 $0x1880;
	s14 =	simm.s32 $0x80;
	s15 =	simm.s32 $0x1900  }
0x5: {  	s16 =	simm.s32 $0x1980;
	s17 =	simm.s32 $0x1A00;
	s18 =	simm.s32 $0x1A80  }
0x6: {  	s19 =	simm.s32 $0x1B00;
	s20 =	simm.s32 $0x1B80;
	s21 =	simm.s32 $0x1C00  }
0x7: {  	s22 =	simm.s32 $0x1C80;
	s28 =	simm.s32 $0x1F00;
	s29 =	simm.s32 $0x1F80  }
0x8: {  	s30 =	simm.s32 $0x2000;
	s31 =	simm.s32 $0x1;
	s1 =	smul.u32 $0x6400, s9  }
0x9: {  	s2 =	sand.u32 $0x1, s2;
	s5 =	smul.u32 $0x1880, s9;
	[smem:$0x7FF] =	sst s4  }
0xa: {  	s10 =	sadd.s32 $0xC9A00, s0;
	s26 =	sshll.u32 s9, $0x6;
	s9 =	simm.s32 $0x2080  }
0xb: {  	s6 =	smul.u32 $0x18800, s2;
	_ =	strace $0x80000047;
	s7 =	ssub.s32 $0x2, s2  }
0xc: {  	s2 =	smul.u32 $0x3200, s2;
	[dreg:$0x4] =	wrdreg s10;
	s10 =	simm.s32 $0x3  }
0xd: {  	s11 =	sor.u32 $0x1C03, s26;
	s26 =	simm.s32 $0x1E80;
	s8 =	sshrl.u32 s7, $0x1  }
0xe: {  	s1 =	sadd.s32 s1, s0;
	s6 =	sadd.s32 s5, s6;
	s23 =	ssub.s32 s7, s8  }
0xf: {  	s5 =	sadd.s32 s5, s3;
	s24 =	sadd.s32 s2, s1;
	s1 =	simm.s32 $0x0  }
0x10: {  	s6 =	sshrl.u32 s6, $0x3;
	s25 =	smax.u32 s23, $0x1;
	s8 =	sadd.s32 $0x65A00, s24  }
0x11: {  	s12 =	sshrl.u32 s5, $0x3;
	s23 =	simm.s32 $0x1D00;
	s0 =	sadd.s32 s6, s0  }
0x12: {  	s24 =	simm.s32 $0x1D80;
	[dreg:$0x6] =	wrdreg s25;
	s0 =	sadd.s32 $0xC9C00, s0  }
0x13: {  	s25 =	simm.s32 $0x1E00;
	[dreg:$0x5] =	wrdreg s0;
	s0 =	simm.s32 $0x2  }
.LBB2_1:
0x14: {  	s2 =	rddreg [dreg:$0x4]  }
0x15: {  	[tilespmem:s9], [sflag:$0x3] =	stream.linear.gather [hbm4b:s2+s4], $0x80, $0x38;
	[tilespmem:$0x2100] =	vst v63  }
0x16: {  	_ =	swait.ge [sflag:s10], $0x80  }
0x17: {  	[sflag:s10] =	ssyncset.done $0x0  }
0x18: {  	[sflag:s10] =	ssyncadd.s32 $0xFFFFFF80  }
0x19: {  	s6 =	rddreg [dreg:$0x1]  }
0x1a: {  	[spmem:s12], [sflag:s11] =	dma.local [hbm:s6], $0x310  }
0x1b: {  	_ =	swait.ge [sflag:s10], $0x310  }
0x1c: {  	[sflag:s10] =	ssyncset.done $0x0  }
0x1d: {  	[sflag:s10] =	ssyncadd.s32 $0xFFFFFCF0  }
0x1e: {  	s7 =	sadd.s32 $0x0, s8;
	[bflag:$0x0] =	sbarrier.arrive $0xFFFF  }
0x1f: {  	[tilespmem:s13], [sflag:$0x3] =	stream.linear.gather [hbm4b:s7+s4], $0x400, $0x38;
	[tilespmem:$0x2100] =	vst v63  }
0x20: {  	_ =	swait.ge [sflag:s10], $0x400  }
0x21: {  	[sflag:s10] =	ssyncset.done $0x0  }
0x22: {  	[sflag:s10] =	ssyncadd.s32 $0xFFFFFC00  }
0x23: {  	[spmem:s3] =	stream.indirect.scatter.add.f32 [tilespmem:s9], [sflag:$0x1], $0x1, s13, s14, $0xb8;
	[tilespmem:$0x2100] =	vst v63  }
0x24: {  	_ = 	snop  }
0x25: {  	[spmem:s3] =	stream.indirect.scatter.add.f32 [tilespmem:s9], [sflag:$0x1], $0x1, s15, s14, $0xb8;
	[tilespmem:$0x2100] =	vst v63  }
0x26: {  	_ = 	snop  }
0x27: {  	[spmem:s3] =	stream.indirect.scatter.add.f32 [tilespmem:s9], [sflag:$0x1], $0x1, s16, s14, $0xb8;
	[tilespmem:$0x2100] =	vst v63  }
0x28: {  	_ = 	snop  }
0x29: {  	[spmem:s3] =	stream.indirect.scatter.add.f32 [tilespmem:s9], [sflag:$0x1], $0x1, s17, s14, $0xb8;
	[tilespmem:$0x2100] =	vst v63  }
0x2a: {  	_ = 	snop  }
0x2b: {  	[spmem:s3] =	stream.indirect.scatter.add.f32 [tilespmem:s9], [sflag:$0x1], $0x1, s18, s14, $0xb8;
	[tilespmem:$0x2100] =	vst v63  }
0x2c: {  	_ = 	snop  }
0x2d: {  	[spmem:s3] =	stream.indirect.scatter.add.f32 [tilespmem:s9], [sflag:$0x1], $0x1, s19, s14, $0xb8;
	[tilespmem:$0x2100] =	vst v63  }
0x2e: {  	_ = 	snop  }
0x2f: {  	[spmem:s3] =	stream.indirect.scatter.add.f32 [tilespmem:s9], [sflag:$0x1], $0x1, s20, s14, $0xb8;
	[tilespmem:$0x2100] =	vst v63  }
0x30: {  	_ = 	snop  }
0x31: {  	[spmem:s3] =	stream.indirect.scatter.add.f32 [tilespmem:s9], [sflag:$0x1], $0x1, s21, s14, $0xb8;
	[tilespmem:$0x2100] =	vst v63  }
0x32: {  	s2 =	sadd.s32 $0x80, s7  }
0x33: {  	[tilespmem:s22], [sflag:$0x3] =	stream.linear.gather [hbm4b:s2+s4], $0x400, $0x38;
	[tilespmem:$0x2100] =	vst v63  }
0x34: {  	_ =	swait.ge [sflag:s10], $0x400  }
0x35: {  	[sflag:s10] =	ssyncset.done $0x0  }
0x36: {  	[sflag:s10] =	ssyncadd.s32 $0xFFFFFC00  }
0x37: {  	[spmem:s3] =	stream.indirect.scatter.add.f32 [tilespmem:s9], [sflag:$0x2], $0x1, s22, s14, $0xb8;
	[tilespmem:$0x2100] =	vst v63  }
0x38: {  	_ = 	snop  }
0x39: {  	[spmem:s3] =	stream.indirect.scatter.add.f32 [tilespmem:s9], [sflag:$0x2], $0x1, s23, s14, $0xb8;
	[tilespmem:$0x2100] =	vst v63  }
0x3a: {  	_ = 	snop  }
0x3b: {  	[spmem:s3] =	stream.indirect.scatter.add.f32 [tilespmem:s9], [sflag:$0x2], $0x1, s24, s14, $0xb8;
	[tilespmem:$0x2100] =	vst v63  }
0x3c: {  	_ = 	snop  }
0x3d: {  	[spmem:s3] =	stream.indirect.scatter.add.f32 [tilespmem:s9], [sflag:$0x2], $0x1, s25, s14, $0xb8;
	[tilespmem:$0x2100] =	vst v63  }
0x3e: {  	_ = 	snop  }
0x3f: {  	[spmem:s3] =	stream.indirect.scatter.add.f32 [tilespmem:s9], [sflag:$0x2], $0x1, s26, s14, $0xb8;
	[tilespmem:$0x2100] =	vst v63  }
0x40: {  	_ = 	snop  }
0x41: {  	[spmem:s3] =	stream.indirect.scatter.add.f32 [tilespmem:s9], [sflag:$0x2], $0x1, s28, s14, $0xb8;
	[tilespmem:$0x2100] =	vst v63  }
0x42: {  	_ = 	snop  }
0x43: {  	[spmem:s3] =	stream.indirect.scatter.add.f32 [tilespmem:s9], [sflag:$0x2], $0x1, s29, s14, $0xb8;
	[tilespmem:$0x2100] =	vst v63  }
0x44: {  	_ = 	snop  }
0x45: {  	[spmem:s3] =	stream.indirect.scatter.add.f32 [tilespmem:s9], [sflag:$0x2], $0x1, s30, s14, $0xb8;
	[tilespmem:$0x2100] =	vst v63  }
0x46: {  	_ =	swait.ge [sflag:s31], $0x80  }
0x47: {  	[sflag:s31] =	ssyncset.done $0x0  }
0x48: {  	[sflag:s31] =	ssyncadd.s32 $0xFFFFFF80  }
0x49: {  	_ =	swait.ge [sflag:s31], $0x80  }
0x4a: {  	[sflag:s31] =	ssyncset.done $0x0  }
0x4b: {  	[sflag:s31] =	ssyncadd.s32 $0xFFFFFF80  }
0x4c: {  	_ =	swait.ge [sflag:s31], $0x80  }
0x4d: {  	[sflag:s31] =	ssyncset.done $0x0  }
0x4e: {  	[sflag:s31] =	ssyncadd.s32 $0xFFFFFF80  }
0x4f: {  	_ =	swait.ge [sflag:s31], $0x80  }
0x50: {  	[sflag:s31] =	ssyncset.done $0x0  }
0x51: {  	[sflag:s31] =	ssyncadd.s32 $0xFFFFFF80  }
0x52: {  	_ =	swait.ge [sflag:s31], $0x80  }
0x53: {  	[sflag:s31] =	ssyncset.done $0x0  }
0x54: {  	[sflag:s31] =	ssyncadd.s32 $0xFFFFFF80  }
0x55: {  	_ =	swait.ge [sflag:s31], $0x80  }
0x56: {  	[sflag:s31] =	ssyncset.done $0x0  }
0x57: {  	[sflag:s31] =	ssyncadd.s32 $0xFFFFFF80  }
0x58: {  	_ =	swait.ge [sflag:s31], $0x80  }
0x59: {  	[sflag:s31] =	ssyncset.done $0x0  }
0x5a: {  	[sflag:s31] =	ssyncadd.s32 $0xFFFFFF80  }
0x5b: {  	_ =	swait.ge [sflag:s31], $0x80  }
0x5c: {  	[sflag:s31] =	ssyncset.done $0x0  }
0x5d: {  	[sflag:s31] =	ssyncadd.s32 $0xFFFFFF80  }
0x5e: {  	_ =	swait.ge [sflag:s0], $0x80  }
0x5f: {  	[sflag:s0] =	ssyncset.done $0x0  }
0x60: {  	[sflag:s0] =	ssyncadd.s32 $0xFFFFFF80  }
0x61: {  	_ =	swait.ge [sflag:s0], $0x80  }
0x62: {  	[sflag:s0] =	ssyncset.done $0x0  }
0x63: {  	[sflag:s0] =	ssyncadd.s32 $0xFFFFFF80  }
0x64: {  	_ =	swait.ge [sflag:s0], $0x80  }
0x65: {  	[sflag:s0] =	ssyncset.done $0x0  }
0x66: {  	[sflag:s0] =	ssyncadd.s32 $0xFFFFFF80  }
0x67: {  	_ =	swait.ge [sflag:s0], $0x80  }
0x68: {  	[sflag:s0] =	ssyncset.done $0x0  }
0x69: {  	[sflag:s0] =	ssyncadd.s32 $0xFFFFFF80  }
0x6a: {  	_ =	swait.ge [sflag:s0], $0x80  }
0x6b: {  	[sflag:s0] =	ssyncset.done $0x0  }
0x6c: {  	[sflag:s0] =	ssyncadd.s32 $0xFFFFFF80  }
0x6d: {  	_ =	swait.ge [sflag:s0], $0x80  }
0x6e: {  	[sflag:s0] =	ssyncset.done $0x0  }
0x6f: {  	[sflag:s0] =	ssyncadd.s32 $0xFFFFFF80  }
0x70: {  	_ =	swait.ge [sflag:s0], $0x80  }
0x71: {  	[sflag:s0] =	ssyncset.done $0x0  }
0x72: {  	[sflag:s0] =	ssyncadd.s32 $0xFFFFFF80  }
0x73: {  	_ =	swait.ge [sflag:s0], $0x80  }
0x74: {  	s5 =	simm.s32 $0x200;
	s2 =	simm.s32 $0x100;
	[sflag:s0] =	ssyncset.done $0x0  }
.LBB2_2:
0x75: {  	s7 =	sadd.s32 s2, s8  }
0x76: {  	[sflag:s0] =	ssyncadd.s32 $0xFFFFFF80;
	s2 =	smov.u32 s5;
	s6 =	sadd.s32 $0x100, s5  }
0x77: {  	[tilespmem:s13], [sflag:$0x3] =	stream.linear.gather [hbm4b:s7+s4], $0x400, $0x38;
	[tilespmem:$0x2100] =	vst v63  }
0x78: {  	p0 =	sne.s32 s5, $0x3100;
	_ =	swait.ge [sflag:s10], $0x400  }
0x79: {  	[sflag:s10] =	ssyncset.done $0x0  }
0x7a: {  	[sflag:s10] =	ssyncadd.s32 $0xFFFFFC00  }
0x7b: {  	[spmem:s3] =	stream.indirect.scatter.add.f32 [tilespmem:s9], [sflag:$0x1], $0x1, s13, s14, $0xb8;
	[tilespmem:$0x2100] =	vst v63  }
0x7c: {  	_ = 	snop  }
0x7d: {  	[spmem:s3] =	stream.indirect.scatter.add.f32 [tilespmem:s9], [sflag:$0x1], $0x1, s15, s14, $0xb8;
	[tilespmem:$0x2100] =	vst v63  }
0x7e: {  	_ = 	snop  }
0x7f: {  	[spmem:s3] =	stream.indirect.scatter.add.f32 [tilespmem:s9], [sflag:$0x1], $0x1, s16, s14, $0xb8;
	[tilespmem:$0x2100] =	vst v63  }
0x80: {  	_ = 	snop  }
0x81: {  	[spmem:s3] =	stream.indirect.scatter.add.f32 [tilespmem:s9], [sflag:$0x1], $0x1, s17, s14, $0xb8;
	[tilespmem:$0x2100] =	vst v63  }
0x82: {  	_ = 	snop  }
0x83: {  	[spmem:s3] =	stream.indirect.scatter.add.f32 [tilespmem:s9], [sflag:$0x1], $0x1, s18, s14, $0xb8;
	[tilespmem:$0x2100] =	vst v63  }
0x84: {  	_ = 	snop  }
0x85: {  	[spmem:s3] =	stream.indirect.scatter.add.f32 [tilespmem:s9], [sflag:$0x1], $0x1, s19, s14, $0xb8;
	[tilespmem:$0x2100] =	vst v63  }
0x86: {  	_ = 	snop  }
0x87: {  	[spmem:s3] =	stream.indirect.scatter.add.f32 [tilespmem:s9], [sflag:$0x1], $0x1, s20, s14, $0xb8;
	[tilespmem:$0x2100] =	vst v63  }
0x88: {  	_ = 	snop  }
0x89: {  	[spmem:s3] =	stream.indirect.scatter.add.f32 [tilespmem:s9], [sflag:$0x1], $0x1, s21, s14, $0xb8;
	[tilespmem:$0x2100] =	vst v63  }
0x8a: {  	s5 =	sadd.s32 $0x80, s7  }
0x8b: {  	[tilespmem:s22], [sflag:$0x3] =	stream.linear.gather [hbm4b:s5+s4], $0x400, $0x38;
	[tilespmem:$0x2100] =	vst v63  }
0x8c: {  	_ =	swait.ge [sflag:s10], $0x400  }
0x8d: {  	[sflag:s10] =	ssyncset.done $0x0  }
0x8e: {  	[sflag:s10] =	ssyncadd.s32 $0xFFFFFC00  }
0x8f: {  	[spmem:s3] =	stream.indirect.scatter.add.f32 [tilespmem:s9], [sflag:$0x2], $0x1, s22, s14, $0xb8;
	[tilespmem:$0x2100] =	vst v63  }
0x90: {  	_ = 	snop  }
0x91: {  	[spmem:s3] =	stream.indirect.scatter.add.f32 [tilespmem:s9], [sflag:$0x2], $0x1, s23, s14, $0xb8;
	[tilespmem:$0x2100] =	vst v63  }
0x92: {  	_ = 	snop  }
0x93: {  	[spmem:s3] =	stream.indirect.scatter.add.f32 [tilespmem:s9], [sflag:$0x2], $0x1, s24, s14, $0xb8;
	[tilespmem:$0x2100] =	vst v63  }
0x94: {  	_ = 	snop  }
0x95: {  	[spmem:s3] =	stream.indirect.scatter.add.f32 [tilespmem:s9], [sflag:$0x2], $0x1, s25, s14, $0xb8;
	[tilespmem:$0x2100] =	vst v63  }
0x96: {  	_ = 	snop  }
0x97: {  	[spmem:s3] =	stream.indirect.scatter.add.f32 [tilespmem:s9], [sflag:$0x2], $0x1, s26, s14, $0xb8;
	[tilespmem:$0x2100] =	vst v63  }
0x98: {  	_ = 	snop  }
0x99: {  	[spmem:s3] =	stream.indirect.scatter.add.f32 [tilespmem:s9], [sflag:$0x2], $0x1, s28, s14, $0xb8;
	[tilespmem:$0x2100] =	vst v63  }
0x9a: {  	_ = 	snop  }
0x9b: {  	[spmem:s3] =	stream.indirect.scatter.add.f32 [tilespmem:s9], [sflag:$0x2], $0x1, s29, s14, $0xb8;
	[tilespmem:$0x2100] =	vst v63  }
0x9c: {  	_ = 	snop  }
0x9d: {  	[spmem:s3] =	stream.indirect.scatter.add.f32 [tilespmem:s9], [sflag:$0x2], $0x1, s30, s14, $0xb8;
	[tilespmem:$0x2100] =	vst v63  }
0x9e: {  	_ =	swait.ge [sflag:s31], $0x80  }
0x9f: {  	[sflag:s31] =	ssyncset.done $0x0  }
0xa0: {  	[sflag:s31] =	ssyncadd.s32 $0xFFFFFF80  }
0xa1: {  	_ =	swait.ge [sflag:s31], $0x80  }
0xa2: {  	[sflag:s31] =	ssyncset.done $0x0  }
0xa3: {  	[sflag:s31] =	ssyncadd.s32 $0xFFFFFF80  }
0xa4: {  	_ =	swait.ge [sflag:s31], $0x80  }
0xa5: {  	[sflag:s31] =	ssyncset.done $0x0  }
0xa6: {  	[sflag:s31] =	ssyncadd.s32 $0xFFFFFF80  }
0xa7: {  	_ =	swait.ge [sflag:s31], $0x80  }
0xa8: {  	[sflag:s31] =	ssyncset.done $0x0  }
0xa9: {  	[sflag:s31] =	ssyncadd.s32 $0xFFFFFF80  }
0xaa: {  	_ =	swait.ge [sflag:s31], $0x80  }
0xab: {  	[sflag:s31] =	ssyncset.done $0x0  }
0xac: {  	[sflag:s31] =	ssyncadd.s32 $0xFFFFFF80  }
0xad: {  	_ =	swait.ge [sflag:s31], $0x80  }
0xae: {  	[sflag:s31] =	ssyncset.done $0x0  }
0xaf: {  	[sflag:s31] =	ssyncadd.s32 $0xFFFFFF80  }
0xb0: {  	_ =	swait.ge [sflag:s31], $0x80  }
0xb1: {  	[sflag:s31] =	ssyncset.done $0x0  }
0xb2: {  	[sflag:s31] =	ssyncadd.s32 $0xFFFFFF80  }
0xb3: {  	_ =	swait.ge [sflag:s31], $0x80  }
0xb4: {  	[sflag:s31] =	ssyncset.done $0x0  }
0xb5: {  	[sflag:s31] =	ssyncadd.s32 $0xFFFFFF80  }
0xb6: {  	_ =	swait.ge [sflag:s0], $0x80  }
0xb7: {  	[sflag:s0] =	ssyncset.done $0x0  }
0xb8: {  	[sflag:s0] =	ssyncadd.s32 $0xFFFFFF80  }
0xb9: {  	_ =	swait.ge [sflag:s0], $0x80  }
0xba: {  	[sflag:s0] =	ssyncset.done $0x0  }
0xbb: {  	[sflag:s0] =	ssyncadd.s32 $0xFFFFFF80  }
0xbc: {  	_ =	swait.ge [sflag:s0], $0x80  }
0xbd: {  	[sflag:s0] =	ssyncset.done $0x0  }
0xbe: {  	[sflag:s0] =	ssyncadd.s32 $0xFFFFFF80  }
0xbf: {  	_ =	swait.ge [sflag:s0], $0x80  }
0xc0: {  	[sflag:s0] =	ssyncset.done $0x0  }
0xc1: {  	[sflag:s0] =	ssyncadd.s32 $0xFFFFFF80  }
0xc2: {  	_ =	swait.ge [sflag:s0], $0x80  }
0xc3: {  	[sflag:s0] =	ssyncset.done $0x0  }
0xc4: {  	[sflag:s0] =	ssyncadd.s32 $0xFFFFFF80  }
0xc5: {  	_ =	swait.ge [sflag:s0], $0x80  }
0xc6: {  	[sflag:s0] =	ssyncset.done $0x0  }
0xc7: {  	[sflag:s0] =	ssyncadd.s32 $0xFFFFFF80  }
.Ltmp0:
0xc8: {  	_ =	swait.ge [sflag:s0], $0x80;
	(pc) =	sbr.rel @p0 .LBB2_2-.Ltmp0, $4  }
0xc9: {  	[sflag:s0] =	ssyncset.done $0x0  }
0xca: {  	[sflag:s0] =	ssyncadd.s32 $0xFFFFFF80  }
0xcb: {  	_ =	swait.ge [sflag:s0], $0x80  }
0xcc: {  	s5 =	smov.u32 s6;
	[sflag:s0] =	ssyncset.done $0x0  }
0xcd: {  	s2 =	sadd.s32 s2, s8;
	[sflag:s0] =	ssyncadd.s32 $0xFFFFFF80  }
0xce: {  	[tilespmem:s13], [sflag:$0x3] =	stream.linear.gather [hbm4b:s2+s4], $0x400, $0x38;
	[tilespmem:$0x2100] =	vst v63  }
0xcf: {  	_ =	swait.ge [sflag:s10], $0x400  }
0xd0: {  	[sflag:s10] =	ssyncset.done $0x0  }
0xd1: {  	[sflag:s10] =	ssyncadd.s32 $0xFFFFFC00  }
0xd2: {  	[spmem:s3] =	stream.indirect.scatter.add.f32 [tilespmem:s9], [sflag:$0x1], $0x1, s13, s14, $0xb8;
	[tilespmem:$0x2100] =	vst v63  }
0xd3: {  	_ = 	snop  }
0xd4: {  	[spmem:s3] =	stream.indirect.scatter.add.f32 [tilespmem:s9], [sflag:$0x1], $0x1, s15, s14, $0xb8;
	[tilespmem:$0x2100] =	vst v63  }
0xd5: {  	_ = 	snop  }
0xd6: {  	[spmem:s3] =	stream.indirect.scatter.add.f32 [tilespmem:s9], [sflag:$0x1], $0x1, s16, s14, $0xb8;
	[tilespmem:$0x2100] =	vst v63  }
0xd7: {  	_ = 	snop  }
0xd8: {  	[spmem:s3] =	stream.indirect.scatter.add.f32 [tilespmem:s9], [sflag:$0x1], $0x1, s17, s14, $0xb8;
	[tilespmem:$0x2100] =	vst v63  }
0xd9: {  	_ = 	snop  }
0xda: {  	[spmem:s3] =	stream.indirect.scatter.add.f32 [tilespmem:s9], [sflag:$0x1], $0x1, s18, s14, $0xb8;
	[tilespmem:$0x2100] =	vst v63  }
0xdb: {  	_ = 	snop  }
0xdc: {  	[spmem:s3] =	stream.indirect.scatter.add.f32 [tilespmem:s9], [sflag:$0x1], $0x1, s19, s14, $0xb8;
	[tilespmem:$0x2100] =	vst v63  }
0xdd: {  	_ = 	snop  }
0xde: {  	[spmem:s3] =	stream.indirect.scatter.add.f32 [tilespmem:s9], [sflag:$0x1], $0x1, s20, s14, $0xb8;
	[tilespmem:$0x2100] =	vst v63  }
0xdf: {  	_ = 	snop  }
0xe0: {  	[spmem:s3] =	stream.indirect.scatter.add.f32 [tilespmem:s9], [sflag:$0x1], $0x1, s21, s14, $0xb8;
	[tilespmem:$0x2100] =	vst v63  }
0xe1: {  	s2 =	sadd.s32 $0x80, s2  }
0xe2: {  	[tilespmem:s22], [sflag:$0x3] =	stream.linear.gather [hbm4b:s2+s4], $0x400, $0x38;
	[tilespmem:$0x2100] =	vst v63  }
0xe3: {  	_ =	swait.ge [sflag:s10], $0x400  }
0xe4: {  	[sflag:s10] =	ssyncset.done $0x0  }
0xe5: {  	[sflag:s10] =	ssyncadd.s32 $0xFFFFFC00  }
0xe6: {  	[spmem:s3] =	stream.indirect.scatter.add.f32 [tilespmem:s9], [sflag:$0x2], $0x1, s22, s14, $0xb8;
	[tilespmem:$0x2100] =	vst v63  }
0xe7: {  	_ = 	snop  }
0xe8: {  	[spmem:s3] =	stream.indirect.scatter.add.f32 [tilespmem:s9], [sflag:$0x2], $0x1, s23, s14, $0xb8;
	[tilespmem:$0x2100] =	vst v63  }
0xe9: {  	_ = 	snop  }
0xea: {  	[spmem:s3] =	stream.indirect.scatter.add.f32 [tilespmem:s9], [sflag:$0x2], $0x1, s24, s14, $0xb8;
	[tilespmem:$0x2100] =	vst v63  }
0xeb: {  	_ = 	snop  }
0xec: {  	[spmem:s3] =	stream.indirect.scatter.add.f32 [tilespmem:s9], [sflag:$0x2], $0x1, s25, s14, $0xb8;
	[tilespmem:$0x2100] =	vst v63  }
0xed: {  	_ = 	snop  }
0xee: {  	[spmem:s3] =	stream.indirect.scatter.add.f32 [tilespmem:s9], [sflag:$0x2], $0x1, s26, s14, $0xb8;
	[tilespmem:$0x2100] =	vst v63  }
0xef: {  	_ = 	snop  }
0xf0: {  	[spmem:s3] =	stream.indirect.scatter.add.f32 [tilespmem:s9], [sflag:$0x2], $0x1, s28, s14, $0xb8;
	[tilespmem:$0x2100] =	vst v63  }
0xf1: {  	_ = 	snop  }
0xf2: {  	[spmem:s3] =	stream.indirect.scatter.add.f32 [tilespmem:s9], [sflag:$0x2], $0x1, s29, s14, $0xb8;
	[tilespmem:$0x2100] =	vst v63  }
0xf3: {  	_ = 	snop  }
0xf4: {  	[spmem:s3] =	stream.indirect.scatter.add.f32 [tilespmem:s9], [sflag:$0x2], $0x1, s30, s14, $0xb8;
	[tilespmem:$0x2100] =	vst v63  }
0xf5: {  	_ =	swait.ge [sflag:s31], $0x80  }
0xf6: {  	[sflag:s31] =	ssyncset.done $0x0  }
0xf7: {  	[sflag:s31] =	ssyncadd.s32 $0xFFFFFF80  }
0xf8: {  	_ =	swait.ge [sflag:s31], $0x80  }
0xf9: {  	[sflag:s31] =	ssyncset.done $0x0  }
0xfa: {  	[sflag:s31] =	ssyncadd.s32 $0xFFFFFF80  }
0xfb: {  	_ =	swait.ge [sflag:s31], $0x80  }
0xfc: {  	[sflag:s31] =	ssyncset.done $0x0  }
0xfd: {  	[sflag:s31] =	ssyncadd.s32 $0xFFFFFF80  }
0xfe: {  	_ =	swait.ge [sflag:s31], $0x80  }
0xff: {  	[sflag:s31] =	ssyncset.done $0x0  }
0x100: {  	[sflag:s31] =	ssyncadd.s32 $0xFFFFFF80  }
0x101: {  	_ =	swait.ge [sflag:s31], $0x80  }
0x102: {  	[sflag:s31] =	ssyncset.done $0x0  }
0x103: {  	[sflag:s31] =	ssyncadd.s32 $0xFFFFFF80  }
0x104: {  	_ =	swait.ge [sflag:s31], $0x80  }
0x105: {  	[sflag:s31] =	ssyncset.done $0x0  }
0x106: {  	[sflag:s31] =	ssyncadd.s32 $0xFFFFFF80  }
0x107: {  	_ =	swait.ge [sflag:s31], $0x80  }
0x108: {  	[sflag:s31] =	ssyncset.done $0x0  }
0x109: {  	[sflag:s31] =	ssyncadd.s32 $0xFFFFFF80  }
0x10a: {  	_ =	swait.ge [sflag:s31], $0x80  }
0x10b: {  	[sflag:s31] =	ssyncset.done $0x0  }
0x10c: {  	[sflag:s31] =	ssyncadd.s32 $0xFFFFFF80  }
0x10d: {  	_ =	swait.ge [sflag:s0], $0x80  }
0x10e: {  	[sflag:s0] =	ssyncset.done $0x0  }
0x10f: {  	[sflag:s0] =	ssyncadd.s32 $0xFFFFFF80  }
0x110: {  	_ =	swait.ge [sflag:s0], $0x80  }
0x111: {  	[sflag:s0] =	ssyncset.done $0x0  }
0x112: {  	[sflag:s0] =	ssyncadd.s32 $0xFFFFFF80  }
0x113: {  	_ =	swait.ge [sflag:s0], $0x80  }
0x114: {  	[sflag:s0] =	ssyncset.done $0x0  }
0x115: {  	[sflag:s0] =	ssyncadd.s32 $0xFFFFFF80  }
0x116: {  	_ =	swait.ge [sflag:s0], $0x80  }
0x117: {  	[sflag:s0] =	ssyncset.done $0x0  }
0x118: {  	[sflag:s0] =	ssyncadd.s32 $0xFFFFFF80  }
0x119: {  	_ =	swait.ge [sflag:s0], $0x80  }
0x11a: {  	[sflag:s0] =	ssyncset.done $0x0  }
0x11b: {  	[sflag:s0] =	ssyncadd.s32 $0xFFFFFF80  }
0x11c: {  	_ =	swait.ge [sflag:s0], $0x80  }
0x11d: {  	[sflag:s0] =	ssyncset.done $0x0  }
0x11e: {  	[sflag:s0] =	ssyncadd.s32 $0xFFFFFF80  }
0x11f: {  	_ =	swait.ge [sflag:s0], $0x80  }
0x120: {  	[sflag:s0] =	ssyncset.done $0x0  }
0x121: {  	[sflag:s0] =	ssyncadd.s32 $0xFFFFFF80  }
0x122: {  	_ =	swait.ge [sflag:s0], $0x80  }
0x123: {  	[sflag:s0] =	ssyncset.done $0x0  }
0x124: {  	[sflag:s0] =	ssyncadd.s32 $0xFFFFFF80  }
0x125: {  	[bflag:$0x0] =	sbarrier.arrive $0xFFFF  }
0x126: {  	s6 =	rddreg [dreg:$0x5]  }
0x127: {  	[hbm:s6], [sflag:s11] =	dma.local [spmem:s12], $0x310  }
0x128: {  	_ =	swait.ge [sflag:s10], $0x310  }
0x129: {  	s1 =	sadd.s32 $0x1, s1;
	s7 =	rddreg [dreg:$0x6]  }
0x12a: {  	p0 =	sne.s32 s1, s7  }
.Ltmp1:
0x12b: {  	_ = 	snop;
	(pc) =	sbr.rel @p0 .LBB2_1-.Ltmp1, $3  }
0x12c: {  	_ =	sdelay $0x1  }
0x12d: {  	[sflag:s10] =	ssyncset.done $0x0  }
0x12e: {  	[sflag:s10] =	ssyncadd.s32 $0xFFFFFCF0  }
0x12f: {  	_ =	sfence.sel $0x180000  }
0x130: {  	[bflag:$0x0] =	sbarrier.arrive $0xFFFF  }
0x131: {  	_ =	strace $0x90000047  }
0x132: {  	s0 =	stileid.u32;
	[bflag:$0x2] =	sbarrier.arrive $0xFFFF  }
0x133: {  	p0 =	sne.s32 s0, $0x0;
	s0 =	rddreg [dreg:$0x3]  }
0x134: {  	s0 =	sadd.s32 @!p0 $0x100000, s0  }
0x135: {  	[sflag:s0] =	ssyncadd.tile.s32 @!p0 $0x1;
	_ =	shalt  }
.Lfunc_end2:
_tile_overlayer_lowered:
.L_overlay_start_2:
0x136: {  	(tag) =	ssettag $0x2  }
0x137: {  	s0 =	rddreg [dreg:$0x0];
	s2 =	stileid.u32  }
0x138: {  	s1 =	rddreg [dreg:$0x1];
	p0 =	sne.s32 s2, $0x0  }
0x139: {  	s3 =	rddreg [dreg:$0x2];
	[bflag:$0x3] =	sbarrier.arrive $0xFFFF;
	s2 =	simm.s32 @!p0 $0x1C03  }
0x13a: {  	[timem:s3], [sflag:s2] =	dma.local @!p0 [hbm:s0], s1  }
0x13b: {  	s0 =	simm.s32 @!p0 $0x3  }
0x13c: {  	_ =	swait.ge @!p0 [sflag:s0], s1  }
0x13d: {  	s1 =	ssub.s32 @!p0 $0x0, s1;
	[sflag:s0] =	ssyncset.done @!p0 $0x0  }
0x13e: {  	[sflag:s0] =	ssyncadd.s32 @!p0 s1  }
0x13f: {  	[bflag:$0x3] =	sbarrier.arrive $0xFFFF  }
0x140: {  	_ =	shalt  }

</sc_bundles>
